<compile_context>
chip_gen: v7x
topology: tpu7x:2x2x1
jax: 0.10.2.dev20260603
libtpu: 0.0.44.dev20260713+nightly
codegen_flags: <defaults>
</compile_context>

<pallas_src>
import functools
import jax
import jax.numpy as jnp
from jax import lax
from jax.experimental import pallas as pl
from jax.experimental.pallas import tpu as pltpu
from jax.experimental.pallas import tpu_sc as plsc


def _emb_lookup(idx_flat, table, *, n_per_w, chunk, nc):
    N = idx_flat.shape[0]
    D = table.shape[1]
    n_chunks = n_per_w // chunk
    chunk_o = chunk * D // 128

    mesh = plsc.VectorSubcoreMesh(core_axis_name="c", subcore_axis_name="s")

    @functools.partial(
        pl.kernel,
        out_type=jax.ShapeDtypeStruct((N * D // 128, 128), jnp.float32),
        mesh=mesh,
        compiler_params=pltpu.CompilerParams(use_tc_tiling_on_sc=False),
        scratch_types=[
            pltpu.VMEM((2, chunk), jnp.int32),
            pltpu.VMEM((2, chunk, D), jnp.float32),
            pltpu.VMEM((2, chunk_o, 128), jnp.float32),
            pltpu.SemaphoreType.DMA((2,)),
            pltpu.SemaphoreType.DMA((2,)),
            pltpu.SemaphoreType.DMA((2,)),
        ],
    )
    def emb(idx_hbm, tab_hbm, out_hbm, idx_v, rows_v, out_v,
            sem_i, sem_g, sem_o):
        wid = lax.axis_index("s") * nc + lax.axis_index("c")
        base = wid * n_per_w
        obase = wid * (n_per_w * D // 128)

        def idx_copy(i, b):
            return pltpu.make_async_copy(
                idx_hbm.at[pl.ds(base + i * chunk, chunk)],
                idx_v.at[b],
                sem_i.at[b],
            )

        def gather(b):
            return pltpu.make_async_copy(
                tab_hbm.at[idx_v.at[b]],
                rows_v.at[b],
                sem_g.at[b],
            )

        def out_copy(i, b):
            return pltpu.make_async_copy(
                out_v.at[b],
                out_hbm.at[pl.ds(obase + i * chunk_o, chunk_o)],
                sem_o.at[b],
            )

        def repack(b):
            def step(g2, carry):
                r0 = g2 * 16
                l0 = g2 * 4
                for k in range(16):
                    lo = rows_v[b, r0 + k, pl.ds(0, 16)]
                    hi = rows_v[b, r0 + k, pl.ds(16, 16)]
                    out_v[b, l0 + k // 4, pl.ds((k % 4) * 32, 16)] = lo
                    out_v[b, l0 + k // 4, pl.ds((k % 4) * 32 + 16, 16)] = hi
                return carry

            lax.fori_loop(0, chunk // 16, step, 0)

        idx_copy(0, 0).start()
        idx_copy(1, 1).start()
        idx_copy(0, 0).wait()
        gather(0).start()

        def body(g, carry):
            for b in range(2):
                i = 2 * g + b
                nb = 1 - b
                gather(b).wait()

                @pl.when(i + 1 < n_chunks)
                def _():
                    idx_copy(i + 1, nb).wait()
                    gather(nb).start()

                @pl.when(g > 0)
                def _():
                    out_copy(0, b).wait()

                repack(b)

                @pl.when(i + 2 < n_chunks)
                def _():
                    idx_copy(i + 2, b).start()

                out_copy(i, b).start()
            return carry

        lax.fori_loop(0, n_chunks // 2, body, 0)
        out_copy(0, 0).wait()
        out_copy(0, 1).wait()

    return emb(idx_flat, table)


def kernel(indices, table):
    B, S = indices.shape
    D = table.shape[1]

    info = plsc.get_sparse_core_info()
    nc, ns = info.num_cores, info.num_subcores
    nw = nc * ns

    B_a = (B * 3) // 4
    Na = B_a * S
    idx_a = indices[:B_a].astype(jnp.int32).reshape(Na)
    out_a = _emb_lookup(
        idx_a, table, n_per_w=Na // nw, chunk=640, nc=nc
    ).reshape(B_a, S, D)
    out_b = jnp.take(table, indices[B_a:], axis=0)
    return jnp.concatenate([out_a, out_b], axis=0)

# --- scband reference (transcript-rebuilt; emitter-appended) ---
"""Pipeline reference for scband-text-rcnn-37185826849430 (READ-ONLY COPY).

The authoritative reference and input builder live on the scoring server;
editing this copy changes nothing except your own understanding.
"""

import jax, jax.numpy as jnp
import numpy as np

VOCAB_SIZE = 1000000
EMBEDDING_DIM = 32

def setup_inputs(seed: int = 0) -> dict:
    key = jax.random.key(seed)
    k_idx, k_tab = jax.random.split(key)
    indices = jax.random.randint(k_idx, (4096, 200), 0, VOCAB_SIZE, dtype=jnp.int64 if jax.config.read('jax_enable_x64') else jnp.int32)
    table = jax.random.normal(k_tab, (VOCAB_SIZE + 1, EMBEDDING_DIM), dtype=jnp.float32) * 0.02
    return {"indices": indices, "table": table}

def reference(indices, table):
    # tf.keras.layers.Embedding(VOCAB_SIZE + 1, EMBEDDING_DIM, mask_zero=True)
    # mask_zero only produces a keras mask; the embedding output itself is a plain gather.
    out = jnp.take(table, indices, axis=0)
    return out

if __name__ == "__main__":
    import jax
    _d = setup_inputs()
    print(jax.jit(kernel)(*tuple(_d.values())))

</pallas_src>

<mosaic_0001>
#map = affine_map<(d0, d1) -> (0)>
#map1 = affine_map<(d0, d1) -> (0, 0)>
module attributes {stable_mosaic.version = 14 : i64} {
  func.func @emb(%arg0: i32, %arg1: i32, %arg2: memref<614400xi32, #tpu.memory_space<hbm>>, %arg3: memref<1000001x32xf32, #tpu.memory_space<hbm>>, %arg4: memref<153600x128xf32, #tpu.memory_space<hbm>>, %arg5: memref<2x640xi32, #tpu.memory_space<vmem>>, %arg6: memref<2x640x32xf32, #tpu.memory_space<vmem>>, %arg7: memref<2x160x128xf32, #tpu.memory_space<vmem>>, %arg8: memref<2x!tpu.dma_semaphore, #tpu.memory_space<semaphore_mem>>, %arg9: memref<2x!tpu.dma_semaphore, #tpu.memory_space<semaphore_mem>>, %arg10: memref<2x!tpu.dma_semaphore, #tpu.memory_space<semaphore_mem>>) attributes {dimension_semantics = [#tpu.dimension_semantics<core_parallel>, #tpu.dimension_semantics<subcore_parallel>], iteration_bounds = array<i64: 2, 16>, scalar_prefetch = 0 : i64, scratch_operands = 6 : i64, tpu.core_type = #tpu.core_type<sc_vector_subcore>, window_params = [{transform_indices = #map}, {transform_indices = #map1}, {transform_indices = #map1}]} {
    %mul3A = arith.constant 2 : i32
    %mul3A_0 = arith.muli %arg1, %mul3A : i32
    %add3A = arith.addi %mul3A_0, %arg0 : i32
    %mul3A_1 = arith.constant 19200 : i32
    %mul3A_2 = arith.muli %add3A, %mul3A_1 : i32
    %mul3A_3 = arith.constant 4800 : i32
    %mul3A_4 = arith.muli %add3A, %mul3A_3 : i32
    %add3A_5 = arith.constant 0 : i32
    %add3A_6 = arith.addi %mul3A_2, %add3A_5 : i32
    %dma_start3A = arith.constant 0 : i32
    %dma_start3A_7 = arith.constant 0 : i32
    %dma_start3A_8 = arith.constant 0 : i32
    %dma_start3A_9 = tpu.memref_slice %arg5[%dma_start3A, %dma_start3A_8] : memref<2x640xi32, #tpu.memory_space<vmem>> -> memref<1x640xi32, #tpu.memory_space<vmem>>
    %dma_start3A_10 = tpu.memref_squeeze %dma_start3A_9 : memref<1x640xi32, #tpu.memory_space<vmem>> -> memref<640xi32, #tpu.memory_space<vmem>>
    %dma_start3A_11 = tpu.memref_slice %arg2[%add3A_6] : memref<614400xi32, #tpu.memory_space<hbm>> -> memref<640xi32, #tpu.memory_space<hbm>>
    %dma_start3A_12 = tpu.memref_slice %arg8[%dma_start3A_7] : memref<2x!tpu.dma_semaphore, #tpu.memory_space<semaphore_mem>> -> memref<1x!tpu.dma_semaphore, #tpu.memory_space<semaphore_mem>>
    %dma_start3A_13 = tpu.memref_squeeze %dma_start3A_12 : memref<1x!tpu.dma_semaphore, #tpu.memory_space<semaphore_mem>> -> memref<!tpu.dma_semaphore, #tpu.memory_space<semaphore_mem>>
    %dma_start3A_14 = arith.constant 0 : i32
    %dma_start3A_15 = tpu.memref_slice %arg5[%dma_start3A, %dma_start3A_14] : memref<2x640xi32, #tpu.memory_space<vmem>> -> memref<1x640xi32, #tpu.memory_space<vmem>>
    %dma_start3A_16 = tpu.memref_squeeze %dma_start3A_15 : memref<1x640xi32, #tpu.memory_space<vmem>> -> memref<640xi32, #tpu.memory_space<vmem>>
    %dma_start3A_17 = tpu.memref_slice %arg2[%add3A_6] : memref<614400xi32, #tpu.memory_space<hbm>> -> memref<640xi32, #tpu.memory_space<hbm>>
    tpu.enqueue_dma source(%dma_start3A_17 : memref<640xi32, #tpu.memory_space<hbm>>) target(%dma_start3A_16 : memref<640xi32, #tpu.memory_space<vmem>>) target_semaphore(%dma_start3A_13 : memref<!tpu.dma_semaphore, #tpu.memory_space<semaphore_mem>>)
    %add3A_18 = arith.constant 640 : i32
    %add3A_19 = arith.addi %mul3A_2, %add3A_18 : i32
    %dma_start3A_20 = arith.constant 1 : i32
    %dma_start3A_21 = arith.constant 1 : i32
    %dma_start3A_22 = arith.constant 0 : i32
    %dma_start3A_23 = tpu.memref_slice %arg5[%dma_start3A_20, %dma_start3A_22] : memref<2x640xi32, #tpu.memory_space<vmem>> -> memref<1x640xi32, #tpu.memory_space<vmem>>
    %dma_start3A_24 = tpu.memref_squeeze %dma_start3A_23 : memref<1x640xi32, #tpu.memory_space<vmem>> -> memref<640xi32, #tpu.memory_space<vmem>>
    %dma_start3A_25 = tpu.memref_slice %arg2[%add3A_19] : memref<614400xi32, #tpu.memory_space<hbm>> -> memref<640xi32, #tpu.memory_space<hbm>>
    %dma_start3A_26 = tpu.memref_slice %arg8[%dma_start3A_21] : memref<2x!tpu.dma_semaphore, #tpu.memory_space<semaphore_mem>> -> memref<1x!tpu.dma_semaphore, #tpu.memory_space<semaphore_mem>>
    %dma_start3A_27 = tpu.memref_squeeze %dma_start3A_26 : memref<1x!tpu.dma_semaphore, #tpu.memory_space<semaphore_mem>> -> memref<!tpu.dma_semaphore, #tpu.memory_space<semaphore_mem>>
    %dma_start3A_28 = arith.constant 0 : i32
    %dma_start3A_29 = tpu.memref_slice %arg5[%dma_start3A_20, %dma_start3A_28] : memref<2x640xi32, #tpu.memory_space<vmem>> -> memref<1x640xi32, #tpu.memory_space<vmem>>
    %dma_start3A_30 = tpu.memref_squeeze %dma_start3A_29 : memref<1x640xi32, #tpu.memory_space<vmem>> -> memref<640xi32, #tpu.memory_space<vmem>>
    %dma_start3A_31 = tpu.memref_slice %arg2[%add3A_19] : memref<614400xi32, #tpu.memory_space<hbm>> -> memref<640xi32, #tpu.memory_space<hbm>>
    tpu.enqueue_dma source(%dma_start3A_31 : memref<640xi32, #tpu.memory_space<hbm>>) target(%dma_start3A_30 : memref<640xi32, #tpu.memory_space<vmem>>) target_semaphore(%dma_start3A_27 : memref<!tpu.dma_semaphore, #tpu.memory_space<semaphore_mem>>)
    %add3A_32 = arith.constant 0 : i32
    %add3A_33 = arith.addi %mul3A_2, %add3A_32 : i32
    %dma_wait3A = arith.constant 0 : i32
    %dma_wait3A_34 = arith.constant 0 : i32
    %dma_wait3A_35 = arith.constant 0 : i32
    %dma_wait3A_36 = tpu.memref_slice %arg5[%dma_wait3A, %dma_wait3A_35] : memref<2x640xi32, #tpu.memory_space<vmem>> -> memref<1x640xi32, #tpu.memory_space<vmem>>
    %dma_wait3A_37 = tpu.memref_squeeze %dma_wait3A_36 : memref<1x640xi32, #tpu.memory_space<vmem>> -> memref<640xi32, #tpu.memory_space<vmem>>
    %dma_wait3A_38 = tpu.memref_slice %arg2[%add3A_33] : memref<614400xi32, #tpu.memory_space<hbm>> -> memref<640xi32, #tpu.memory_space<hbm>>
    %dma_wait3A_39 = tpu.memref_slice %arg8[%dma_wait3A_34] : memref<2x!tpu.dma_semaphore, #tpu.memory_space<semaphore_mem>> -> memref<1x!tpu.dma_semaphore, #tpu.memory_space<semaphore_mem>>
    %dma_wait3A_40 = tpu.memref_squeeze %dma_wait3A_39 : memref<1x!tpu.dma_semaphore, #tpu.memory_space<semaphore_mem>> -> memref<!tpu.dma_semaphore, #tpu.memory_space<semaphore_mem>>
    %dma_wait3A_41 = arith.constant 0 : i32
    %dma_wait3A_42 = tpu.memref_slice %arg5[%dma_wait3A, %dma_wait3A_41] : memref<2x640xi32, #tpu.memory_space<vmem>> -> memref<1x640xi32, #tpu.memory_space<vmem>>
    %dma_wait3A_43 = tpu.memref_squeeze %dma_wait3A_42 : memref<1x640xi32, #tpu.memory_space<vmem>> -> memref<640xi32, #tpu.memory_space<vmem>>
    %dma_wait3A_44 = tpu.memref_slice %arg2[%add3A_33] : memref<614400xi32, #tpu.memory_space<hbm>> -> memref<640xi32, #tpu.memory_space<hbm>>
    tpu.wait_dma2 semaphore(%dma_wait3A_40 : memref<!tpu.dma_semaphore, #tpu.memory_space<semaphore_mem>>) src(%dma_wait3A_44 : memref<640xi32, #tpu.memory_space<hbm>>) dst(%dma_wait3A_43 : memref<640xi32, #tpu.memory_space<vmem>>)
    %dma_start3A_45 = arith.constant 0 : i32
    %dma_start3A_46 = arith.constant 0 : i32
    %dma_start3A_47 = arith.constant 0 : i32
    %dma_start3A_48 = arith.constant 0 : i32
    %dma_start3A_49 = arith.constant 0 : i32
    %dma_start3A_50 = tpu.memref_slice %arg6[%dma_start3A_46, %dma_start3A_48, %dma_start3A_49] : memref<2x640x32xf32, #tpu.memory_space<vmem>> -> memref<1x640x32xf32, #tpu.memory_space<vmem>>
    %dma_start3A_51 = tpu.memref_squeeze %dma_start3A_50 : memref<1x640x32xf32, #tpu.memory_space<vmem>> -> memref<640x32xf32, #tpu.memory_space<vmem>>
    %dma_start3A_52 = arith.constant 0 : i32
    %dma_start3A_53 = tpu.memref_slice %arg5[%dma_start3A_45, %dma_start3A_52] : memref<2x640xi32, #tpu.memory_space<vmem>> -> memref<1x640xi32, #tpu.memory_space<vmem>>
    %dma_start3A_54 = tpu.memref_squeeze %dma_start3A_53 : memref<1x640xi32, #tpu.memory_space<vmem>> -> memref<640xi32, #tpu.memory_space<vmem>>
    %dma_start3A_55 = arith.constant 0 : i32
    %dma_start3A_56 = arith.constant 0 : i32
    %dma_start3A_57 = tpu.memref_slice %arg3[%dma_start3A_55, %dma_start3A_56] : memref<1000001x32xf32, #tpu.memory_space<hbm>> -> memref<1000001x32xf32, #tpu.memory_space<hbm>>
    %dma_start3A_58 = tpu.memref_slice %arg9[%dma_start3A_47] : memref<2x!tpu.dma_semaphore, #tpu.memory_space<semaphore_mem>> -> memref<1x!tpu.dma_semaphore, #tpu.memory_space<semaphore_mem>>
    %dma_start3A_59 = tpu.memref_squeeze %dma_start3A_58 : memref<1x!tpu.dma_semaphore, #tpu.memory_space<semaphore_mem>> -> memref<!tpu.dma_semaphore, #tpu.memory_space<semaphore_mem>>
    tpu.enqueue_indirect_dma source(%dma_start3A_57 : memref<1000001x32xf32, #tpu.memory_space<hbm>>) target(%dma_start3A_51 : memref<640x32xf32, #tpu.memory_space<vmem>>) offsets(%dma_start3A_54 : memref<640xi32, #tpu.memory_space<vmem>>) semaphore(%dma_start3A_59 : memref<!tpu.dma_semaphore, #tpu.memory_space<semaphore_mem>>)
    %scan3A = arith.constant 0 : i32
    %scan3A_60 = arith.constant 0 : i32
    %scan3A_61 = arith.constant 15 : i32
    %scan3A_62 = arith.addi %scan3A_60, %scan3A_61 : i32
    %scan3A_63 = arith.constant 1 : i32
    scf.for %scan3A_101 = %scan3A_60 to %scan3A_62 step %scan3A_63  : i32 {
      %mul3A_102 = arith.constant 2 : i32
      %mul3A_103 = arith.muli %mul3A_102, %scan3A_101 : i32
      %add3A_104 = arith.constant 0 : i32
      %add3A_105 = arith.addi %mul3A_103, %add3A_104 : i32
      %dma_wait3A_106 = arith.constant 0 : i32
      %dma_wait3A_107 = arith.constant 0 : i32
      %dma_wait3A_108 = arith.constant 0 : i32
      %dma_wait3A_109 = arith.constant 0 : i32
      %dma_wait3A_110 = arith.constant 0 : i32
      %dma_wait3A_111 = tpu.memref_slice %arg6[%dma_wait3A_107, %dma_wait3A_109, %dma_wait3A_110] : memref<2x640x32xf32, #tpu.memory_space<vmem>> -> memref<1x640x32xf32, #tpu.memory_space<vmem>>
      %dma_wait3A_112 = tpu.memref_squeeze %dma_wait3A_111 : memref<1x640x32xf32, #tpu.memory_space<vmem>> -> memref<640x32xf32, #tpu.memory_space<vmem>>
      %dma_wait3A_113 = arith.constant 0 : i32
      %dma_wait3A_114 = tpu.memref_slice %arg5[%dma_wait3A_106, %dma_wait3A_113] : memref<2x640xi32, #tpu.memory_space<vmem>> -> memref<1x640xi32, #tpu.memory_space<vmem>>
      %dma_wait3A_115 = tpu.memref_squeeze %dma_wait3A_114 : memref<1x640xi32, #tpu.memory_space<vmem>> -> memref<640xi32, #tpu.memory_space<vmem>>
      %dma_wait3A_116 = arith.constant 0 : i32
      %dma_wait3A_117 = arith.constant 0 : i32
      %dma_wait3A_118 = tpu.memref_slice %arg3[%dma_wait3A_116, %dma_wait3A_117] : memref<1000001x32xf32, #tpu.memory_space<hbm>> -> memref<1000001x32xf32, #tpu.memory_space<hbm>>
      %dma_wait3A_119 = tpu.memref_slice %arg9[%dma_wait3A_108] : memref<2x!tpu.dma_semaphore, #tpu.memory_space<semaphore_mem>> -> memref<1x!tpu.dma_semaphore, #tpu.memory_space<semaphore_mem>>
      %dma_wait3A_120 = tpu.memref_squeeze %dma_wait3A_119 : memref<1x!tpu.dma_semaphore, #tpu.memory_space<semaphore_mem>> -> memref<!tpu.dma_semaphore, #tpu.memory_space<semaphore_mem>>
      tpu.wait_indirect_dma semaphore(%dma_wait3A_120 : memref<!tpu.dma_semaphore, #tpu.memory_space<semaphore_mem>>) src(%dma_wait3A_118 : memref<1000001x32xf32, #tpu.memory_space<hbm>>) dst(%dma_wait3A_112 : memref<640x32xf32, #tpu.memory_space<vmem>>)
      %add3A_121 = arith.constant 1 : i32
      %add3A_122 = arith.addi %add3A_105, %add3A_121 : i32
      %lt3A = arith.constant 30 : i32
      %lt3A_123 = arith.cmpi slt, %add3A_122, %lt3A : i32
      %convert_element_type3A = arith.extui %lt3A_123 : i1 to i32
      %cond3A = arith.constant 0 : i32
      %cond3A_124 = arith.cmpi ne, %convert_element_type3A, %cond3A : i32
      scf.if %cond3A_124 {
        %add3A_224 = arith.constant 1 : i32
        %add3A_225 = arith.addi %add3A_105, %add3A_224 : i32
        %mul3A_226 = arith.constant 640 : i32
        %mul3A_227 = arith.muli %add3A_225, %mul3A_226 : i32
        %add3A_228 = arith.addi %mul3A_2, %mul3A_227 : i32
        %dma_wait3A_229 = arith.constant 1 : i32
        %dma_wait3A_230 = arith.constant 1 : i32
        %dma_wait3A_231 = arith.constant 0 : i32
        %dma_wait3A_232 = tpu.memref_slice %arg5[%dma_wait3A_229, %dma_wait3A_231] : memref<2x640xi32, #tpu.memory_space<vmem>> -> memref<1x640xi32, #tpu.memory_space<vmem>>
        %dma_wait3A_233 = tpu.memref_squeeze %dma_wait3A_232 : memref<1x640xi32, #tpu.memory_space<vmem>> -> memref<640xi32, #tpu.memory_space<vmem>>
        %dma_wait3A_234 = tpu.memref_slice %arg2[%add3A_228] : memref<614400xi32, #tpu.memory_space<hbm>> -> memref<640xi32, #tpu.memory_space<hbm>>
        %dma_wait3A_235 = tpu.memref_slice %arg8[%dma_wait3A_230] : memref<2x!tpu.dma_semaphore, #tpu.memory_space<semaphore_mem>> -> memref<1x!tpu.dma_semaphore, #tpu.memory_space<semaphore_mem>>
        %dma_wait3A_236 = tpu.memref_squeeze %dma_wait3A_235 : memref<1x!tpu.dma_semaphore, #tpu.memory_space<semaphore_mem>> -> memref<!tpu.dma_semaphore, #tpu.memory_space<semaphore_mem>>
        %dma_wait3A_237 = arith.constant 0 : i32
        %dma_wait3A_238 = tpu.memref_slice %arg5[%dma_wait3A_229, %dma_wait3A_237] : memref<2x640xi32, #tpu.memory_space<vmem>> -> memref<1x640xi32, #tpu.memory_space<vmem>>
        %dma_wait3A_239 = tpu.memref_squeeze %dma_wait3A_238 : memref<1x640xi32, #tpu.memory_space<vmem>> -> memref<640xi32, #tpu.memory_space<vmem>>
        %dma_wait3A_240 = tpu.memref_slice %arg2[%add3A_228] : memref<614400xi32, #tpu.memory_space<hbm>> -> memref<640xi32, #tpu.memory_space<hbm>>
        tpu.wait_dma2 semaphore(%dma_wait3A_236 : memref<!tpu.dma_semaphore, #tpu.memory_space<semaphore_mem>>) src(%dma_wait3A_240 : memref<640xi32, #tpu.memory_space<hbm>>) dst(%dma_wait3A_239 : memref<640xi32, #tpu.memory_space<vmem>>)
        %dma_start3A_241 = arith.constant 1 : i32
        %dma_start3A_242 = arith.constant 1 : i32
        %dma_start3A_243 = arith.constant 1 : i32
        %dma_start3A_244 = arith.constant 0 : i32
        %dma_start3A_245 = arith.constant 0 : i32
        %dma_start3A_246 = tpu.memref_slice %arg6[%dma_start3A_242, %dma_start3A_244, %dma_start3A_245] : memref<2x640x32xf32, #tpu.memory_space<vmem>> -> memref<1x640x32xf32, #tpu.memory_space<vmem>>
        %dma_start3A_247 = tpu.memref_squeeze %dma_start3A_246 : memref<1x640x32xf32, #tpu.memory_space<vmem>> -> memref<640x32xf32, #tpu.memory_space<vmem>>
        %dma_start3A_248 = arith.constant 0 : i32
        %dma_start3A_249 = tpu.memref_slice %arg5[%dma_start3A_241, %dma_start3A_248] : memref<2x640xi32, #tpu.memory_space<vmem>> -> memref<1x640xi32, #tpu.memory_space<vmem>>
        %dma_start3A_250 = tpu.memref_squeeze %dma_start3A_249 : memref<1x640xi32, #tpu.memory_space<vmem>> -> memref<640xi32, #tpu.memory_space<vmem>>
        %dma_start3A_251 = arith.constant 0 : i32
        %dma_start3A_252 = arith.constant 0 : i32
        %dma_start3A_253 = tpu.memref_slice %arg3[%dma_start3A_251, %dma_start3A_252] : memref<1000001x32xf32, #tpu.memory_space<hbm>> -> memref<1000001x32xf32, #tpu.memory_space<hbm>>
        %dma_start3A_254 = tpu.memref_slice %arg9[%dma_start3A_243] : memref<2x!tpu.dma_semaphore, #tpu.memory_space<semaphore_mem>> -> memref<1x!tpu.dma_semaphore, #tpu.memory_space<semaphore_mem>>
        %dma_start3A_255 = tpu.memref_squeeze %dma_start3A_254 : memref<1x!tpu.dma_semaphore, #tpu.memory_space<semaphore_mem>> -> memref<!tpu.dma_semaphore, #tpu.memory_space<semaphore_mem>>
        tpu.enqueue_indirect_dma source(%dma_start3A_253 : memref<1000001x32xf32, #tpu.memory_space<hbm>>) target(%dma_start3A_247 : memref<640x32xf32, #tpu.memory_space<vmem>>) offsets(%dma_start3A_250 : memref<640xi32, #tpu.memory_space<vmem>>) semaphore(%dma_start3A_255 : memref<!tpu.dma_semaphore, #tpu.memory_space<semaphore_mem>>)
      } else {
      }
      %gt3A = arith.constant 0 : i32
      %gt3A_125 = arith.cmpi sgt, %scan3A_101, %gt3A : i32
      %convert_element_type3A_126 = arith.extui %gt3A_125 : i1 to i32
      %cond3A_127 = arith.constant 0 : i32
      %cond3A_128 = arith.cmpi ne, %convert_element_type3A_126, %cond3A_127 : i32
      scf.if %cond3A_128 {
        %add3A_224 = arith.constant 0 : i32
        %add3A_225 = arith.addi %mul3A_4, %add3A_224 : i32
        %dma_wait3A_226 = arith.constant 0 : i32
        %dma_wait3A_227 = arith.constant 0 : i32
        %dma_wait3A_228 = arith.constant 0 : i32
        %dma_wait3A_229 = arith.constant 0 : i32
        %dma_wait3A_230 = tpu.memref_slice %arg7[%dma_wait3A_226, %dma_wait3A_228, %dma_wait3A_229] : memref<2x160x128xf32, #tpu.memory_space<vmem>> -> memref<1x160x128xf32, #tpu.memory_space<vmem>>
        %dma_wait3A_231 = tpu.memref_squeeze %dma_wait3A_230 : memref<1x160x128xf32, #tpu.memory_space<vmem>> -> memref<160x128xf32, #tpu.memory_space<vmem>>
        %dma_wait3A_232 = arith.constant 0 : i32
        %dma_wait3A_233 = tpu.memref_slice %arg4[%add3A_225, %dma_wait3A_232] : memref<153600x128xf32, #tpu.memory_space<hbm>> -> memref<160x128xf32, #tpu.memory_space<hbm>>
        %dma_wait3A_234 = tpu.memref_slice %arg10[%dma_wait3A_227] : memref<2x!tpu.dma_semaphore, #tpu.memory_space<semaphore_mem>> -> memref<1x!tpu.dma_semaphore, #tpu.memory_space<semaphore_mem>>
        %dma_wait3A_235 = tpu.memref_squeeze %dma_wait3A_234 : memref<1x!tpu.dma_semaphore, #tpu.memory_space<semaphore_mem>> -> memref<!tpu.dma_semaphore, #tpu.memory_space<semaphore_mem>>
        %dma_wait3A_236 = arith.constant 0 : i32
        %dma_wait3A_237 = tpu.memref_slice %arg4[%add3A_225, %dma_wait3A_236] : memref<153600x128xf32, #tpu.memory_space<hbm>> -> memref<160x128xf32, #tpu.memory_space<hbm>>
        %dma_wait3A_238 = arith.constant 0 : i32
        %dma_wait3A_239 = arith.constant 0 : i32
        %dma_wait3A_240 = tpu.memref_slice %arg7[%dma_wait3A_226, %dma_wait3A_238, %dma_wait3A_239] : memref<2x160x128xf32, #tpu.memory_space<vmem>> -> memref<1x160x128xf32, #tpu.memory_space<vmem>>
        %dma_wait3A_241 = tpu.memref_squeeze %dma_wait3A_240 : memref<1x160x128xf32, #tpu.memory_space<vmem>> -> memref<160x128xf32, #tpu.memory_space<vmem>>
        tpu.wait_dma2 semaphore(%dma_wait3A_235 : memref<!tpu.dma_semaphore, #tpu.memory_space<semaphore_mem>>) src(%dma_wait3A_241 : memref<160x128xf32, #tpu.memory_space<vmem>>) dst(%dma_wait3A_237 : memref<160x128xf32, #tpu.memory_space<hbm>>)
      } else {
      }
      %scan3A_129 = arith.constant 0 : i32
      %scan3A_130 = arith.constant 0 : i32
      %scan3A_131 = arith.constant 40 : i32
      %scan3A_132 = arith.addi %scan3A_130, %scan3A_131 : i32
      %scan3A_133 = arith.constant 1 : i32
      scf.for %scan3A_224 = %scan3A_130 to %scan3A_132 step %scan3A_133  : i32 {
        %mul3A_225 = arith.constant 16 : i32
        %mul3A_226 = arith.muli %scan3A_224, %mul3A_225 : i32
        %mul3A_227 = arith.constant 4 : i32
        %mul3A_228 = arith.muli %scan3A_224, %mul3A_227 : i32
        %add3A_229 = arith.constant 0 : i32
        %add3A_230 = arith.addi %mul3A_226, %add3A_229 : i32
        %get3A = arith.constant 0 : i32
        %get3A_231 = arith.index_cast %get3A : i32 to index
        %get3A_232 = arith.index_cast %add3A_230 : i32 to index
        %get3A_233 = arith.constant 0 : index
        %get3A_234 = tpu.vector_load %arg6[%get3A_231, %get3A_232, %get3A_233] {strides = array<i32>} : memref<2x640x32xf32, #tpu.memory_space<vmem>>, vector<1x1x16xf32>,
        %get3A_235 = vector.shape_cast %get3A_234 : vector<1x1x16xf32> to vector<16xf32>
        %add3A_236 = arith.constant 0 : i32
        %add3A_237 = arith.addi %mul3A_226, %add3A_236 : i32
        %get3A_238 = arith.constant 0 : i32
        %get3A_239 = arith.index_cast %get3A_238 : i32 to index
        %get3A_240 = arith.index_cast %add3A_237 : i32 to index
        %get3A_241 = arith.constant 16 : index
        %get3A_242 = tpu.vector_load %arg6[%get3A_239, %get3A_240, %get3A_241] {strides = array<i32>} : memref<2x640x32xf32, #tpu.memory_space<vmem>>, vector<1x1x16xf32>,
        %get3A_243 = vector.shape_cast %get3A_242 : vector<1x1x16xf32> to vector<16xf32>
        %add3A_244 = arith.constant 0 : i32
        %add3A_245 = arith.addi %mul3A_228, %add3A_244 : i32
        %swap3A = arith.constant 0 : i32
        %swap3A_246 = arith.index_cast %swap3A : i32 to index
        %swap3A_247 = arith.index_cast %add3A_245 : i32 to index
        %swap3A_248 = arith.constant 0 : index
        %swap3A_249 = tpu.vector_load %arg7[%swap3A_246, %swap3A_247, %swap3A_248] {strides = array<i32>} : memref<2x160x128xf32, #tpu.memory_space<vmem>>, vector<1x1x16xf32>,
        %swap3A_250 = vector.shape_cast %swap3A_249 : vector<1x1x16xf32> to vector<16xf32>
        %swap3A_251 = vector.shape_cast %get3A_235 : vector<16xf32> to vector<1x1x16xf32>
        tpu.vector_store %arg7[%swap3A_246, %swap3A_247, %swap3A_248], %swap3A_251 {strides = array<i32>} : memref<2x160x128xf32, #tpu.memory_space<vmem>>, vector<1x1x16xf32>,
        %add3A_252 = arith.constant 0 : i32
        %add3A_253 = arith.addi %mul3A_228, %add3A_252 : i32
        %swap3A_254 = arith.constant 0 : i32
        %swap3A_255 = arith.index_cast %swap3A_254 : i32 to index
        %swap3A_256 = arith.index_cast %add3A_253 : i32 to index
        %swap3A_257 = arith.constant 16 : index
        %swap3A_258 = tpu.vector_load %arg7[%swap3A_255, %swap3A_256, %swap3A_257] {strides = array<i32>} : memref<2x160x128xf32, #tpu.memory_space<vmem>>, vector<1x1x16xf32>,
        %swap3A_259 = vector.shape_cast %swap3A_258 : vector<1x1x16xf32> to vector<16xf32>
        %swap3A_260 = vector.shape_cast %get3A_243 : vector<16xf32> to vector<1x1x16xf32>
        tpu.vector_store %arg7[%swap3A_255, %swap3A_256, %swap3A_257], %swap3A_260 {strides = array<i32>} : memref<2x160x128xf32, #tpu.memory_space<vmem>>, vector<1x1x16xf32>,
        %add3A_261 = arith.constant 1 : i32
        %add3A_262 = arith.addi %mul3A_226, %add3A_261 : i32
        %get3A_263 = arith.constant 0 : i32
        %get3A_264 = arith.index_cast %get3A_263 : i32 to index
        %get3A_265 = arith.index_cast %add3A_262 : i32 to index
        %get3A_266 = arith.constant 0 : index
        %get3A_267 = tpu.vector_load %arg6[%get3A_264, %get3A_265, %get3A_266] {strides = array<i32>} : memref<2x640x32xf32, #tpu.memory_space<vmem>>, vector<1x1x16xf32>,
        %get3A_268 = vector.shape_cast %get3A_267 : vector<1x1x16xf32> to vector<16xf32>
        %add3A_269 = arith.constant 1 : i32
        %add3A_270 = arith.addi %mul3A_226, %add3A_269 : i32
        %get3A_271 = arith.constant 0 : i32
        %get3A_272 = arith.index_cast %get3A_271 : i32 to index
        %get3A_273 = arith.index_cast %add3A_270 : i32 to index
        %get3A_274 = arith.constant 16 : index
        %get3A_275 = tpu.vector_load %arg6[%get3A_272, %get3A_273, %get3A_274] {strides = array<i32>} : memref<2x640x32xf32, #tpu.memory_space<vmem>>, vector<1x1x16xf32>,
        %get3A_276 = vector.shape_cast %get3A_275 : vector<1x1x16xf32> to vector<16xf32>
        %add3A_277 = arith.constant 0 : i32
        %add3A_278 = arith.addi %mul3A_228, %add3A_277 : i32
        %swap3A_279 = arith.constant 0 : i32
        %swap3A_280 = arith.index_cast %swap3A_279 : i32 to index
        %swap3A_281 = arith.index_cast %add3A_278 : i32 to index
        %swap3A_282 = arith.constant 32 : index
        %swap3A_283 = tpu.vector_load %arg7[%swap3A_280, %swap3A_281, %swap3A_282] {strides = array<i32>} : memref<2x160x128xf32, #tpu.memory_space<vmem>>, vector<1x1x16xf32>,
        %swap3A_284 = vector.shape_cast %swap3A_283 : vector<1x1x16xf32> to vector<16xf32>
        %swap3A_285 = vector.shape_cast %get3A_268 : vector<16xf32> to vector<1x1x16xf32>
        tpu.vector_store %arg7[%swap3A_280, %swap3A_281, %swap3A_282], %swap3A_285 {strides = array<i32>} : memref<2x160x128xf32, #tpu.memory_space<vmem>>, vector<1x1x16xf32>,
        %add3A_286 = arith.constant 0 : i32
        %add3A_287 = arith.addi %mul3A_228, %add3A_286 : i32
        %swap3A_288 = arith.constant 0 : i32
        %swap3A_289 = arith.index_cast %swap3A_288 : i32 to index
        %swap3A_290 = arith.index_cast %add3A_287 : i32 to index
        %swap3A_291 = arith.constant 48 : index
        %swap3A_292 = tpu.vector_load %arg7[%swap3A_289, %swap3A_290, %swap3A_291] {strides = array<i32>} : memref<2x160x128xf32, #tpu.memory_space<vmem>>, vector<1x1x16xf32>,
        %swap3A_293 = vector.shape_cast %swap3A_292 : vector<1x1x16xf32> to vector<16xf32>
        %swap3A_294 = vector.shape_cast %get3A_276 : vector<16xf32> to vector<1x1x16xf32>
        tpu.vector_store %arg7[%swap3A_289, %swap3A_290, %swap3A_291], %swap3A_294 {strides = array<i32>} : memref<2x160x128xf32, #tpu.memory_space<vmem>>, vector<1x1x16xf32>,
        %add3A_295 = arith.constant 2 : i32
        %add3A_296 = arith.addi %mul3A_226, %add3A_295 : i32
        %get3A_297 = arith.constant 0 : i32
        %get3A_298 = arith.index_cast %get3A_297 : i32 to index
        %get3A_299 = arith.index_cast %add3A_296 : i32 to index
        %get3A_300 = arith.constant 0 : index
        %get3A_301 = tpu.vector_load %arg6[%get3A_298, %get3A_299, %get3A_300] {strides = array<i32>} : memref<2x640x32xf32, #tpu.memory_space<vmem>>, vector<1x1x16xf32>,
        %get3A_302 = vector.shape_cast %get3A_301 : vector<1x1x16xf32> to vector<16xf32>
        %add3A_303 = arith.constant 2 : i32
        %add3A_304 = arith.addi %mul3A_226, %add3A_303 : i32
        %get3A_305 = arith.constant 0 : i32
        %get3A_306 = arith.index_cast %get3A_305 : i32 to index
        %get3A_307 = arith.index_cast %add3A_304 : i32 to index
        %get3A_308 = arith.constant 16 : index
        %get3A_309 = tpu.vector_load %arg6[%get3A_306, %get3A_307, %get3A_308] {strides = array<i32>} : memref<2x640x32xf32, #tpu.memory_space<vmem>>, vector<1x1x16xf32>,
        %get3A_310 = vector.shape_cast %get3A_309 : vector<1x1x16xf32> to vector<16xf32>
        %add3A_311 = arith.constant 0 : i32
        %add3A_312 = arith.addi %mul3A_228, %add3A_311 : i32
        %swap3A_313 = arith.constant 0 : i32
        %swap3A_314 = arith.index_cast %swap3A_313 : i32 to index
        %swap3A_315 = arith.index_cast %add3A_312 : i32 to index
        %swap3A_316 = arith.constant 64 : index
        %swap3A_317 = tpu.vector_load %arg7[%swap3A_314, %swap3A_315, %swap3A_316] {strides = array<i32>} : memref<2x160x128xf32, #tpu.memory_space<vmem>>, vector<1x1x16xf32>,
        %swap3A_318 = vector.shape_cast %swap3A_317 : vector<1x1x16xf32> to vector<16xf32>
        %swap3A_319 = vector.shape_cast %get3A_302 : vector<16xf32> to vector<1x1x16xf32>
        tpu.vector_store %arg7[%swap3A_314, %swap3A_315, %swap3A_316], %swap3A_319 {strides = array<i32>} : memref<2x160x128xf32, #tpu.memory_space<vmem>>, vector<1x1x16xf32>,
        %add3A_320 = arith.constant 0 : i32
        %add3A_321 = arith.addi %mul3A_228, %add3A_320 : i32
        %swap3A_322 = arith.constant 0 : i32
        %swap3A_323 = arith.index_cast %swap3A_322 : i32 to index
        %swap3A_324 = arith.index_cast %add3A_321 : i32 to index
        %swap3A_325 = arith.constant 80 : index
        %swap3A_326 = tpu.vector_load %arg7[%swap3A_323, %swap3A_324, %swap3A_325] {strides = array<i32>} : memref<2x160x128xf32, #tpu.memory_space<vmem>>, vector<1x1x16xf32>,
        %swap3A_327 = vector.shape_cast %swap3A_326 : vector<1x1x16xf32> to vector<16xf32>
        %swap3A_328 = vector.shape_cast %get3A_310 : vector<16xf32> to vector<1x1x16xf32>
        tpu.vector_store %arg7[%swap3A_323, %swap3A_324, %swap3A_325], %swap3A_328 {strides = array<i32>} : memref<2x160x128xf32, #tpu.memory_space<vmem>>, vector<1x1x16xf32>,
        %add3A_329 = arith.constant 3 : i32
        %add3A_330 = arith.addi %mul3A_226, %add3A_329 : i32
        %get3A_331 = arith.constant 0 : i32
        %get3A_332 = arith.index_cast %get3A_331 : i32 to index
        %get3A_333 = arith.index_cast %add3A_330 : i32 to index
        %get3A_334 = arith.constant 0 : index
        %get3A_335 = tpu.vector_load %arg6[%get3A_332, %get3A_333, %get3A_334] {strides = array<i32>} : memref<2x640x32xf32, #tpu.memory_space<vmem>>, vector<1x1x16xf32>,
        %get3A_336 = vector.shape_cast %get3A_335 : vector<1x1x16xf32> to vector<16xf32>
        %add3A_337 = arith.constant 3 : i32
        %add3A_338 = arith.addi %mul3A_226, %add3A_337 : i32
        %get3A_339 = arith.constant 0 : i32
        %get3A_340 = arith.index_cast %get3A_339 : i32 to index
        %get3A_341 = arith.index_cast %add3A_338 : i32 to index
        %get3A_342 = arith.constant 16 : index
        %get3A_343 = tpu.vector_load %arg6[%get3A_340, %get3A_341, %get3A_342] {strides = array<i32>} : memref<2x640x32xf32, #tpu.memory_space<vmem>>, vector<1x1x16xf32>,
        %get3A_344 = vector.shape_cast %get3A_343 : vector<1x1x16xf32> to vector<16xf32>
        %add3A_345 = arith.constant 0 : i32
        %add3A_346 = arith.addi %mul3A_228, %add3A_345 : i32
        %swap3A_347 = arith.constant 0 : i32
        %swap3A_348 = arith.index_cast %swap3A_347 : i32 to index
        %swap3A_349 = arith.index_cast %add3A_346 : i32 to index
        %swap3A_350 = arith.constant 96 : index
        %swap3A_351 = tpu.vector_load %arg7[%swap3A_348, %swap3A_349, %swap3A_350] {strides = array<i32>} : memref<2x160x128xf32, #tpu.memory_space<vmem>>, vector<1x1x16xf32>,
        %swap3A_352 = vector.shape_cast %swap3A_351 : vector<1x1x16xf32> to vector<16xf32>
        %swap3A_353 = vector.shape_cast %get3A_336 : vector<16xf32> to vector<1x1x16xf32>
        tpu.vector_store %arg7[%swap3A_348, %swap3A_349, %swap3A_350], %swap3A_353 {strides = array<i32>} : memref<2x160x128xf32, #tpu.memory_space<vmem>>, vector<1x1x16xf32>,
        %add3A_354 = arith.constant 0 : i32
        %add3A_355 = arith.addi %mul3A_228, %add3A_354 : i32
        %swap3A_356 = arith.constant 0 : i32
        %swap3A_357 = arith.index_cast %swap3A_356 : i32 to index
        %swap3A_358 = arith.index_cast %add3A_355 : i32 to index
        %swap3A_359 = arith.constant 112 : index
        %swap3A_360 = tpu.vector_load %arg7[%swap3A_357, %swap3A_358, %swap3A_359] {strides = array<i32>} : memref<2x160x128xf32, #tpu.memory_space<vmem>>, vector<1x1x16xf32>,
        %swap3A_361 = vector.shape_cast %swap3A_360 : vector<1x1x16xf32> to vector<16xf32>
        %swap3A_362 = vector.shape_cast %get3A_344 : vector<16xf32> to vector<1x1x16xf32>
        tpu.vector_store %arg7[%swap3A_357, %swap3A_358, %swap3A_359], %swap3A_362 {strides = array<i32>} : memref<2x160x128xf32, #tpu.memory_space<vmem>>, vector<1x1x16xf32>,
        %add3A_363 = arith.constant 4 : i32
        %add3A_364 = arith.addi %mul3A_226, %add3A_363 : i32
        %get3A_365 = arith.constant 0 : i32
        %get3A_366 = arith.index_cast %get3A_365 : i32 to index
        %get3A_367 = arith.index_cast %add3A_364 : i32 to index
        %get3A_368 = arith.constant 0 : index
        %get3A_369 = tpu.vector_load %arg6[%get3A_366, %get3A_367, %get3A_368] {strides = array<i32>} : memref<2x640x32xf32, #tpu.memory_space<vmem>>, vector<1x1x16xf32>,
        %get3A_370 = vector.shape_cast %get3A_369 : vector<1x1x16xf32> to vector<16xf32>
        %add3A_371 = arith.constant 4 : i32
        %add3A_372 = arith.addi %mul3A_226, %add3A_371 : i32
        %get3A_373 = arith.constant 0 : i32
        %get3A_374 = arith.index_cast %get3A_373 : i32 to index
        %get3A_375 = arith.index_cast %add3A_372 : i32 to index
        %get3A_376 = arith.constant 16 : index
        %get3A_377 = tpu.vector_load %arg6[%get3A_374, %get3A_375, %get3A_376] {strides = array<i32>} : memref<2x640x32xf32, #tpu.memory_space<vmem>>, vector<1x1x16xf32>,
        %get3A_378 = vector.shape_cast %get3A_377 : vector<1x1x16xf32> to vector<16xf32>
        %add3A_379 = arith.constant 1 : i32
        %add3A_380 = arith.addi %mul3A_228, %add3A_379 : i32
        %swap3A_381 = arith.constant 0 : i32
        %swap3A_382 = arith.index_cast %swap3A_381 : i32 to index
        %swap3A_383 = arith.index_cast %add3A_380 : i32 to index
        %swap3A_384 = arith.constant 0 : index
        %swap3A_385 = tpu.vector_load %arg7[%swap3A_382, %swap3A_383, %swap3A_384] {strides = array<i32>} : memref<2x160x128xf32, #tpu.memory_space<vmem>>, vector<1x1x16xf32>,
        %swap3A_386 = vector.shape_cast %swap3A_385 : vector<1x1x16xf32> to vector<16xf32>
        %swap3A_387 = vector.shape_cast %get3A_370 : vector<16xf32> to vector<1x1x16xf32>
        tpu.vector_store %arg7[%swap3A_382, %swap3A_383, %swap3A_384], %swap3A_387 {strides = array<i32>} : memref<2x160x128xf32, #tpu.memory_space<vmem>>, vector<1x1x16xf32>,
        %add3A_388 = arith.constant 1 : i32
        %add3A_389 = arith.addi %mul3A_228, %add3A_388 : i32
        %swap3A_390 = arith.constant 0 : i32
        %swap3A_391 = arith.index_cast %swap3A_390 : i32 to index
        %swap3A_392 = arith.index_cast %add3A_389 : i32 to index
        %swap3A_393 = arith.constant 16 : index
        %swap3A_394 = tpu.vector_load %arg7[%swap3A_391, %swap3A_392, %swap3A_393] {strides = array<i32>} : memref<2x160x128xf32, #tpu.memory_space<vmem>>, vector<1x1x16xf32>,
        %swap3A_395 = vector.shape_cast %swap3A_394 : vector<1x1x16xf32> to vector<16xf32>
        %swap3A_396 = vector.shape_cast %get3A_378 : vector<16xf32> to vector<1x1x16xf32>
        tpu.vector_store %arg7[%swap3A_391, %swap3A_392, %swap3A_393], %swap3A_396 {strides = array<i32>} : memref<2x160x128xf32, #tpu.memory_space<vmem>>, vector<1x1x16xf32>,
        %add3A_397 = arith.constant 5 : i32
        %add3A_398 = arith.addi %mul3A_226, %add3A_397 : i32
        %get3A_399 = arith.constant 0 : i32
        %get3A_400 = arith.index_cast %get3A_399 : i32 to index
        %get3A_401 = arith.index_cast %add3A_398 : i32 to index
        %get3A_402 = arith.constant 0 : index
        %get3A_403 = tpu.vector_load %arg6[%get3A_400, %get3A_401, %get3A_402] {strides = array<i32>} : memref<2x640x32xf32, #tpu.memory_space<vmem>>, vector<1x1x16xf32>,
        %get3A_404 = vector.shape_cast %get3A_403 : vector<1x1x16xf32> to vector<16xf32>
        %add3A_405 = arith.constant 5 : i32
        %add3A_406 = arith.addi %mul3A_226, %add3A_405 : i32
        %get3A_407 = arith.constant 0 : i32
        %get3A_408 = arith.index_cast %get3A_407 : i32 to index
        %get3A_409 = arith.index_cast %add3A_406 : i32 to index
        %get3A_410 = arith.constant 16 : index
        %get3A_411 = tpu.vector_load %arg6[%get3A_408, %get3A_409, %get3A_410] {strides = array<i32>} : memref<2x640x32xf32, #tpu.memory_space<vmem>>, vector<1x1x16xf32>,
        %get3A_412 = vector.shape_cast %get3A_411 : vector<1x1x16xf32> to vector<16xf32>
        %add3A_413 = arith.constant 1 : i32
        %add3A_414 = arith.addi %mul3A_228, %add3A_413 : i32
        %swap3A_415 = arith.constant 0 : i32
        %swap3A_416 = arith.index_cast %swap3A_415 : i32 to index
        %swap3A_417 = arith.index_cast %add3A_414 : i32 to index
        %swap3A_418 = arith.constant 32 : index
        %swap3A_419 = tpu.vector_load %arg7[%swap3A_416, %swap3A_417, %swap3A_418] {strides = array<i32>} : memref<2x160x128xf32, #tpu.memory_space<vmem>>, vector<1x1x16xf32>,
        %swap3A_420 = vector.shape_cast %swap3A_419 : vector<1x1x16xf32> to vector<16xf32>
        %swap3A_421 = vector.shape_cast %get3A_404 : vector<16xf32> to vector<1x1x16xf32>
        tpu.vector_store %arg7[%swap3A_416, %swap3A_417, %swap3A_418], %swap3A_421 {strides = array<i32>} : memref<2x160x128xf32, #tpu.memory_space<vmem>>, vector<1x1x16xf32>,
        %add3A_422 = arith.constant 1 : i32
        %add3A_423 = arith.addi %mul3A_228, %add3A_422 : i32
        %swap3A_424 = arith.constant 0 : i32
        %swap3A_425 = arith.index_cast %swap3A_424 : i32 to index
        %swap3A_426 = arith.index_cast %add3A_423 : i32 to index
        %swap3A_427 = arith.constant 48 : index
        %swap3A_428 = tpu.vector_load %arg7[%swap3A_425, %swap3A_426, %swap3A_427] {strides = array<i32>} : memref<2x160x128xf32, #tpu.memory_space<vmem>>, vector<1x1x16xf32>,
        %swap3A_429 = vector.shape_cast %swap3A_428 : vector<1x1x16xf32> to vector<16xf32>
        %swap3A_430 = vector.shape_cast %get3A_412 : vector<16xf32> to vector<1x1x16xf32>
        tpu.vector_store %arg7[%swap3A_425, %swap3A_426, %swap3A_427], %swap3A_430 {strides = array<i32>} : memref<2x160x128xf32, #tpu.memory_space<vmem>>, vector<1x1x16xf32>,
        %add3A_431 = arith.constant 6 : i32
        %add3A_432 = arith.addi %mul3A_226, %add3A_431 : i32
        %get3A_433 = arith.constant 0 : i32
        %get3A_434 = arith.index_cast %get3A_433 : i32 to index
        %get3A_435 = arith.index_cast %add3A_432 : i32 to index
        %get3A_436 = arith.constant 0 : index
        %get3A_437 = tpu.vector_load %arg6[%get3A_434, %get3A_435, %get3A_436] {strides = array<i32>} : memref<2x640x32xf32, #tpu.memory_space<vmem>>, vector<1x1x16xf32>,
        %get3A_438 = vector.shape_cast %get3A_437 : vector<1x1x16xf32> to vector<16xf32>
        %add3A_439 = arith.constant 6 : i32
        %add3A_440 = arith.addi %mul3A_226, %add3A_439 : i32
        %get3A_441 = arith.constant 0 : i32
        %get3A_442 = arith.index_cast %get3A_441 : i32 to index
        %get3A_443 = arith.index_cast %add3A_440 : i32 to index
        %get3A_444 = arith.constant 16 : index
        %get3A_445 = tpu.vector_load %arg6[%get3A_442, %get3A_443, %get3A_444] {strides = array<i32>} : memref<2x640x32xf32, #tpu.memory_space<vmem>>, vector<1x1x16xf32>,
        %get3A_446 = vector.shape_cast %get3A_445 : vector<1x1x16xf32> to vector<16xf32>
        %add3A_447 = arith.constant 1 : i32
        %add3A_448 = arith.addi %mul3A_228, %add3A_447 : i32
        %swap3A_449 = arith.constant 0 : i32
        %swap3A_450 = arith.index_cast %swap3A_449 : i32 to index
        %swap3A_451 = arith.index_cast %add3A_448 : i32 to index
        %swap3A_452 = arith.constant 64 : index
        %swap3A_453 = tpu.vector_load %arg7[%swap3A_450, %swap3A_451, %swap3A_452] {strides = array<i32>} : memref<2x160x128xf32, #tpu.memory_space<vmem>>, vector<1x1x16xf32>,
        %swap3A_454 = vector.shape_cast %swap3A_453 : vector<1x1x16xf32> to vector<16xf32>
        %swap3A_455 = vector.shape_cast %get3A_438 : vector<16xf32> to vector<1x1x16xf32>
        tpu.vector_store %arg7[%swap3A_450, %swap3A_451, %swap3A_452], %swap3A_455 {strides = array<i32>} : memref<2x160x128xf32, #tpu.memory_space<vmem>>, vector<1x1x16xf32>,
        %add3A_456 = arith.constant 1 : i32
        %add3A_457 = arith.addi %mul3A_228, %add3A_456 : i32
        %swap3A_458 = arith.constant 0 : i32
        %swap3A_459 = arith.index_cast %swap3A_458 : i32 to index
        %swap3A_460 = arith.index_cast %add3A_457 : i32 to index
        %swap3A_461 = arith.constant 80 : index
        %swap3A_462 = tpu.vector_load %arg7[%swap3A_459, %swap3A_460, %swap3A_461] {strides = array<i32>} : memref<2x160x128xf32, #tpu.memory_space<vmem>>, vector<1x1x16xf32>,
        %swap3A_463 = vector.shape_cast %swap3A_462 : vector<1x1x16xf32> to vector<16xf32>
        %swap3A_464 = vector.shape_cast %get3A_446 : vector<16xf32> to vector<1x1x16xf32>
        tpu.vector_store %arg7[%swap3A_459, %swap3A_460, %swap3A_461], %swap3A_464 {strides = array<i32>} : memref<2x160x128xf32, #tpu.memory_space<vmem>>, vector<1x1x16xf32>,
        %add3A_465 = arith.constant 7 : i32
        %add3A_466 = arith.addi %mul3A_226, %add3A_465 : i32
        %get3A_467 = arith.constant 0 : i32
        %get3A_468 = arith.index_cast %get3A_467 : i32 to index
        %get3A_469 = arith.index_cast %add3A_466 : i32 to index
        %get3A_470 = arith.constant 0 : index
        %get3A_471 = tpu.vector_load %arg6[%get3A_468, %get3A_469, %get3A_470] {strides = array<i32>} : memref<2x640x32xf32, #tpu.memory_space<vmem>>, vector<1x1x16xf32>,
        %get3A_472 = vector.shape_cast %get3A_471 : vector<1x1x16xf32> to vector<16xf32>
        %add3A_473 = arith.constant 7 : i32
        %add3A_474 = arith.addi %mul3A_226, %add3A_473 : i32
        %get3A_475 = arith.constant 0 : i32
        %get3A_476 = arith.index_cast %get3A_475 : i32 to index
        %get3A_477 = arith.index_cast %add3A_474 : i32 to index
        %get3A_478 = arith.constant 16 : index
        %get3A_479 = tpu.vector_load %arg6[%get3A_476, %get3A_477, %get3A_478] {strides = array<i32>} : memref<2x640x32xf32, #tpu.memory_space<vmem>>, vector<1x1x16xf32>,
        %get3A_480 = vector.shape_cast %get3A_479 : vector<1x1x16xf32> to vector<16xf32>
        %add3A_481 = arith.constant 1 : i32
        %add3A_482 = arith.addi %mul3A_228, %add3A_481 : i32
        %swap3A_483 = arith.constant 0 : i32
        %swap3A_484 = arith.index_cast %swap3A_483 : i32 to index
        %swap3A_485 = arith.index_cast %add3A_482 : i32 to index
        %swap3A_486 = arith.constant 96 : index
        %swap3A_487 = tpu.vector_load %arg7[%swap3A_484, %swap3A_485, %swap3A_486] {strides = array<i32>} : memref<2x160x128xf32, #tpu.memory_space<vmem>>, vector<1x1x16xf32>,
        %swap3A_488 = vector.shape_cast %swap3A_487 : vector<1x1x16xf32> to vector<16xf32>
        %swap3A_489 = vector.shape_cast %get3A_472 : vector<16xf32> to vector<1x1x16xf32>
        tpu.vector_store %arg7[%swap3A_484, %swap3A_485, %swap3A_486], %swap3A_489 {strides = array<i32>} : memref<2x160x128xf32, #tpu.memory_space<vmem>>, vector<1x1x16xf32>,
        %add3A_490 = arith.constant 1 : i32
        %add3A_491 = arith.addi %mul3A_228, %add3A_490 : i32
        %swap3A_492 = arith.constant 0 : i32
        %swap3A_493 = arith.index_cast %swap3A_492 : i32 to index
        %swap3A_494 = arith.index_cast %add3A_491 : i32 to index
        %swap3A_495 = arith.constant 112 : index
        %swap3A_496 = tpu.vector_load %arg7[%swap3A_493, %swap3A_494, %swap3A_495] {strides = array<i32>} : memref<2x160x128xf32, #tpu.memory_space<vmem>>, vector<1x1x16xf32>,
        %swap3A_497 = vector.shape_cast %swap3A_496 : vector<1x1x16xf32> to vector<16xf32>
        %swap3A_498 = vector.shape_cast %get3A_480 : vector<16xf32> to vector<1x1x16xf32>
        tpu.vector_store %arg7[%swap3A_493, %swap3A_494, %swap3A_495], %swap3A_498 {strides = array<i32>} : memref<2x160x128xf32, #tpu.memory_space<vmem>>, vector<1x1x16xf32>,
        %add3A_499 = arith.constant 8 : i32
        %add3A_500 = arith.addi %mul3A_226, %add3A_499 : i32
        %get3A_501 = arith.constant 0 : i32
        %get3A_502 = arith.index_cast %get3A_501 : i32 to index
        %get3A_503 = arith.index_cast %add3A_500 : i32 to index
        %get3A_504 = arith.constant 0 : index
        %get3A_505 = tpu.vector_load %arg6[%get3A_502, %get3A_503, %get3A_504] {strides = array<i32>} : memref<2x640x32xf32, #tpu.memory_space<vmem>>, vector<1x1x16xf32>,
        %get3A_506 = vector.shape_cast %get3A_505 : vector<1x1x16xf32> to vector<16xf32>
        %add3A_507 = arith.constant 8 : i32
        %add3A_508 = arith.addi %mul3A_226, %add3A_507 : i32
        %get3A_509 = arith.constant 0 : i32
        %get3A_510 = arith.index_cast %get3A_509 : i32 to index
        %get3A_511 = arith.index_cast %add3A_508 : i32 to index
        %get3A_512 = arith.constant 16 : index
        %get3A_513 = tpu.vector_load %arg6[%get3A_510, %get3A_511, %get3A_512] {strides = array<i32>} : memref<2x640x32xf32, #tpu.memory_space<vmem>>, vector<1x1x16xf32>,
        %get3A_514 = vector.shape_cast %get3A_513 : vector<1x1x16xf32> to vector<16xf32>
        %add3A_515 = arith.constant 2 : i32
        %add3A_516 = arith.addi %mul3A_228, %add3A_515 : i32
        %swap3A_517 = arith.constant 0 : i32
        %swap3A_518 = arith.index_cast %swap3A_517 : i32 to index
        %swap3A_519 = arith.index_cast %add3A_516 : i32 to index
        %swap3A_520 = arith.constant 0 : index
        %swap3A_521 = tpu.vector_load %arg7[%swap3A_518, %swap3A_519, %swap3A_520] {strides = array<i32>} : memref<2x160x128xf32, #tpu.memory_space<vmem>>, vector<1x1x16xf32>,
        %swap3A_522 = vector.shape_cast %swap3A_521 : vector<1x1x16xf32> to vector<16xf32>
        %swap3A_523 = vector.shape_cast %get3A_506 : vector<16xf32> to vector<1x1x16xf32>
        tpu.vector_store %arg7[%swap3A_518, %swap3A_519, %swap3A_520], %swap3A_523 {strides = array<i32>} : memref<2x160x128xf32, #tpu.memory_space<vmem>>, vector<1x1x16xf32>,
        %add3A_524 = arith.constant 2 : i32
        %add3A_525 = arith.addi %mul3A_228, %add3A_524 : i32
        %swap3A_526 = arith.constant 0 : i32
        %swap3A_527 = arith.index_cast %swap3A_526 : i32 to index
        %swap3A_528 = arith.index_cast %add3A_525 : i32 to index
        %swap3A_529 = arith.constant 16 : index
        %swap3A_530 = tpu.vector_load %arg7[%swap3A_527, %swap3A_528, %swap3A_529] {strides = array<i32>} : memref<2x160x128xf32, #tpu.memory_space<vmem>>, vector<1x1x16xf32>,
        %swap3A_531 = vector.shape_cast %swap3A_530 : vector<1x1x16xf32> to vector<16xf32>
        %swap3A_532 = vector.shape_cast %get3A_514 : vector<16xf32> to vector<1x1x16xf32>
        tpu.vector_store %arg7[%swap3A_527, %swap3A_528, %swap3A_529], %swap3A_532 {strides = array<i32>} : memref<2x160x128xf32, #tpu.memory_space<vmem>>, vector<1x1x16xf32>,
        %add3A_533 = arith.constant 9 : i32
        %add3A_534 = arith.addi %mul3A_226, %add3A_533 : i32
        %get3A_535 = arith.constant 0 : i32
        %get3A_536 = arith.index_cast %get3A_535 : i32 to index
        %get3A_537 = arith.index_cast %add3A_534 : i32 to index
        %get3A_538 = arith.constant 0 : index
        %get3A_539 = tpu.vector_load %arg6[%get3A_536, %get3A_537, %get3A_538] {strides = array<i32>} : memref<2x640x32xf32, #tpu.memory_space<vmem>>, vector<1x1x16xf32>,
        %get3A_540 = vector.shape_cast %get3A_539 : vector<1x1x16xf32> to vector<16xf32>
        %add3A_541 = arith.constant 9 : i32
        %add3A_542 = arith.addi %mul3A_226, %add3A_541 : i32
        %get3A_543 = arith.constant 0 : i32
        %get3A_544 = arith.index_cast %get3A_543 : i32 to index
        %get3A_545 = arith.index_cast %add3A_542 : i32 to index
        %get3A_546 = arith.constant 16 : index
        %get3A_547 = tpu.vector_load %arg6[%get3A_544, %get3A_545, %get3A_546] {strides = array<i32>} : memref<2x640x32xf32, #tpu.memory_space<vmem>>, vector<1x1x16xf32>,
        %get3A_548 = vector.shape_cast %get3A_547 : vector<1x1x16xf32> to vector<16xf32>
        %add3A_549 = arith.constant 2 : i32
        %add3A_550 = arith.addi %mul3A_228, %add3A_549 : i32
        %swap3A_551 = arith.constant 0 : i32
        %swap3A_552 = arith.index_cast %swap3A_551 : i32 to index
        %swap3A_553 = arith.index_cast %add3A_550 : i32 to index
        %swap3A_554 = arith.constant 32 : index
        %swap3A_555 = tpu.vector_load %arg7[%swap3A_552, %swap3A_553, %swap3A_554] {strides = array<i32>} : memref<2x160x128xf32, #tpu.memory_space<vmem>>, vector<1x1x16xf32>,
        %swap3A_556 = vector.shape_cast %swap3A_555 : vector<1x1x16xf32> to vector<16xf32>
        %swap3A_557 = vector.shape_cast %get3A_540 : vector<16xf32> to vector<1x1x16xf32>
        tpu.vector_store %arg7[%swap3A_552, %swap3A_553, %swap3A_554], %swap3A_557 {strides = array<i32>} : memref<2x160x128xf32, #tpu.memory_space<vmem>>, vector<1x1x16xf32>,
        %add3A_558 = arith.constant 2 : i32
        %add3A_559 = arith.addi %mul3A_228, %add3A_558 : i32
        %swap3A_560 = arith.constant 0 : i32
        %swap3A_561 = arith.index_cast %swap3A_560 : i32 to index
        %swap3A_562 = arith.index_cast %add3A_559 : i32 to index
        %swap3A_563 = arith.constant 48 : index
        %swap3A_564 = tpu.vector_load %arg7[%swap3A_561, %swap3A_562, %swap3A_563] {strides = array<i32>} : memref<2x160x128xf32, #tpu.memory_space<vmem>>, vector<1x1x16xf32>,
        %swap3A_565 = vector.shape_cast %swap3A_564 : vector<1x1x16xf32> to vector<16xf32>
        %swap3A_566 = vector.shape_cast %get3A_548 : vector<16xf32> to vector<1x1x16xf32>
        tpu.vector_store %arg7[%swap3A_561, %swap3A_562, %swap3A_563], %swap3A_566 {strides = array<i32>} : memref<2x160x128xf32, #tpu.memory_space<vmem>>, vector<1x1x16xf32>,
        %add3A_567 = arith.constant 10 : i32
        %add3A_568 = arith.addi %mul3A_226, %add3A_567 : i32
        %get3A_569 = arith.constant 0 : i32
        %get3A_570 = arith.index_cast %get3A_569 : i32 to index
        %get3A_571 = arith.index_cast %add3A_568 : i32 to index
        %get3A_572 = arith.constant 0 : index
        %get3A_573 = tpu.vector_load %arg6[%get3A_570, %get3A_571, %get3A_572] {strides = array<i32>} : memref<2x640x32xf32, #tpu.memory_space<vmem>>, vector<1x1x16xf32>,
        %get3A_574 = vector.shape_cast %get3A_573 : vector<1x1x16xf32> to vector<16xf32>
        %add3A_575 = arith.constant 10 : i32
        %add3A_576 = arith.addi %mul3A_226, %add3A_575 : i32
        %get3A_577 = arith.constant 0 : i32
        %get3A_578 = arith.index_cast %get3A_577 : i32 to index
        %get3A_579 = arith.index_cast %add3A_576 : i32 to index
        %get3A_580 = arith.constant 16 : index
        %get3A_581 = tpu.vector_load %arg6[%get3A_578, %get3A_579, %get3A_580] {strides = array<i32>} : memref<2x640x32xf32, #tpu.memory_space<vmem>>, vector<1x1x16xf32>,
        %get3A_582 = vector.shape_cast %get3A_581 : vector<1x1x16xf32> to vector<16xf32>
        %add3A_583 = arith.constant 2 : i32
        %add3A_584 = arith.addi %mul3A_228, %add3A_583 : i32
        %swap3A_585 = arith.constant 0 : i32
        %swap3A_586 = arith.index_cast %swap3A_585 : i32 to index
        %swap3A_587 = arith.index_cast %add3A_584 : i32 to index
        %swap3A_588 = arith.constant 64 : index
        %swap3A_589 = tpu.vector_load %arg7[%swap3A_586, %swap3A_587, %swap3A_588] {strides = array<i32>} : memref<2x160x128xf32, #tpu.memory_space<vmem>>, vector<1x1x16xf32>,
        %swap3A_590 = vector.shape_cast %swap3A_589 : vector<1x1x16xf32> to vector<16xf32>
        %swap3A_591 = vector.shape_cast %get3A_574 : vector<16xf32> to vector<1x1x16xf32>
        tpu.vector_store %arg7[%swap3A_586, %swap3A_587, %swap3A_588], %swap3A_591 {strides = array<i32>} : memref<2x160x128xf32, #tpu.memory_space<vmem>>, vector<1x1x16xf32>,
        %add3A_592 = arith.constant 2 : i32
        %add3A_593 = arith.addi %mul3A_228, %add3A_592 : i32
        %swap3A_594 = arith.constant 0 : i32
        %swap3A_595 = arith.index_cast %swap3A_594 : i32 to index
        %swap3A_596 = arith.index_cast %add3A_593 : i32 to index
        %swap3A_597 = arith.constant 80 : index
        %swap3A_598 = tpu.vector_load %arg7[%swap3A_595, %swap3A_596, %swap3A_597] {strides = array<i32>} : memref<2x160x128xf32, #tpu.memory_space<vmem>>, vector<1x1x16xf32>,
        %swap3A_599 = vector.shape_cast %swap3A_598 : vector<1x1x16xf32> to vector<16xf32>
        %swap3A_600 = vector.shape_cast %get3A_582 : vector<16xf32> to vector<1x1x16xf32>
        tpu.vector_store %arg7[%swap3A_595, %swap3A_596, %swap3A_597], %swap3A_600 {strides = array<i32>} : memref<2x160x128xf32, #tpu.memory_space<vmem>>, vector<1x1x16xf32>,
        %add3A_601 = arith.constant 11 : i32
        %add3A_602 = arith.addi %mul3A_226, %add3A_601 : i32
        %get3A_603 = arith.constant 0 : i32
        %get3A_604 = arith.index_cast %get3A_603 : i32 to index
        %get3A_605 = arith.index_cast %add3A_602 : i32 to index
        %get3A_606 = arith.constant 0 : index
        %get3A_607 = tpu.vector_load %arg6[%get3A_604, %get3A_605, %get3A_606] {strides = array<i32>} : memref<2x640x32xf32, #tpu.memory_space<vmem>>, vector<1x1x16xf32>,
        %get3A_608 = vector.shape_cast %get3A_607 : vector<1x1x16xf32> to vector<16xf32>
        %add3A_609 = arith.constant 11 : i32
        %add3A_610 = arith.addi %mul3A_226, %add3A_609 : i32
        %get3A_611 = arith.constant 0 : i32
        %get3A_612 = arith.index_cast %get3A_611 : i32 to index
        %get3A_613 = arith.index_cast %add3A_610 : i32 to index
        %get3A_614 = arith.constant 16 : index
        %get3A_615 = tpu.vector_load %arg6[%get3A_612, %get3A_613, %get3A_614] {strides = array<i32>} : memref<2x640x32xf32, #tpu.memory_space<vmem>>, vector<1x1x16xf32>,
        %get3A_616 = vector.shape_cast %get3A_615 : vector<1x1x16xf32> to vector<16xf32>
        %add3A_617 = arith.constant 2 : i32
        %add3A_618 = arith.addi %mul3A_228, %add3A_617 : i32
        %swap3A_619 = arith.constant 0 : i32
        %swap3A_620 = arith.index_cast %swap3A_619 : i32 to index
        %swap3A_621 = arith.index_cast %add3A_618 : i32 to index
        %swap3A_622 = arith.constant 96 : index
        %swap3A_623 = tpu.vector_load %arg7[%swap3A_620, %swap3A_621, %swap3A_622] {strides = array<i32>} : memref<2x160x128xf32, #tpu.memory_space<vmem>>, vector<1x1x16xf32>,
        %swap3A_624 = vector.shape_cast %swap3A_623 : vector<1x1x16xf32> to vector<16xf32>
        %swap3A_625 = vector.shape_cast %get3A_608 : vector<16xf32> to vector<1x1x16xf32>
        tpu.vector_store %arg7[%swap3A_620, %swap3A_621, %swap3A_622], %swap3A_625 {strides = array<i32>} : memref<2x160x128xf32, #tpu.memory_space<vmem>>, vector<1x1x16xf32>,
        %add3A_626 = arith.constant 2 : i32
        %add3A_627 = arith.addi %mul3A_228, %add3A_626 : i32
        %swap3A_628 = arith.constant 0 : i32
        %swap3A_629 = arith.index_cast %swap3A_628 : i32 to index
        %swap3A_630 = arith.index_cast %add3A_627 : i32 to index
        %swap3A_631 = arith.constant 112 : index
        %swap3A_632 = tpu.vector_load %arg7[%swap3A_629, %swap3A_630, %swap3A_631] {strides = array<i32>} : memref<2x160x128xf32, #tpu.memory_space<vmem>>, vector<1x1x16xf32>,
        %swap3A_633 = vector.shape_cast %swap3A_632 : vector<1x1x16xf32> to vector<16xf32>
        %swap3A_634 = vector.shape_cast %get3A_616 : vector<16xf32> to vector<1x1x16xf32>
        tpu.vector_store %arg7[%swap3A_629, %swap3A_630, %swap3A_631], %swap3A_634 {strides = array<i32>} : memref<2x160x128xf32, #tpu.memory_space<vmem>>, vector<1x1x16xf32>,
        %add3A_635 = arith.constant 12 : i32
        %add3A_636 = arith.addi %mul3A_226, %add3A_635 : i32
        %get3A_637 = arith.constant 0 : i32
        %get3A_638 = arith.index_cast %get3A_637 : i32 to index
        %get3A_639 = arith.index_cast %add3A_636 : i32 to index
        %get3A_640 = arith.constant 0 : index
        %get3A_641 = tpu.vector_load %arg6[%get3A_638, %get3A_639, %get3A_640] {strides = array<i32>} : memref<2x640x32xf32, #tpu.memory_space<vmem>>, vector<1x1x16xf32>,
        %get3A_642 = vector.shape_cast %get3A_641 : vector<1x1x16xf32> to vector<16xf32>
        %add3A_643 = arith.constant 12 : i32
        %add3A_644 = arith.addi %mul3A_226, %add3A_643 : i32
        %get3A_645 = arith.constant 0 : i32
        %get3A_646 = arith.index_cast %get3A_645 : i32 to index
        %get3A_647 = arith.index_cast %add3A_644 : i32 to index
        %get3A_648 = arith.constant 16 : index
        %get3A_649 = tpu.vector_load %arg6[%get3A_646, %get3A_647, %get3A_648] {strides = array<i32>} : memref<2x640x32xf32, #tpu.memory_space<vmem>>, vector<1x1x16xf32>,
        %get3A_650 = vector.shape_cast %get3A_649 : vector<1x1x16xf32> to vector<16xf32>
        %add3A_651 = arith.constant 3 : i32
        %add3A_652 = arith.addi %mul3A_228, %add3A_651 : i32
        %swap3A_653 = arith.constant 0 : i32
        %swap3A_654 = arith.index_cast %swap3A_653 : i32 to index
        %swap3A_655 = arith.index_cast %add3A_652 : i32 to index
        %swap3A_656 = arith.constant 0 : index
        %swap3A_657 = tpu.vector_load %arg7[%swap3A_654, %swap3A_655, %swap3A_656] {strides = array<i32>} : memref<2x160x128xf32, #tpu.memory_space<vmem>>, vector<1x1x16xf32>,
        %swap3A_658 = vector.shape_cast %swap3A_657 : vector<1x1x16xf32> to vector<16xf32>
        %swap3A_659 = vector.shape_cast %get3A_642 : vector<16xf32> to vector<1x1x16xf32>
        tpu.vector_store %arg7[%swap3A_654, %swap3A_655, %swap3A_656], %swap3A_659 {strides = array<i32>} : memref<2x160x128xf32, #tpu.memory_space<vmem>>, vector<1x1x16xf32>,
        %add3A_660 = arith.constant 3 : i32
        %add3A_661 = arith.addi %mul3A_228, %add3A_660 : i32
        %swap3A_662 = arith.constant 0 : i32
        %swap3A_663 = arith.index_cast %swap3A_662 : i32 to index
        %swap3A_664 = arith.index_cast %add3A_661 : i32 to index
        %swap3A_665 = arith.constant 16 : index
        %swap3A_666 = tpu.vector_load %arg7[%swap3A_663, %swap3A_664, %swap3A_665] {strides = array<i32>} : memref<2x160x128xf32, #tpu.memory_space<vmem>>, vector<1x1x16xf32>,
        %swap3A_667 = vector.shape_cast %swap3A_666 : vector<1x1x16xf32> to vector<16xf32>
        %swap3A_668 = vector.shape_cast %get3A_650 : vector<16xf32> to vector<1x1x16xf32>
        tpu.vector_store %arg7[%swap3A_663, %swap3A_664, %swap3A_665], %swap3A_668 {strides = array<i32>} : memref<2x160x128xf32, #tpu.memory_space<vmem>>, vector<1x1x16xf32>,
        %add3A_669 = arith.constant 13 : i32
        %add3A_670 = arith.addi %mul3A_226, %add3A_669 : i32
        %get3A_671 = arith.constant 0 : i32
        %get3A_672 = arith.index_cast %get3A_671 : i32 to index
        %get3A_673 = arith.index_cast %add3A_670 : i32 to index
        %get3A_674 = arith.constant 0 : index
        %get3A_675 = tpu.vector_load %arg6[%get3A_672, %get3A_673, %get3A_674] {strides = array<i32>} : memref<2x640x32xf32, #tpu.memory_space<vmem>>, vector<1x1x16xf32>,
        %get3A_676 = vector.shape_cast %get3A_675 : vector<1x1x16xf32> to vector<16xf32>
        %add3A_677 = arith.constant 13 : i32
        %add3A_678 = arith.addi %mul3A_226, %add3A_677 : i32
        %get3A_679 = arith.constant 0 : i32
        %get3A_680 = arith.index_cast %get3A_679 : i32 to index
        %get3A_681 = arith.index_cast %add3A_678 : i32 to index
        %get3A_682 = arith.constant 16 : index
        %get3A_683 = tpu.vector_load %arg6[%get3A_680, %get3A_681, %get3A_682] {strides = array<i32>} : memref<2x640x32xf32, #tpu.memory_space<vmem>>, vector<1x1x16xf32>,
        %get3A_684 = vector.shape_cast %get3A_683 : vector<1x1x16xf32> to vector<16xf32>
        %add3A_685 = arith.constant 3 : i32
        %add3A_686 = arith.addi %mul3A_228, %add3A_685 : i32
        %swap3A_687 = arith.constant 0 : i32
        %swap3A_688 = arith.index_cast %swap3A_687 : i32 to index
        %swap3A_689 = arith.index_cast %add3A_686 : i32 to index
        %swap3A_690 = arith.constant 32 : index
        %swap3A_691 = tpu.vector_load %arg7[%swap3A_688, %swap3A_689, %swap3A_690] {strides = array<i32>} : memref<2x160x128xf32, #tpu.memory_space<vmem>>, vector<1x1x16xf32>,
        %swap3A_692 = vector.shape_cast %swap3A_691 : vector<1x1x16xf32> to vector<16xf32>
        %swap3A_693 = vector.shape_cast %get3A_676 : vector<16xf32> to vector<1x1x16xf32>
        tpu.vector_store %arg7[%swap3A_688, %swap3A_689, %swap3A_690], %swap3A_693 {strides = array<i32>} : memref<2x160x128xf32, #tpu.memory_space<vmem>>, vector<1x1x16xf32>,
        %add3A_694 = arith.constant 3 : i32
        %add3A_695 = arith.addi %mul3A_228, %add3A_694 : i32
        %swap3A_696 = arith.constant 0 : i32
        %swap3A_697 = arith.index_cast %swap3A_696 : i32 to index
        %swap3A_698 = arith.index_cast %add3A_695 : i32 to index
        %swap3A_699 = arith.constant 48 : index
        %swap3A_700 = tpu.vector_load %arg7[%swap3A_697, %swap3A_698, %swap3A_699] {strides = array<i32>} : memref<2x160x128xf32, #tpu.memory_space<vmem>>, vector<1x1x16xf32>,
        %swap3A_701 = vector.shape_cast %swap3A_700 : vector<1x1x16xf32> to vector<16xf32>
        %swap3A_702 = vector.shape_cast %get3A_684 : vector<16xf32> to vector<1x1x16xf32>
        tpu.vector_store %arg7[%swap3A_697, %swap3A_698, %swap3A_699], %swap3A_702 {strides = array<i32>} : memref<2x160x128xf32, #tpu.memory_space<vmem>>, vector<1x1x16xf32>,
        %add3A_703 = arith.constant 14 : i32
        %add3A_704 = arith.addi %mul3A_226, %add3A_703 : i32
        %get3A_705 = arith.constant 0 : i32
        %get3A_706 = arith.index_cast %get3A_705 : i32 to index
        %get3A_707 = arith.index_cast %add3A_704 : i32 to index
        %get3A_708 = arith.constant 0 : index
        %get3A_709 = tpu.vector_load %arg6[%get3A_706, %get3A_707, %get3A_708] {strides = array<i32>} : memref<2x640x32xf32, #tpu.memory_space<vmem>>, vector<1x1x16xf32>,
        %get3A_710 = vector.shape_cast %get3A_709 : vector<1x1x16xf32> to vector<16xf32>
        %add3A_711 = arith.constant 14 : i32
        %add3A_712 = arith.addi %mul3A_226, %add3A_711 : i32
        %get3A_713 = arith.constant 0 : i32
        %get3A_714 = arith.index_cast %get3A_713 : i32 to index
        %get3A_715 = arith.index_cast %add3A_712 : i32 to index
        %get3A_716 = arith.constant 16 : index
        %get3A_717 = tpu.vector_load %arg6[%get3A_714, %get3A_715, %get3A_716] {strides = array<i32>} : memref<2x640x32xf32, #tpu.memory_space<vmem>>, vector<1x1x16xf32>,
        %get3A_718 = vector.shape_cast %get3A_717 : vector<1x1x16xf32> to vector<16xf32>
        %add3A_719 = arith.constant 3 : i32
        %add3A_720 = arith.addi %mul3A_228, %add3A_719 : i32
        %swap3A_721 = arith.constant 0 : i32
        %swap3A_722 = arith.index_cast %swap3A_721 : i32 to index
        %swap3A_723 = arith.index_cast %add3A_720 : i32 to index
        %swap3A_724 = arith.constant 64 : index
        %swap3A_725 = tpu.vector_load %arg7[%swap3A_722, %swap3A_723, %swap3A_724] {strides = array<i32>} : memref<2x160x128xf32, #tpu.memory_space<vmem>>, vector<1x1x16xf32>,
        %swap3A_726 = vector.shape_cast %swap3A_725 : vector<1x1x16xf32> to vector<16xf32>
        %swap3A_727 = vector.shape_cast %get3A_710 : vector<16xf32> to vector<1x1x16xf32>
        tpu.vector_store %arg7[%swap3A_722, %swap3A_723, %swap3A_724], %swap3A_727 {strides = array<i32>} : memref<2x160x128xf32, #tpu.memory_space<vmem>>, vector<1x1x16xf32>,
        %add3A_728 = arith.constant 3 : i32
        %add3A_729 = arith.addi %mul3A_228, %add3A_728 : i32
        %swap3A_730 = arith.constant 0 : i32
        %swap3A_731 = arith.index_cast %swap3A_730 : i32 to index
        %swap3A_732 = arith.index_cast %add3A_729 : i32 to index
        %swap3A_733 = arith.constant 80 : index
        %swap3A_734 = tpu.vector_load %arg7[%swap3A_731, %swap3A_732, %swap3A_733] {strides = array<i32>} : memref<2x160x128xf32, #tpu.memory_space<vmem>>, vector<1x1x16xf32>,
        %swap3A_735 = vector.shape_cast %swap3A_734 : vector<1x1x16xf32> to vector<16xf32>
        %swap3A_736 = vector.shape_cast %get3A_718 : vector<16xf32> to vector<1x1x16xf32>
        tpu.vector_store %arg7[%swap3A_731, %swap3A_732, %swap3A_733], %swap3A_736 {strides = array<i32>} : memref<2x160x128xf32, #tpu.memory_space<vmem>>, vector<1x1x16xf32>,
        %add3A_737 = arith.constant 15 : i32
        %add3A_738 = arith.addi %mul3A_226, %add3A_737 : i32
        %get3A_739 = arith.constant 0 : i32
        %get3A_740 = arith.index_cast %get3A_739 : i32 to index
        %get3A_741 = arith.index_cast %add3A_738 : i32 to index
        %get3A_742 = arith.constant 0 : index
        %get3A_743 = tpu.vector_load %arg6[%get3A_740, %get3A_741, %get3A_742] {strides = array<i32>} : memref<2x640x32xf32, #tpu.memory_space<vmem>>, vector<1x1x16xf32>,
        %get3A_744 = vector.shape_cast %get3A_743 : vector<1x1x16xf32> to vector<16xf32>
        %add3A_745 = arith.constant 15 : i32
        %add3A_746 = arith.addi %mul3A_226, %add3A_745 : i32
        %get3A_747 = arith.constant 0 : i32
        %get3A_748 = arith.index_cast %get3A_747 : i32 to index
        %get3A_749 = arith.index_cast %add3A_746 : i32 to index
        %get3A_750 = arith.constant 16 : index
        %get3A_751 = tpu.vector_load %arg6[%get3A_748, %get3A_749, %get3A_750] {strides = array<i32>} : memref<2x640x32xf32, #tpu.memory_space<vmem>>, vector<1x1x16xf32>,
        %get3A_752 = vector.shape_cast %get3A_751 : vector<1x1x16xf32> to vector<16xf32>
        %add3A_753 = arith.constant 3 : i32
        %add3A_754 = arith.addi %mul3A_228, %add3A_753 : i32
        %swap3A_755 = arith.constant 0 : i32
        %swap3A_756 = arith.index_cast %swap3A_755 : i32 to index
        %swap3A_757 = arith.index_cast %add3A_754 : i32 to index
        %swap3A_758 = arith.constant 96 : index
        %swap3A_759 = tpu.vector_load %arg7[%swap3A_756, %swap3A_757, %swap3A_758] {strides = array<i32>} : memref<2x160x128xf32, #tpu.memory_space<vmem>>, vector<1x1x16xf32>,
        %swap3A_760 = vector.shape_cast %swap3A_759 : vector<1x1x16xf32> to vector<16xf32>
        %swap3A_761 = vector.shape_cast %get3A_744 : vector<16xf32> to vector<1x1x16xf32>
        tpu.vector_store %arg7[%swap3A_756, %swap3A_757, %swap3A_758], %swap3A_761 {strides = array<i32>} : memref<2x160x128xf32, #tpu.memory_space<vmem>>, vector<1x1x16xf32>,
        %add3A_762 = arith.constant 3 : i32
        %add3A_763 = arith.addi %mul3A_228, %add3A_762 : i32
        %swap3A_764 = arith.constant 0 : i32
        %swap3A_765 = arith.index_cast %swap3A_764 : i32 to index
        %swap3A_766 = arith.index_cast %add3A_763 : i32 to index
        %swap3A_767 = arith.constant 112 : index
        %swap3A_768 = tpu.vector_load %arg7[%swap3A_765, %swap3A_766, %swap3A_767] {strides = array<i32>} : memref<2x160x128xf32, #tpu.memory_space<vmem>>, vector<1x1x16xf32>,
        %swap3A_769 = vector.shape_cast %swap3A_768 : vector<1x1x16xf32> to vector<16xf32>
        %swap3A_770 = vector.shape_cast %get3A_752 : vector<16xf32> to vector<1x1x16xf32>
        tpu.vector_store %arg7[%swap3A_765, %swap3A_766, %swap3A_767], %swap3A_770 {strides = array<i32>} : memref<2x160x128xf32, #tpu.memory_space<vmem>>, vector<1x1x16xf32>,
      }
      %scan3A_134 = arith.constant 40 : i32
      %add3A_135 = arith.constant 2 : i32
      %add3A_136 = arith.addi %add3A_105, %add3A_135 : i32
      %lt3A_137 = arith.constant 30 : i32
      %lt3A_138 = arith.cmpi slt, %add3A_136, %lt3A_137 : i32
      %convert_element_type3A_139 = arith.extui %lt3A_138 : i1 to i32
      %cond3A_140 = arith.constant 0 : i32
      %cond3A_141 = arith.cmpi ne, %convert_element_type3A_139, %cond3A_140 : i32
      scf.if %cond3A_141 {
        %add3A_224 = arith.constant 2 : i32
        %add3A_225 = arith.addi %add3A_105, %add3A_224 : i32
        %mul3A_226 = arith.constant 640 : i32
        %mul3A_227 = arith.muli %add3A_225, %mul3A_226 : i32
        %add3A_228 = arith.addi %mul3A_2, %mul3A_227 : i32
        %dma_start3A_229 = arith.constant 0 : i32
        %dma_start3A_230 = arith.constant 0 : i32
        %dma_start3A_231 = arith.constant 0 : i32
        %dma_start3A_232 = tpu.memref_slice %arg5[%dma_start3A_229, %dma_start3A_231] : memref<2x640xi32, #tpu.memory_space<vmem>> -> memref<1x640xi32, #tpu.memory_space<vmem>>
        %dma_start3A_233 = tpu.memref_squeeze %dma_start3A_232 : memref<1x640xi32, #tpu.memory_space<vmem>> -> memref<640xi32, #tpu.memory_space<vmem>>
        %dma_start3A_234 = tpu.memref_slice %arg2[%add3A_228] : memref<614400xi32, #tpu.memory_space<hbm>> -> memref<640xi32, #tpu.memory_space<hbm>>
        %dma_start3A_235 = tpu.memref_slice %arg8[%dma_start3A_230] : memref<2x!tpu.dma_semaphore, #tpu.memory_space<semaphore_mem>> -> memref<1x!tpu.dma_semaphore, #tpu.memory_space<semaphore_mem>>
        %dma_start3A_236 = tpu.memref_squeeze %dma_start3A_235 : memref<1x!tpu.dma_semaphore, #tpu.memory_space<semaphore_mem>> -> memref<!tpu.dma_semaphore, #tpu.memory_space<semaphore_mem>>
        %dma_start3A_237 = arith.constant 0 : i32
        %dma_start3A_238 = tpu.memref_slice %arg5[%dma_start3A_229, %dma_start3A_237] : memref<2x640xi32, #tpu.memory_space<vmem>> -> memref<1x640xi32, #tpu.memory_space<vmem>>
        %dma_start3A_239 = tpu.memref_squeeze %dma_start3A_238 : memref<1x640xi32, #tpu.memory_space<vmem>> -> memref<640xi32, #tpu.memory_space<vmem>>
        %dma_start3A_240 = tpu.memref_slice %arg2[%add3A_228] : memref<614400xi32, #tpu.memory_space<hbm>> -> memref<640xi32, #tpu.memory_space<hbm>>
        tpu.enqueue_dma source(%dma_start3A_240 : memref<640xi32, #tpu.memory_space<hbm>>) target(%dma_start3A_239 : memref<640xi32, #tpu.memory_space<vmem>>) target_semaphore(%dma_start3A_236 : memref<!tpu.dma_semaphore, #tpu.memory_space<semaphore_mem>>)
      } else {
      }
      %mul3A_142 = arith.constant 160 : i32
      %mul3A_143 = arith.muli %add3A_105, %mul3A_142 : i32
      %add3A_144 = arith.addi %mul3A_4, %mul3A_143 : i32
      %dma_start3A_145 = arith.constant 0 : i32
      %dma_start3A_146 = arith.constant 0 : i32
      %dma_start3A_147 = arith.constant 0 : i32
      %dma_start3A_148 = arith.constant 0 : i32
      %dma_start3A_149 = tpu.memref_slice %arg7[%dma_start3A_145, %dma_start3A_147, %dma_start3A_148] : memref<2x160x128xf32, #tpu.memory_space<vmem>> -> memref<1x160x128xf32, #tpu.memory_space<vmem>>
      %dma_start3A_150 = tpu.memref_squeeze %dma_start3A_149 : memref<1x160x128xf32, #tpu.memory_space<vmem>> -> memref<160x128xf32, #tpu.memory_space<vmem>>
      %dma_start3A_151 = arith.constant 0 : i32
      %dma_start3A_152 = tpu.memref_slice %arg4[%add3A_144, %dma_start3A_151] : memref<153600x128xf32, #tpu.memory_space<hbm>> -> memref<160x128xf32, #tpu.memory_space<hbm>>
      %dma_start3A_153 = tpu.memref_slice %arg10[%dma_start3A_146] : memref<2x!tpu.dma_semaphore, #tpu.memory_space<semaphore_mem>> -> memref<1x!tpu.dma_semaphore, #tpu.memory_space<semaphore_mem>>
      %dma_start3A_154 = tpu.memref_squeeze %dma_start3A_153 : memref<1x!tpu.dma_semaphore, #tpu.memory_space<semaphore_mem>> -> memref<!tpu.dma_semaphore, #tpu.memory_space<semaphore_mem>>
      %dma_start3A_155 = arith.constant 0 : i32
      %dma_start3A_156 = tpu.memref_slice %arg4[%add3A_144, %dma_start3A_155] : memref<153600x128xf32, #tpu.memory_space<hbm>> -> memref<160x128xf32, #tpu.memory_space<hbm>>
      %dma_start3A_157 = arith.constant 0 : i32
      %dma_start3A_158 = arith.constant 0 : i32
      %dma_start3A_159 = tpu.memref_slice %arg7[%dma_start3A_145, %dma_start3A_157, %dma_start3A_158] : memref<2x160x128xf32, #tpu.memory_space<vmem>> -> memref<1x160x128xf32, #tpu.memory_space<vmem>>
      %dma_start3A_160 = tpu.memref_squeeze %dma_start3A_159 : memref<1x160x128xf32, #tpu.memory_space<vmem>> -> memref<160x128xf32, #tpu.memory_space<vmem>>
      tpu.enqueue_dma source(%dma_start3A_160 : memref<160x128xf32, #tpu.memory_space<vmem>>) target(%dma_start3A_156 : memref<160x128xf32, #tpu.memory_space<hbm>>) target_semaphore(%dma_start3A_154 : memref<!tpu.dma_semaphore, #tpu.memory_space<semaphore_mem>>)
      %mul3A_161 = arith.constant 2 : i32
      %mul3A_162 = arith.muli %mul3A_161, %scan3A_101 : i32
      %add3A_163 = arith.constant 1 : i32
      %add3A_164 = arith.addi %mul3A_162, %add3A_163 : i32
      %dma_wait3A_165 = arith.constant 1 : i32
      %dma_wait3A_166 = arith.constant 1 : i32
      %dma_wait3A_167 = arith.constant 1 : i32
      %dma_wait3A_168 = arith.constant 0 : i32
      %dma_wait3A_169 = arith.constant 0 : i32
      %dma_wait3A_170 = tpu.memref_slice %arg6[%dma_wait3A_166, %dma_wait3A_168, %dma_wait3A_169] : memref<2x640x32xf32, #tpu.memory_space<vmem>> -> memref<1x640x32xf32, #tpu.memory_space<vmem>>
      %dma_wait3A_171 = tpu.memref_squeeze %dma_wait3A_170 : memref<1x640x32xf32, #tpu.memory_space<vmem>> -> memref<640x32xf32, #tpu.memory_space<vmem>>
      %dma_wait3A_172 = arith.constant 0 : i32
      %dma_wait3A_173 = tpu.memref_slice %arg5[%dma_wait3A_165, %dma_wait3A_172] : memref<2x640xi32, #tpu.memory_space<vmem>> -> memref<1x640xi32, #tpu.memory_space<vmem>>
      %dma_wait3A_174 = tpu.memref_squeeze %dma_wait3A_173 : memref<1x640xi32, #tpu.memory_space<vmem>> -> memref<640xi32, #tpu.memory_space<vmem>>
      %dma_wait3A_175 = arith.constant 0 : i32
      %dma_wait3A_176 = arith.constant 0 : i32
      %dma_wait3A_177 = tpu.memref_slice %arg3[%dma_wait3A_175, %dma_wait3A_176] : memref<1000001x32xf32, #tpu.memory_space<hbm>> -> memref<1000001x32xf32, #tpu.memory_space<hbm>>
      %dma_wait3A_178 = tpu.memref_slice %arg9[%dma_wait3A_167] : memref<2x!tpu.dma_semaphore, #tpu.memory_space<semaphore_mem>> -> memref<1x!tpu.dma_semaphore, #tpu.memory_space<semaphore_mem>>
      %dma_wait3A_179 = tpu.memref_squeeze %dma_wait3A_178 : memref<1x!tpu.dma_semaphore, #tpu.memory_space<semaphore_mem>> -> memref<!tpu.dma_semaphore, #tpu.memory_space<semaphore_mem>>
      tpu.wait_indirect_dma semaphore(%dma_wait3A_179 : memref<!tpu.dma_semaphore, #tpu.memory_space<semaphore_mem>>) src(%dma_wait3A_177 : memref<1000001x32xf32, #tpu.memory_space<hbm>>) dst(%dma_wait3A_171 : memref<640x32xf32, #tpu.memory_space<vmem>>)
      %add3A_180 = arith.constant 1 : i32
      %add3A_181 = arith.addi %add3A_164, %add3A_180 : i32
      %lt3A_182 = arith.constant 30 : i32
      %lt3A_183 = arith.cmpi slt, %add3A_181, %lt3A_182 : i32
      %convert_element_type3A_184 = arith.extui %lt3A_183 : i1 to i32
      %cond3A_185 = arith.constant 0 : i32
      %cond3A_186 = arith.cmpi ne, %convert_element_type3A_184, %cond3A_185 : i32
      scf.if %cond3A_186 {
        %add3A_224 = arith.constant 1 : i32
        %add3A_225 = arith.addi %add3A_164, %add3A_224 : i32
        %mul3A_226 = arith.constant 640 : i32
        %mul3A_227 = arith.muli %add3A_225, %mul3A_226 : i32
        %add3A_228 = arith.addi %mul3A_2, %mul3A_227 : i32
        %dma_wait3A_229 = arith.constant 0 : i32
        %dma_wait3A_230 = arith.constant 0 : i32
        %dma_wait3A_231 = arith.constant 0 : i32
        %dma_wait3A_232 = tpu.memref_slice %arg5[%dma_wait3A_229, %dma_wait3A_231] : memref<2x640xi32, #tpu.memory_space<vmem>> -> memref<1x640xi32, #tpu.memory_space<vmem>>
        %dma_wait3A_233 = tpu.memref_squeeze %dma_wait3A_232 : memref<1x640xi32, #tpu.memory_space<vmem>> -> memref<640xi32, #tpu.memory_space<vmem>>
        %dma_wait3A_234 = tpu.memref_slice %arg2[%add3A_228] : memref<614400xi32, #tpu.memory_space<hbm>> -> memref<640xi32, #tpu.memory_space<hbm>>
        %dma_wait3A_235 = tpu.memref_slice %arg8[%dma_wait3A_230] : memref<2x!tpu.dma_semaphore, #tpu.memory_space<semaphore_mem>> -> memref<1x!tpu.dma_semaphore, #tpu.memory_space<semaphore_mem>>
        %dma_wait3A_236 = tpu.memref_squeeze %dma_wait3A_235 : memref<1x!tpu.dma_semaphore, #tpu.memory_space<semaphore_mem>> -> memref<!tpu.dma_semaphore, #tpu.memory_space<semaphore_mem>>
        %dma_wait3A_237 = arith.constant 0 : i32
        %dma_wait3A_238 = tpu.memref_slice %arg5[%dma_wait3A_229, %dma_wait3A_237] : memref<2x640xi32, #tpu.memory_space<vmem>> -> memref<1x640xi32, #tpu.memory_space<vmem>>
        %dma_wait3A_239 = tpu.memref_squeeze %dma_wait3A_238 : memref<1x640xi32, #tpu.memory_space<vmem>> -> memref<640xi32, #tpu.memory_space<vmem>>
        %dma_wait3A_240 = tpu.memref_slice %arg2[%add3A_228] : memref<614400xi32, #tpu.memory_space<hbm>> -> memref<640xi32, #tpu.memory_space<hbm>>
        tpu.wait_dma2 semaphore(%dma_wait3A_236 : memref<!tpu.dma_semaphore, #tpu.memory_space<semaphore_mem>>) src(%dma_wait3A_240 : memref<640xi32, #tpu.memory_space<hbm>>) dst(%dma_wait3A_239 : memref<640xi32, #tpu.memory_space<vmem>>)
        %dma_start3A_241 = arith.constant 0 : i32
        %dma_start3A_242 = arith.constant 0 : i32
        %dma_start3A_243 = arith.constant 0 : i32
        %dma_start3A_244 = arith.constant 0 : i32
        %dma_start3A_245 = arith.constant 0 : i32
        %dma_start3A_246 = tpu.memref_slice %arg6[%dma_start3A_242, %dma_start3A_244, %dma_start3A_245] : memref<2x640x32xf32, #tpu.memory_space<vmem>> -> memref<1x640x32xf32, #tpu.memory_space<vmem>>
        %dma_start3A_247 = tpu.memref_squeeze %dma_start3A_246 : memref<1x640x32xf32, #tpu.memory_space<vmem>> -> memref<640x32xf32, #tpu.memory_space<vmem>>
        %dma_start3A_248 = arith.constant 0 : i32
        %dma_start3A_249 = tpu.memref_slice %arg5[%dma_start3A_241, %dma_start3A_248] : memref<2x640xi32, #tpu.memory_space<vmem>> -> memref<1x640xi32, #tpu.memory_space<vmem>>
        %dma_start3A_250 = tpu.memref_squeeze %dma_start3A_249 : memref<1x640xi32, #tpu.memory_space<vmem>> -> memref<640xi32, #tpu.memory_space<vmem>>
        %dma_start3A_251 = arith.constant 0 : i32
        %dma_start3A_252 = arith.constant 0 : i32
        %dma_start3A_253 = tpu.memref_slice %arg3[%dma_start3A_251, %dma_start3A_252] : memref<1000001x32xf32, #tpu.memory_space<hbm>> -> memref<1000001x32xf32, #tpu.memory_space<hbm>>
        %dma_start3A_254 = tpu.memref_slice %arg9[%dma_start3A_243] : memref<2x!tpu.dma_semaphore, #tpu.memory_space<semaphore_mem>> -> memref<1x!tpu.dma_semaphore, #tpu.memory_space<semaphore_mem>>
        %dma_start3A_255 = tpu.memref_squeeze %dma_start3A_254 : memref<1x!tpu.dma_semaphore, #tpu.memory_space<semaphore_mem>> -> memref<!tpu.dma_semaphore, #tpu.memory_space<semaphore_mem>>
        tpu.enqueue_indirect_dma source(%dma_start3A_253 : memref<1000001x32xf32, #tpu.memory_space<hbm>>) target(%dma_start3A_247 : memref<640x32xf32, #tpu.memory_space<vmem>>) offsets(%dma_start3A_250 : memref<640xi32, #tpu.memory_space<vmem>>) semaphore(%dma_start3A_255 : memref<!tpu.dma_semaphore, #tpu.memory_space<semaphore_mem>>)
      } else {
      }
      %gt3A_187 = arith.constant 0 : i32
      %gt3A_188 = arith.cmpi sgt, %scan3A_101, %gt3A_187 : i32
      %convert_element_type3A_189 = arith.extui %gt3A_188 : i1 to i32
      %cond3A_190 = arith.constant 0 : i32
      %cond3A_191 = arith.cmpi ne, %convert_element_type3A_189, %cond3A_190 : i32
      scf.if %cond3A_191 {
        %add3A_224 = arith.constant 0 : i32
        %add3A_225 = arith.addi %mul3A_4, %add3A_224 : i32
        %dma_wait3A_226 = arith.constant 1 : i32
        %dma_wait3A_227 = arith.constant 1 : i32
        %dma_wait3A_228 = arith.constant 0 : i32
        %dma_wait3A_229 = arith.constant 0 : i32
        %dma_wait3A_230 = tpu.memref_slice %arg7[%dma_wait3A_226, %dma_wait3A_228, %dma_wait3A_229] : memref<2x160x128xf32, #tpu.memory_space<vmem>> -> memref<1x160x128xf32, #tpu.memory_space<vmem>>
        %dma_wait3A_231 = tpu.memref_squeeze %dma_wait3A_230 : memref<1x160x128xf32, #tpu.memory_space<vmem>> -> memref<160x128xf32, #tpu.memory_space<vmem>>
        %dma_wait3A_232 = arith.constant 0 : i32
        %dma_wait3A_233 = tpu.memref_slice %arg4[%add3A_225, %dma_wait3A_232] : memref<153600x128xf32, #tpu.memory_space<hbm>> -> memref<160x128xf32, #tpu.memory_space<hbm>>
        %dma_wait3A_234 = tpu.memref_slice %arg10[%dma_wait3A_227] : memref<2x!tpu.dma_semaphore, #tpu.memory_space<semaphore_mem>> -> memref<1x!tpu.dma_semaphore, #tpu.memory_space<semaphore_mem>>
        %dma_wait3A_235 = tpu.memref_squeeze %dma_wait3A_234 : memref<1x!tpu.dma_semaphore, #tpu.memory_space<semaphore_mem>> -> memref<!tpu.dma_semaphore, #tpu.memory_space<semaphore_mem>>
        %dma_wait3A_236 = arith.constant 0 : i32
        %dma_wait3A_237 = tpu.memref_slice %arg4[%add3A_225, %dma_wait3A_236] : memref<153600x128xf32, #tpu.memory_space<hbm>> -> memref<160x128xf32, #tpu.memory_space<hbm>>
        %dma_wait3A_238 = arith.constant 0 : i32
        %dma_wait3A_239 = arith.constant 0 : i32
        %dma_wait3A_240 = tpu.memref_slice %arg7[%dma_wait3A_226, %dma_wait3A_238, %dma_wait3A_239] : memref<2x160x128xf32, #tpu.memory_space<vmem>> -> memref<1x160x128xf32, #tpu.memory_space<vmem>>
        %dma_wait3A_241 = tpu.memref_squeeze %dma_wait3A_240 : memref<1x160x128xf32, #tpu.memory_space<vmem>> -> memref<160x128xf32, #tpu.memory_space<vmem>>
        tpu.wait_dma2 semaphore(%dma_wait3A_235 : memref<!tpu.dma_semaphore, #tpu.memory_space<semaphore_mem>>) src(%dma_wait3A_241 : memref<160x128xf32, #tpu.memory_space<vmem>>) dst(%dma_wait3A_237 : memref<160x128xf32, #tpu.memory_space<hbm>>)
      } else {
      }
      %scan3A_192 = arith.constant 0 : i32
      %scan3A_193 = arith.constant 0 : i32
      %scan3A_194 = arith.constant 40 : i32
      %scan3A_195 = arith.addi %scan3A_193, %scan3A_194 : i32
      %scan3A_196 = arith.constant 1 : i32
      scf.for %scan3A_224 = %scan3A_193 to %scan3A_195 step %scan3A_196  : i32 {
        %mul3A_225 = arith.constant 16 : i32
        %mul3A_226 = arith.muli %scan3A_224, %mul3A_225 : i32
        %mul3A_227 = arith.constant 4 : i32
        %mul3A_228 = arith.muli %scan3A_224, %mul3A_227 : i32
        %add3A_229 = arith.constant 0 : i32
        %add3A_230 = arith.addi %mul3A_226, %add3A_229 : i32
        %get3A = arith.constant 1 : i32
        %get3A_231 = arith.index_cast %get3A : i32 to index
        %get3A_232 = arith.index_cast %add3A_230 : i32 to index
        %get3A_233 = arith.constant 0 : index
        %get3A_234 = tpu.vector_load %arg6[%get3A_231, %get3A_232, %get3A_233] {strides = array<i32>} : memref<2x640x32xf32, #tpu.memory_space<vmem>>, vector<1x1x16xf32>,
        %get3A_235 = vector.shape_cast %get3A_234 : vector<1x1x16xf32> to vector<16xf32>
        %add3A_236 = arith.constant 0 : i32
        %add3A_237 = arith.addi %mul3A_226, %add3A_236 : i32
        %get3A_238 = arith.constant 1 : i32
        %get3A_239 = arith.index_cast %get3A_238 : i32 to index
        %get3A_240 = arith.index_cast %add3A_237 : i32 to index
        %get3A_241 = arith.constant 16 : index
        %get3A_242 = tpu.vector_load %arg6[%get3A_239, %get3A_240, %get3A_241] {strides = array<i32>} : memref<2x640x32xf32, #tpu.memory_space<vmem>>, vector<1x1x16xf32>,
        %get3A_243 = vector.shape_cast %get3A_242 : vector<1x1x16xf32> to vector<16xf32>
        %add3A_244 = arith.constant 0 : i32
        %add3A_245 = arith.addi %mul3A_228, %add3A_244 : i32
        %swap3A = arith.constant 1 : i32
        %swap3A_246 = arith.index_cast %swap3A : i32 to index
        %swap3A_247 = arith.index_cast %add3A_245 : i32 to index
        %swap3A_248 = arith.constant 0 : index
        %swap3A_249 = tpu.vector_load %arg7[%swap3A_246, %swap3A_247, %swap3A_248] {strides = array<i32>} : memref<2x160x128xf32, #tpu.memory_space<vmem>>, vector<1x1x16xf32>,
        %swap3A_250 = vector.shape_cast %swap3A_249 : vector<1x1x16xf32> to vector<16xf32>
        %swap3A_251 = vector.shape_cast %get3A_235 : vector<16xf32> to vector<1x1x16xf32>
        tpu.vector_store %arg7[%swap3A_246, %swap3A_247, %swap3A_248], %swap3A_251 {strides = array<i32>} : memref<2x160x128xf32, #tpu.memory_space<vmem>>, vector<1x1x16xf32>,
        %add3A_252 = arith.constant 0 : i32
        %add3A_253 = arith.addi %mul3A_228, %add3A_252 : i32
        %swap3A_254 = arith.constant 1 : i32
        %swap3A_255 = arith.index_cast %swap3A_254 : i32 to index
        %swap3A_256 = arith.index_cast %add3A_253 : i32 to index
        %swap3A_257 = arith.constant 16 : index
        %swap3A_258 = tpu.vector_load %arg7[%swap3A_255, %swap3A_256, %swap3A_257] {strides = array<i32>} : memref<2x160x128xf32, #tpu.memory_space<vmem>>, vector<1x1x16xf32>,
        %swap3A_259 = vector.shape_cast %swap3A_258 : vector<1x1x16xf32> to vector<16xf32>
        %swap3A_260 = vector.shape_cast %get3A_243 : vector<16xf32> to vector<1x1x16xf32>
        tpu.vector_store %arg7[%swap3A_255, %swap3A_256, %swap3A_257], %swap3A_260 {strides = array<i32>} : memref<2x160x128xf32, #tpu.memory_space<vmem>>, vector<1x1x16xf32>,
        %add3A_261 = arith.constant 1 : i32
        %add3A_262 = arith.addi %mul3A_226, %add3A_261 : i32
        %get3A_263 = arith.constant 1 : i32
        %get3A_264 = arith.index_cast %get3A_263 : i32 to index
        %get3A_265 = arith.index_cast %add3A_262 : i32 to index
        %get3A_266 = arith.constant 0 : index
        %get3A_267 = tpu.vector_load %arg6[%get3A_264, %get3A_265, %get3A_266] {strides = array<i32>} : memref<2x640x32xf32, #tpu.memory_space<vmem>>, vector<1x1x16xf32>,
        %get3A_268 = vector.shape_cast %get3A_267 : vector<1x1x16xf32> to vector<16xf32>
        %add3A_269 = arith.constant 1 : i32
        %add3A_270 = arith.addi %mul3A_226, %add3A_269 : i32
        %get3A_271 = arith.constant 1 : i32
        %get3A_272 = arith.index_cast %get3A_271 : i32 to index
        %get3A_273 = arith.index_cast %add3A_270 : i32 to index
        %get3A_274 = arith.constant 16 : index
        %get3A_275 = tpu.vector_load %arg6[%get3A_272, %get3A_273, %get3A_274] {strides = array<i32>} : memref<2x640x32xf32, #tpu.memory_space<vmem>>, vector<1x1x16xf32>,
        %get3A_276 = vector.shape_cast %get3A_275 : vector<1x1x16xf32> to vector<16xf32>
        %add3A_277 = arith.constant 0 : i32
        %add3A_278 = arith.addi %mul3A_228, %add3A_277 : i32
        %swap3A_279 = arith.constant 1 : i32
        %swap3A_280 = arith.index_cast %swap3A_279 : i32 to index
        %swap3A_281 = arith.index_cast %add3A_278 : i32 to index
        %swap3A_282 = arith.constant 32 : index
        %swap3A_283 = tpu.vector_load %arg7[%swap3A_280, %swap3A_281, %swap3A_282] {strides = array<i32>} : memref<2x160x128xf32, #tpu.memory_space<vmem>>, vector<1x1x16xf32>,
        %swap3A_284 = vector.shape_cast %swap3A_283 : vector<1x1x16xf32> to vector<16xf32>
        %swap3A_285 = vector.shape_cast %get3A_268 : vector<16xf32> to vector<1x1x16xf32>
        tpu.vector_store %arg7[%swap3A_280, %swap3A_281, %swap3A_282], %swap3A_285 {strides = array<i32>} : memref<2x160x128xf32, #tpu.memory_space<vmem>>, vector<1x1x16xf32>,
        %add3A_286 = arith.constant 0 : i32
        %add3A_287 = arith.addi %mul3A_228, %add3A_286 : i32
        %swap3A_288 = arith.constant 1 : i32
        %swap3A_289 = arith.index_cast %swap3A_288 : i32 to index
        %swap3A_290 = arith.index_cast %add3A_287 : i32 to index
        %swap3A_291 = arith.constant 48 : index
        %swap3A_292 = tpu.vector_load %arg7[%swap3A_289, %swap3A_290, %swap3A_291] {strides = array<i32>} : memref<2x160x128xf32, #tpu.memory_space<vmem>>, vector<1x1x16xf32>,
        %swap3A_293 = vector.shape_cast %swap3A_292 : vector<1x1x16xf32> to vector<16xf32>
        %swap3A_294 = vector.shape_cast %get3A_276 : vector<16xf32> to vector<1x1x16xf32>
        tpu.vector_store %arg7[%swap3A_289, %swap3A_290, %swap3A_291], %swap3A_294 {strides = array<i32>} : memref<2x160x128xf32, #tpu.memory_space<vmem>>, vector<1x1x16xf32>,
        %add3A_295 = arith.constant 2 : i32
        %add3A_296 = arith.addi %mul3A_226, %add3A_295 : i32
        %get3A_297 = arith.constant 1 : i32
        %get3A_298 = arith.index_cast %get3A_297 : i32 to index
        %get3A_299 = arith.index_cast %add3A_296 : i32 to index
        %get3A_300 = arith.constant 0 : index
        %get3A_301 = tpu.vector_load %arg6[%get3A_298, %get3A_299, %get3A_300] {strides = array<i32>} : memref<2x640x32xf32, #tpu.memory_space<vmem>>, vector<1x1x16xf32>,
        %get3A_302 = vector.shape_cast %get3A_301 : vector<1x1x16xf32> to vector<16xf32>
        %add3A_303 = arith.constant 2 : i32
        %add3A_304 = arith.addi %mul3A_226, %add3A_303 : i32
        %get3A_305 = arith.constant 1 : i32
        %get3A_306 = arith.index_cast %get3A_305 : i32 to index
        %get3A_307 = arith.index_cast %add3A_304 : i32 to index
        %get3A_308 = arith.constant 16 : index
        %get3A_309 = tpu.vector_load %arg6[%get3A_306, %get3A_307, %get3A_308] {strides = array<i32>} : memref<2x640x32xf32, #tpu.memory_space<vmem>>, vector<1x1x16xf32>,
        %get3A_310 = vector.shape_cast %get3A_309 : vector<1x1x16xf32> to vector<16xf32>
        %add3A_311 = arith.constant 0 : i32
        %add3A_312 = arith.addi %mul3A_228, %add3A_311 : i32
        %swap3A_313 = arith.constant 1 : i32
        %swap3A_314 = arith.index_cast %swap3A_313 : i32 to index
        %swap3A_315 = arith.index_cast %add3A_312 : i32 to index
        %swap3A_316 = arith.constant 64 : index
        %swap3A_317 = tpu.vector_load %arg7[%swap3A_314, %swap3A_315, %swap3A_316] {strides = array<i32>} : memref<2x160x128xf32, #tpu.memory_space<vmem>>, vector<1x1x16xf32>,
        %swap3A_318 = vector.shape_cast %swap3A_317 : vector<1x1x16xf32> to vector<16xf32>
        %swap3A_319 = vector.shape_cast %get3A_302 : vector<16xf32> to vector<1x1x16xf32>
        tpu.vector_store %arg7[%swap3A_314, %swap3A_315, %swap3A_316], %swap3A_319 {strides = array<i32>} : memref<2x160x128xf32, #tpu.memory_space<vmem>>, vector<1x1x16xf32>,
        %add3A_320 = arith.constant 0 : i32
        %add3A_321 = arith.addi %mul3A_228, %add3A_320 : i32
        %swap3A_322 = arith.constant 1 : i32
        %swap3A_323 = arith.index_cast %swap3A_322 : i32 to index
        %swap3A_324 = arith.index_cast %add3A_321 : i32 to index
        %swap3A_325 = arith.constant 80 : index
        %swap3A_326 = tpu.vector_load %arg7[%swap3A_323, %swap3A_324, %swap3A_325] {strides = array<i32>} : memref<2x160x128xf32, #tpu.memory_space<vmem>>, vector<1x1x16xf32>,
        %swap3A_327 = vector.shape_cast %swap3A_326 : vector<1x1x16xf32> to vector<16xf32>
        %swap3A_328 = vector.shape_cast %get3A_310 : vector<16xf32> to vector<1x1x16xf32>
        tpu.vector_store %arg7[%swap3A_323, %swap3A_324, %swap3A_325], %swap3A_328 {strides = array<i32>} : memref<2x160x128xf32, #tpu.memory_space<vmem>>, vector<1x1x16xf32>,
        %add3A_329 = arith.constant 3 : i32
        %add3A_330 = arith.addi %mul3A_226, %add3A_329 : i32
        %get3A_331 = arith.constant 1 : i32
        %get3A_332 = arith.index_cast %get3A_331 : i32 to index
        %get3A_333 = arith.index_cast %add3A_330 : i32 to index
        %get3A_334 = arith.constant 0 : index
        %get3A_335 = tpu.vector_load %arg6[%get3A_332, %get3A_333, %get3A_334] {strides = array<i32>} : memref<2x640x32xf32, #tpu.memory_space<vmem>>, vector<1x1x16xf32>,
        %get3A_336 = vector.shape_cast %get3A_335 : vector<1x1x16xf32> to vector<16xf32>
        %add3A_337 = arith.constant 3 : i32
        %add3A_338 = arith.addi %mul3A_226, %add3A_337 : i32
        %get3A_339 = arith.constant 1 : i32
        %get3A_340 = arith.index_cast %get3A_339 : i32 to index
        %get3A_341 = arith.index_cast %add3A_338 : i32 to index
        %get3A_342 = arith.constant 16 : index
        %get3A_343 = tpu.vector_load %arg6[%get3A_340, %get3A_341, %get3A_342] {strides = array<i32>} : memref<2x640x32xf32, #tpu.memory_space<vmem>>, vector<1x1x16xf32>,
        %get3A_344 = vector.shape_cast %get3A_343 : vector<1x1x16xf32> to vector<16xf32>
        %add3A_345 = arith.constant 0 : i32
        %add3A_346 = arith.addi %mul3A_228, %add3A_345 : i32
        %swap3A_347 = arith.constant 1 : i32
        %swap3A_348 = arith.index_cast %swap3A_347 : i32 to index
        %swap3A_349 = arith.index_cast %add3A_346 : i32 to index
        %swap3A_350 = arith.constant 96 : index
        %swap3A_351 = tpu.vector_load %arg7[%swap3A_348, %swap3A_349, %swap3A_350] {strides = array<i32>} : memref<2x160x128xf32, #tpu.memory_space<vmem>>, vector<1x1x16xf32>,
        %swap3A_352 = vector.shape_cast %swap3A_351 : vector<1x1x16xf32> to vector<16xf32>
        %swap3A_353 = vector.shape_cast %get3A_336 : vector<16xf32> to vector<1x1x16xf32>
        tpu.vector_store %arg7[%swap3A_348, %swap3A_349, %swap3A_350], %swap3A_353 {strides = array<i32>} : memref<2x160x128xf32, #tpu.memory_space<vmem>>, vector<1x1x16xf32>,
        %add3A_354 = arith.constant 0 : i32
        %add3A_355 = arith.addi %mul3A_228, %add3A_354 : i32
        %swap3A_356 = arith.constant 1 : i32
        %swap3A_357 = arith.index_cast %swap3A_356 : i32 to index
        %swap3A_358 = arith.index_cast %add3A_355 : i32 to index
        %swap3A_359 = arith.constant 112 : index
        %swap3A_360 = tpu.vector_load %arg7[%swap3A_357, %swap3A_358, %swap3A_359] {strides = array<i32>} : memref<2x160x128xf32, #tpu.memory_space<vmem>>, vector<1x1x16xf32>,
        %swap3A_361 = vector.shape_cast %swap3A_360 : vector<1x1x16xf32> to vector<16xf32>
        %swap3A_362 = vector.shape_cast %get3A_344 : vector<16xf32> to vector<1x1x16xf32>
        tpu.vector_store %arg7[%swap3A_357, %swap3A_358, %swap3A_359], %swap3A_362 {strides = array<i32>} : memref<2x160x128xf32, #tpu.memory_space<vmem>>, vector<1x1x16xf32>,
        %add3A_363 = arith.constant 4 : i32
        %add3A_364 = arith.addi %mul3A_226, %add3A_363 : i32
        %get3A_365 = arith.constant 1 : i32
        %get3A_366 = arith.index_cast %get3A_365 : i32 to index
        %get3A_367 = arith.index_cast %add3A_364 : i32 to index
        %get3A_368 = arith.constant 0 : index
        %get3A_369 = tpu.vector_load %arg6[%get3A_366, %get3A_367, %get3A_368] {strides = array<i32>} : memref<2x640x32xf32, #tpu.memory_space<vmem>>, vector<1x1x16xf32>,
        %get3A_370 = vector.shape_cast %get3A_369 : vector<1x1x16xf32> to vector<16xf32>
        %add3A_371 = arith.constant 4 : i32
        %add3A_372 = arith.addi %mul3A_226, %add3A_371 : i32
        %get3A_373 = arith.constant 1 : i32
        %get3A_374 = arith.index_cast %get3A_373 : i32 to index
        %get3A_375 = arith.index_cast %add3A_372 : i32 to index
        %get3A_376 = arith.constant 16 : index
        %get3A_377 = tpu.vector_load %arg6[%get3A_374, %get3A_375, %get3A_376] {strides = array<i32>} : memref<2x640x32xf32, #tpu.memory_space<vmem>>, vector<1x1x16xf32>,
        %get3A_378 = vector.shape_cast %get3A_377 : vector<1x1x16xf32> to vector<16xf32>
        %add3A_379 = arith.constant 1 : i32
        %add3A_380 = arith.addi %mul3A_228, %add3A_379 : i32
        %swap3A_381 = arith.constant 1 : i32
        %swap3A_382 = arith.index_cast %swap3A_381 : i32 to index
        %swap3A_383 = arith.index_cast %add3A_380 : i32 to index
        %swap3A_384 = arith.constant 0 : index
        %swap3A_385 = tpu.vector_load %arg7[%swap3A_382, %swap3A_383, %swap3A_384] {strides = array<i32>} : memref<2x160x128xf32, #tpu.memory_space<vmem>>, vector<1x1x16xf32>,
        %swap3A_386 = vector.shape_cast %swap3A_385 : vector<1x1x16xf32> to vector<16xf32>
        %swap3A_387 = vector.shape_cast %get3A_370 : vector<16xf32> to vector<1x1x16xf32>
        tpu.vector_store %arg7[%swap3A_382, %swap3A_383, %swap3A_384], %swap3A_387 {strides = array<i32>} : memref<2x160x128xf32, #tpu.memory_space<vmem>>, vector<1x1x16xf32>,
        %add3A_388 = arith.constant 1 : i32
        %add3A_389 = arith.addi %mul3A_228, %add3A_388 : i32
        %swap3A_390 = arith.constant 1 : i32
        %swap3A_391 = arith.index_cast %swap3A_390 : i32 to index
        %swap3A_392 = arith.index_cast %add3A_389 : i32 to index
        %swap3A_393 = arith.constant 16 : index
        %swap3A_394 = tpu.vector_load %arg7[%swap3A_391, %swap3A_392, %swap3A_393] {strides = array<i32>} : memref<2x160x128xf32, #tpu.memory_space<vmem>>, vector<1x1x16xf32>,
        %swap3A_395 = vector.shape_cast %swap3A_394 : vector<1x1x16xf32> to vector<16xf32>
        %swap3A_396 = vector.shape_cast %get3A_378 : vector<16xf32> to vector<1x1x16xf32>
        tpu.vector_store %arg7[%swap3A_391, %swap3A_392, %swap3A_393], %swap3A_396 {strides = array<i32>} : memref<2x160x128xf32, #tpu.memory_space<vmem>>, vector<1x1x16xf32>,
        %add3A_397 = arith.constant 5 : i32
        %add3A_398 = arith.addi %mul3A_226, %add3A_397 : i32
        %get3A_399 = arith.constant 1 : i32
        %get3A_400 = arith.index_cast %get3A_399 : i32 to index
        %get3A_401 = arith.index_cast %add3A_398 : i32 to index
        %get3A_402 = arith.constant 0 : index
        %get3A_403 = tpu.vector_load %arg6[%get3A_400, %get3A_401, %get3A_402] {strides = array<i32>} : memref<2x640x32xf32, #tpu.memory_space<vmem>>, vector<1x1x16xf32>,
        %get3A_404 = vector.shape_cast %get3A_403 : vector<1x1x16xf32> to vector<16xf32>
        %add3A_405 = arith.constant 5 : i32
        %add3A_406 = arith.addi %mul3A_226, %add3A_405 : i32
        %get3A_407 = arith.constant 1 : i32
        %get3A_408 = arith.index_cast %get3A_407 : i32 to index
        %get3A_409 = arith.index_cast %add3A_406 : i32 to index
        %get3A_410 = arith.constant 16 : index
        %get3A_411 = tpu.vector_load %arg6[%get3A_408, %get3A_409, %get3A_410] {strides = array<i32>} : memref<2x640x32xf32, #tpu.memory_space<vmem>>, vector<1x1x16xf32>,
        %get3A_412 = vector.shape_cast %get3A_411 : vector<1x1x16xf32> to vector<16xf32>
        %add3A_413 = arith.constant 1 : i32
        %add3A_414 = arith.addi %mul3A_228, %add3A_413 : i32
        %swap3A_415 = arith.constant 1 : i32
        %swap3A_416 = arith.index_cast %swap3A_415 : i32 to index
        %swap3A_417 = arith.index_cast %add3A_414 : i32 to index
        %swap3A_418 = arith.constant 32 : index
        %swap3A_419 = tpu.vector_load %arg7[%swap3A_416, %swap3A_417, %swap3A_418] {strides = array<i32>} : memref<2x160x128xf32, #tpu.memory_space<vmem>>, vector<1x1x16xf32>,
        %swap3A_420 = vector.shape_cast %swap3A_419 : vector<1x1x16xf32> to vector<16xf32>
        %swap3A_421 = vector.shape_cast %get3A_404 : vector<16xf32> to vector<1x1x16xf32>
        tpu.vector_store %arg7[%swap3A_416, %swap3A_417, %swap3A_418], %swap3A_421 {strides = array<i32>} : memref<2x160x128xf32, #tpu.memory_space<vmem>>, vector<1x1x16xf32>,
        %add3A_422 = arith.constant 1 : i32
        %add3A_423 = arith.addi %mul3A_228, %add3A_422 : i32
        %swap3A_424 = arith.constant 1 : i32
        %swap3A_425 = arith.index_cast %swap3A_424 : i32 to index
        %swap3A_426 = arith.index_cast %add3A_423 : i32 to index
        %swap3A_427 = arith.constant 48 : index
        %swap3A_428 = tpu.vector_load %arg7[%swap3A_425, %swap3A_426, %swap3A_427] {strides = array<i32>} : memref<2x160x128xf32, #tpu.memory_space<vmem>>, vector<1x1x16xf32>,
        %swap3A_429 = vector.shape_cast %swap3A_428 : vector<1x1x16xf32> to vector<16xf32>
        %swap3A_430 = vector.shape_cast %get3A_412 : vector<16xf32> to vector<1x1x16xf32>
        tpu.vector_store %arg7[%swap3A_425, %swap3A_426, %swap3A_427], %swap3A_430 {strides = array<i32>} : memref<2x160x128xf32, #tpu.memory_space<vmem>>, vector<1x1x16xf32>,
        %add3A_431 = arith.constant 6 : i32
        %add3A_432 = arith.addi %mul3A_226, %add3A_431 : i32
        %get3A_433 = arith.constant 1 : i32
        %get3A_434 = arith.index_cast %get3A_433 : i32 to index
        %get3A_435 = arith.index_cast %add3A_432 : i32 to index
        %get3A_436 = arith.constant 0 : index
        %get3A_437 = tpu.vector_load %arg6[%get3A_434, %get3A_435, %get3A_436] {strides = array<i32>} : memref<2x640x32xf32, #tpu.memory_space<vmem>>, vector<1x1x16xf32>,
        %get3A_438 = vector.shape_cast %get3A_437 : vector<1x1x16xf32> to vector<16xf32>
        %add3A_439 = arith.constant 6 : i32
        %add3A_440 = arith.addi %mul3A_226, %add3A_439 : i32
        %get3A_441 = arith.constant 1 : i32
        %get3A_442 = arith.index_cast %get3A_441 : i32 to index
        %get3A_443 = arith.index_cast %add3A_440 : i32 to index
        %get3A_444 = arith.constant 16 : index
        %get3A_445 = tpu.vector_load %arg6[%get3A_442, %get3A_443, %get3A_444] {strides = array<i32>} : memref<2x640x32xf32, #tpu.memory_space<vmem>>, vector<1x1x16xf32>,
        %get3A_446 = vector.shape_cast %get3A_445 : vector<1x1x16xf32> to vector<16xf32>
        %add3A_447 = arith.constant 1 : i32
        %add3A_448 = arith.addi %mul3A_228, %add3A_447 : i32
        %swap3A_449 = arith.constant 1 : i32
        %swap3A_450 = arith.index_cast %swap3A_449 : i32 to index
        %swap3A_451 = arith.index_cast %add3A_448 : i32 to index
        %swap3A_452 = arith.constant 64 : index
        %swap3A_453 = tpu.vector_load %arg7[%swap3A_450, %swap3A_451, %swap3A_452] {strides = array<i32>} : memref<2x160x128xf32, #tpu.memory_space<vmem>>, vector<1x1x16xf32>,
        %swap3A_454 = vector.shape_cast %swap3A_453 : vector<1x1x16xf32> to vector<16xf32>
        %swap3A_455 = vector.shape_cast %get3A_438 : vector<16xf32> to vector<1x1x16xf32>
        tpu.vector_store %arg7[%swap3A_450, %swap3A_451, %swap3A_452], %swap3A_455 {strides = array<i32>} : memref<2x160x128xf32, #tpu.memory_space<vmem>>, vector<1x1x16xf32>,
        %add3A_456 = arith.constant 1 : i32
        %add3A_457 = arith.addi %mul3A_228, %add3A_456 : i32
        %swap3A_458 = arith.constant 1 : i32
        %swap3A_459 = arith.index_cast %swap3A_458 : i32 to index
        %swap3A_460 = arith.index_cast %add3A_457 : i32 to index
        %swap3A_461 = arith.constant 80 : index
        %swap3A_462 = tpu.vector_load %arg7[%swap3A_459, %swap3A_460, %swap3A_461] {strides = array<i32>} : memref<2x160x128xf32, #tpu.memory_space<vmem>>, vector<1x1x16xf32>,
        %swap3A_463 = vector.shape_cast %swap3A_462 : vector<1x1x16xf32> to vector<16xf32>
        %swap3A_464 = vector.shape_cast %get3A_446 : vector<16xf32> to vector<1x1x16xf32>
        tpu.vector_store %arg7[%swap3A_459, %swap3A_460, %swap3A_461], %swap3A_464 {strides = array<i32>} : memref<2x160x128xf32, #tpu.memory_space<vmem>>, vector<1x1x16xf32>,
        %add3A_465 = arith.constant 7 : i32
        %add3A_466 = arith.addi %mul3A_226, %add3A_465 : i32
        %get3A_467 = arith.constant 1 : i32
        %get3A_468 = arith.index_cast %get3A_467 : i32 to index
        %get3A_469 = arith.index_cast %add3A_466 : i32 to index
        %get3A_470 = arith.constant 0 : index
        %get3A_471 = tpu.vector_load %arg6[%get3A_468, %get3A_469, %get3A_470] {strides = array<i32>} : memref<2x640x32xf32, #tpu.memory_space<vmem>>, vector<1x1x16xf32>,
        %get3A_472 = vector.shape_cast %get3A_471 : vector<1x1x16xf32> to vector<16xf32>
        %add3A_473 = arith.constant 7 : i32
        %add3A_474 = arith.addi %mul3A_226, %add3A_473 : i32
        %get3A_475 = arith.constant 1 : i32
        %get3A_476 = arith.index_cast %get3A_475 : i32 to index
        %get3A_477 = arith.index_cast %add3A_474 : i32 to index
        %get3A_478 = arith.constant 16 : index
        %get3A_479 = tpu.vector_load %arg6[%get3A_476, %get3A_477, %get3A_478] {strides = array<i32>} : memref<2x640x32xf32, #tpu.memory_space<vmem>>, vector<1x1x16xf32>,
        %get3A_480 = vector.shape_cast %get3A_479 : vector<1x1x16xf32> to vector<16xf32>
        %add3A_481 = arith.constant 1 : i32
        %add3A_482 = arith.addi %mul3A_228, %add3A_481 : i32
        %swap3A_483 = arith.constant 1 : i32
        %swap3A_484 = arith.index_cast %swap3A_483 : i32 to index
        %swap3A_485 = arith.index_cast %add3A_482 : i32 to index
        %swap3A_486 = arith.constant 96 : index
        %swap3A_487 = tpu.vector_load %arg7[%swap3A_484, %swap3A_485, %swap3A_486] {strides = array<i32>} : memref<2x160x128xf32, #tpu.memory_space<vmem>>, vector<1x1x16xf32>,
        %swap3A_488 = vector.shape_cast %swap3A_487 : vector<1x1x16xf32> to vector<16xf32>
        %swap3A_489 = vector.shape_cast %get3A_472 : vector<16xf32> to vector<1x1x16xf32>
        tpu.vector_store %arg7[%swap3A_484, %swap3A_485, %swap3A_486], %swap3A_489 {strides = array<i32>} : memref<2x160x128xf32, #tpu.memory_space<vmem>>, vector<1x1x16xf32>,
        %add3A_490 = arith.constant 1 : i32
        %add3A_491 = arith.addi %mul3A_228, %add3A_490 : i32
        %swap3A_492 = arith.constant 1 : i32
        %swap3A_493 = arith.index_cast %swap3A_492 : i32 to index
        %swap3A_494 = arith.index_cast %add3A_491 : i32 to index
        %swap3A_495 = arith.constant 112 : index
        %swap3A_496 = tpu.vector_load %arg7[%swap3A_493, %swap3A_494, %swap3A_495] {strides = array<i32>} : memref<2x160x128xf32, #tpu.memory_space<vmem>>, vector<1x1x16xf32>,
        %swap3A_497 = vector.shape_cast %swap3A_496 : vector<1x1x16xf32> to vector<16xf32>
        %swap3A_498 = vector.shape_cast %get3A_480 : vector<16xf32> to vector<1x1x16xf32>
        tpu.vector_store %arg7[%swap3A_493, %swap3A_494, %swap3A_495], %swap3A_498 {strides = array<i32>} : memref<2x160x128xf32, #tpu.memory_space<vmem>>, vector<1x1x16xf32>,
        %add3A_499 = arith.constant 8 : i32
        %add3A_500 = arith.addi %mul3A_226, %add3A_499 : i32
        %get3A_501 = arith.constant 1 : i32
        %get3A_502 = arith.index_cast %get3A_501 : i32 to index
        %get3A_503 = arith.index_cast %add3A_500 : i32 to index
        %get3A_504 = arith.constant 0 : index
        %get3A_505 = tpu.vector_load %arg6[%get3A_502, %get3A_503, %get3A_504] {strides = array<i32>} : memref<2x640x32xf32, #tpu.memory_space<vmem>>, vector<1x1x16xf32>,
        %get3A_506 = vector.shape_cast %get3A_505 : vector<1x1x16xf32> to vector<16xf32>
        %add3A_507 = arith.constant 8 : i32
        %add3A_508 = arith.addi %mul3A_226, %add3A_507 : i32
        %get3A_509 = arith.constant 1 : i32
        %get3A_510 = arith.index_cast %get3A_509 : i32 to index
        %get3A_511 = arith.index_cast %add3A_508 : i32 to index
        %get3A_512 = arith.constant 16 : index
        %get3A_513 = tpu.vector_load %arg6[%get3A_510, %get3A_511, %get3A_512] {strides = array<i32>} : memref<2x640x32xf32, #tpu.memory_space<vmem>>, vector<1x1x16xf32>,
        %get3A_514 = vector.shape_cast %get3A_513 : vector<1x1x16xf32> to vector<16xf32>
        %add3A_515 = arith.constant 2 : i32
        %add3A_516 = arith.addi %mul3A_228, %add3A_515 : i32
        %swap3A_517 = arith.constant 1 : i32
        %swap3A_518 = arith.index_cast %swap3A_517 : i32 to index
        %swap3A_519 = arith.index_cast %add3A_516 : i32 to index
        %swap3A_520 = arith.constant 0 : index
        %swap3A_521 = tpu.vector_load %arg7[%swap3A_518, %swap3A_519, %swap3A_520] {strides = array<i32>} : memref<2x160x128xf32, #tpu.memory_space<vmem>>, vector<1x1x16xf32>,
        %swap3A_522 = vector.shape_cast %swap3A_521 : vector<1x1x16xf32> to vector<16xf32>
        %swap3A_523 = vector.shape_cast %get3A_506 : vector<16xf32> to vector<1x1x16xf32>
        tpu.vector_store %arg7[%swap3A_518, %swap3A_519, %swap3A_520], %swap3A_523 {strides = array<i32>} : memref<2x160x128xf32, #tpu.memory_space<vmem>>, vector<1x1x16xf32>,
        %add3A_524 = arith.constant 2 : i32
        %add3A_525 = arith.addi %mul3A_228, %add3A_524 : i32
        %swap3A_526 = arith.constant 1 : i32
        %swap3A_527 = arith.index_cast %swap3A_526 : i32 to index
        %swap3A_528 = arith.index_cast %add3A_525 : i32 to index
        %swap3A_529 = arith.constant 16 : index
        %swap3A_530 = tpu.vector_load %arg7[%swap3A_527, %swap3A_528, %swap3A_529] {strides = array<i32>} : memref<2x160x128xf32, #tpu.memory_space<vmem>>, vector<1x1x16xf32>,
        %swap3A_531 = vector.shape_cast %swap3A_530 : vector<1x1x16xf32> to vector<16xf32>
        %swap3A_532 = vector.shape_cast %get3A_514 : vector<16xf32> to vector<1x1x16xf32>
        tpu.vector_store %arg7[%swap3A_527, %swap3A_528, %swap3A_529], %swap3A_532 {strides = array<i32>} : memref<2x160x128xf32, #tpu.memory_space<vmem>>, vector<1x1x16xf32>,
        %add3A_533 = arith.constant 9 : i32
        %add3A_534 = arith.addi %mul3A_226, %add3A_533 : i32
        %get3A_535 = arith.constant 1 : i32
        %get3A_536 = arith.index_cast %get3A_535 : i32 to index
        %get3A_537 = arith.index_cast %add3A_534 : i32 to index
        %get3A_538 = arith.constant 0 : index
        %get3A_539 = tpu.vector_load %arg6[%get3A_536, %get3A_537, %get3A_538] {strides = array<i32>} : memref<2x640x32xf32, #tpu.memory_space<vmem>>, vector<1x1x16xf32>,
        %get3A_540 = vector.shape_cast %get3A_539 : vector<1x1x16xf32> to vector<16xf32>
        %add3A_541 = arith.constant 9 : i32
        %add3A_542 = arith.addi %mul3A_226, %add3A_541 : i32
        %get3A_543 = arith.constant 1 : i32
        %get3A_544 = arith.index_cast %get3A_543 : i32 to index
        %get3A_545 = arith.index_cast %add3A_542 : i32 to index
        %get3A_546 = arith.constant 16 : index
        %get3A_547 = tpu.vector_load %arg6[%get3A_544, %get3A_545, %get3A_546] {strides = array<i32>} : memref<2x640x32xf32, #tpu.memory_space<vmem>>, vector<1x1x16xf32>,
        %get3A_548 = vector.shape_cast %get3A_547 : vector<1x1x16xf32> to vector<16xf32>
        %add3A_549 = arith.constant 2 : i32
        %add3A_550 = arith.addi %mul3A_228, %add3A_549 : i32
        %swap3A_551 = arith.constant 1 : i32
        %swap3A_552 = arith.index_cast %swap3A_551 : i32 to index
        %swap3A_553 = arith.index_cast %add3A_550 : i32 to index
        %swap3A_554 = arith.constant 32 : index
        %swap3A_555 = tpu.vector_load %arg7[%swap3A_552, %swap3A_553, %swap3A_554] {strides = array<i32>} : memref<2x160x128xf32, #tpu.memory_space<vmem>>, vector<1x1x16xf32>,
        %swap3A_556 = vector.shape_cast %swap3A_555 : vector<1x1x16xf32> to vector<16xf32>
        %swap3A_557 = vector.shape_cast %get3A_540 : vector<16xf32> to vector<1x1x16xf32>
        tpu.vector_store %arg7[%swap3A_552, %swap3A_553, %swap3A_554], %swap3A_557 {strides = array<i32>} : memref<2x160x128xf32, #tpu.memory_space<vmem>>, vector<1x1x16xf32>,
        %add3A_558 = arith.constant 2 : i32
        %add3A_559 = arith.addi %mul3A_228, %add3A_558 : i32
        %swap3A_560 = arith.constant 1 : i32
        %swap3A_561 = arith.index_cast %swap3A_560 : i32 to index
        %swap3A_562 = arith.index_cast %add3A_559 : i32 to index
        %swap3A_563 = arith.constant 48 : index
        %swap3A_564 = tpu.vector_load %arg7[%swap3A_561, %swap3A_562, %swap3A_563] {strides = array<i32>} : memref<2x160x128xf32, #tpu.memory_space<vmem>>, vector<1x1x16xf32>,
        %swap3A_565 = vector.shape_cast %swap3A_564 : vector<1x1x16xf32> to vector<16xf32>
        %swap3A_566 = vector.shape_cast %get3A_548 : vector<16xf32> to vector<1x1x16xf32>
        tpu.vector_store %arg7[%swap3A_561, %swap3A_562, %swap3A_563], %swap3A_566 {strides = array<i32>} : memref<2x160x128xf32, #tpu.memory_space<vmem>>, vector<1x1x16xf32>,
        %add3A_567 = arith.constant 10 : i32
        %add3A_568 = arith.addi %mul3A_226, %add3A_567 : i32
        %get3A_569 = arith.constant 1 : i32
        %get3A_570 = arith.index_cast %get3A_569 : i32 to index
        %get3A_571 = arith.index_cast %add3A_568 : i32 to index
        %get3A_572 = arith.constant 0 : index
        %get3A_573 = tpu.vector_load %arg6[%get3A_570, %get3A_571, %get3A_572] {strides = array<i32>} : memref<2x640x32xf32, #tpu.memory_space<vmem>>, vector<1x1x16xf32>,
        %get3A_574 = vector.shape_cast %get3A_573 : vector<1x1x16xf32> to vector<16xf32>
        %add3A_575 = arith.constant 10 : i32
        %add3A_576 = arith.addi %mul3A_226, %add3A_575 : i32
        %get3A_577 = arith.constant 1 : i32
        %get3A_578 = arith.index_cast %get3A_577 : i32 to index
        %get3A_579 = arith.index_cast %add3A_576 : i32 to index
        %get3A_580 = arith.constant 16 : index
        %get3A_581 = tpu.vector_load %arg6[%get3A_578, %get3A_579, %get3A_580] {strides = array<i32>} : memref<2x640x32xf32, #tpu.memory_space<vmem>>, vector<1x1x16xf32>,
        %get3A_582 = vector.shape_cast %get3A_581 : vector<1x1x16xf32> to vector<16xf32>
        %add3A_583 = arith.constant 2 : i32
        %add3A_584 = arith.addi %mul3A_228, %add3A_583 : i32
        %swap3A_585 = arith.constant 1 : i32
        %swap3A_586 = arith.index_cast %swap3A_585 : i32 to index
        %swap3A_587 = arith.index_cast %add3A_584 : i32 to index
        %swap3A_588 = arith.constant 64 : index
        %swap3A_589 = tpu.vector_load %arg7[%swap3A_586, %swap3A_587, %swap3A_588] {strides = array<i32>} : memref<2x160x128xf32, #tpu.memory_space<vmem>>, vector<1x1x16xf32>,
        %swap3A_590 = vector.shape_cast %swap3A_589 : vector<1x1x16xf32> to vector<16xf32>
        %swap3A_591 = vector.shape_cast %get3A_574 : vector<16xf32> to vector<1x1x16xf32>
        tpu.vector_store %arg7[%swap3A_586, %swap3A_587, %swap3A_588], %swap3A_591 {strides = array<i32>} : memref<2x160x128xf32, #tpu.memory_space<vmem>>, vector<1x1x16xf32>,
        %add3A_592 = arith.constant 2 : i32
        %add3A_593 = arith.addi %mul3A_228, %add3A_592 : i32
        %swap3A_594 = arith.constant 1 : i32
        %swap3A_595 = arith.index_cast %swap3A_594 : i32 to index
        %swap3A_596 = arith.index_cast %add3A_593 : i32 to index
        %swap3A_597 = arith.constant 80 : index
        %swap3A_598 = tpu.vector_load %arg7[%swap3A_595, %swap3A_596, %swap3A_597] {strides = array<i32>} : memref<2x160x128xf32, #tpu.memory_space<vmem>>, vector<1x1x16xf32>,
        %swap3A_599 = vector.shape_cast %swap3A_598 : vector<1x1x16xf32> to vector<16xf32>
        %swap3A_600 = vector.shape_cast %get3A_582 : vector<16xf32> to vector<1x1x16xf32>
        tpu.vector_store %arg7[%swap3A_595, %swap3A_596, %swap3A_597], %swap3A_600 {strides = array<i32>} : memref<2x160x128xf32, #tpu.memory_space<vmem>>, vector<1x1x16xf32>,
        %add3A_601 = arith.constant 11 : i32
        %add3A_602 = arith.addi %mul3A_226, %add3A_601 : i32
        %get3A_603 = arith.constant 1 : i32
        %get3A_604 = arith.index_cast %get3A_603 : i32 to index
        %get3A_605 = arith.index_cast %add3A_602 : i32 to index
        %get3A_606 = arith.constant 0 : index
        %get3A_607 = tpu.vector_load %arg6[%get3A_604, %get3A_605, %get3A_606] {strides = array<i32>} : memref<2x640x32xf32, #tpu.memory_space<vmem>>, vector<1x1x16xf32>,
        %get3A_608 = vector.shape_cast %get3A_607 : vector<1x1x16xf32> to vector<16xf32>
        %add3A_609 = arith.constant 11 : i32
        %add3A_610 = arith.addi %mul3A_226, %add3A_609 : i32
        %get3A_611 = arith.constant 1 : i32
        %get3A_612 = arith.index_cast %get3A_611 : i32 to index
        %get3A_613 = arith.index_cast %add3A_610 : i32 to index
        %get3A_614 = arith.constant 16 : index
        %get3A_615 = tpu.vector_load %arg6[%get3A_612, %get3A_613, %get3A_614] {strides = array<i32>} : memref<2x640x32xf32, #tpu.memory_space<vmem>>, vector<1x1x16xf32>,
        %get3A_616 = vector.shape_cast %get3A_615 : vector<1x1x16xf32> to vector<16xf32>
        %add3A_617 = arith.constant 2 : i32
        %add3A_618 = arith.addi %mul3A_228, %add3A_617 : i32
        %swap3A_619 = arith.constant 1 : i32
        %swap3A_620 = arith.index_cast %swap3A_619 : i32 to index
        %swap3A_621 = arith.index_cast %add3A_618 : i32 to index
        %swap3A_622 = arith.constant 96 : index
        %swap3A_623 = tpu.vector_load %arg7[%swap3A_620, %swap3A_621, %swap3A_622] {strides = array<i32>} : memref<2x160x128xf32, #tpu.memory_space<vmem>>, vector<1x1x16xf32>,
        %swap3A_624 = vector.shape_cast %swap3A_623 : vector<1x1x16xf32> to vector<16xf32>
        %swap3A_625 = vector.shape_cast %get3A_608 : vector<16xf32> to vector<1x1x16xf32>
        tpu.vector_store %arg7[%swap3A_620, %swap3A_621, %swap3A_622], %swap3A_625 {strides = array<i32>} : memref<2x160x128xf32, #tpu.memory_space<vmem>>, vector<1x1x16xf32>,
        %add3A_626 = arith.constant 2 : i32
        %add3A_627 = arith.addi %mul3A_228, %add3A_626 : i32
        %swap3A_628 = arith.constant 1 : i32
        %swap3A_629 = arith.index_cast %swap3A_628 : i32 to index
        %swap3A_630 = arith.index_cast %add3A_627 : i32 to index
        %swap3A_631 = arith.constant 112 : index
        %swap3A_632 = tpu.vector_load %arg7[%swap3A_629, %swap3A_630, %swap3A_631] {strides = array<i32>} : memref<2x160x128xf32, #tpu.memory_space<vmem>>, vector<1x1x16xf32>,
        %swap3A_633 = vector.shape_cast %swap3A_632 : vector<1x1x16xf32> to vector<16xf32>
        %swap3A_634 = vector.shape_cast %get3A_616 : vector<16xf32> to vector<1x1x16xf32>
        tpu.vector_store %arg7[%swap3A_629, %swap3A_630, %swap3A_631], %swap3A_634 {strides = array<i32>} : memref<2x160x128xf32, #tpu.memory_space<vmem>>, vector<1x1x16xf32>,
        %add3A_635 = arith.constant 12 : i32
        %add3A_636 = arith.addi %mul3A_226, %add3A_635 : i32
        %get3A_637 = arith.constant 1 : i32
        %get3A_638 = arith.index_cast %get3A_637 : i32 to index
        %get3A_639 = arith.index_cast %add3A_636 : i32 to index
        %get3A_640 = arith.constant 0 : index
        %get3A_641 = tpu.vector_load %arg6[%get3A_638, %get3A_639, %get3A_640] {strides = array<i32>} : memref<2x640x32xf32, #tpu.memory_space<vmem>>, vector<1x1x16xf32>,
        %get3A_642 = vector.shape_cast %get3A_641 : vector<1x1x16xf32> to vector<16xf32>
        %add3A_643 = arith.constant 12 : i32
        %add3A_644 = arith.addi %mul3A_226, %add3A_643 : i32
        %get3A_645 = arith.constant 1 : i32
        %get3A_646 = arith.index_cast %get3A_645 : i32 to index
        %get3A_647 = arith.index_cast %add3A_644 : i32 to index
        %get3A_648 = arith.constant 16 : index
        %get3A_649 = tpu.vector_load %arg6[%get3A_646, %get3A_647, %get3A_648] {strides = array<i32>} : memref<2x640x32xf32, #tpu.memory_space<vmem>>, vector<1x1x16xf32>,
        %get3A_650 = vector.shape_cast %get3A_649 : vector<1x1x16xf32> to vector<16xf32>
        %add3A_651 = arith.constant 3 : i32
        %add3A_652 = arith.addi %mul3A_228, %add3A_651 : i32
        %swap3A_653 = arith.constant 1 : i32
        %swap3A_654 = arith.index_cast %swap3A_653 : i32 to index
        %swap3A_655 = arith.index_cast %add3A_652 : i32 to index
        %swap3A_656 = arith.constant 0 : index
        %swap3A_657 = tpu.vector_load %arg7[%swap3A_654, %swap3A_655, %swap3A_656] {strides = array<i32>} : memref<2x160x128xf32, #tpu.memory_space<vmem>>, vector<1x1x16xf32>,
        %swap3A_658 = vector.shape_cast %swap3A_657 : vector<1x1x16xf32> to vector<16xf32>
        %swap3A_659 = vector.shape_cast %get3A_642 : vector<16xf32> to vector<1x1x16xf32>
        tpu.vector_store %arg7[%swap3A_654, %swap3A_655, %swap3A_656], %swap3A_659 {strides = array<i32>} : memref<2x160x128xf32, #tpu.memory_space<vmem>>, vector<1x1x16xf32>,
        %add3A_660 = arith.constant 3 : i32
        %add3A_661 = arith.addi %mul3A_228, %add3A_660 : i32
        %swap3A_662 = arith.constant 1 : i32
        %swap3A_663 = arith.index_cast %swap3A_662 : i32 to index
        %swap3A_664 = arith.index_cast %add3A_661 : i32 to index
        %swap3A_665 = arith.constant 16 : index
        %swap3A_666 = tpu.vector_load %arg7[%swap3A_663, %swap3A_664, %swap3A_665] {strides = array<i32>} : memref<2x160x128xf32, #tpu.memory_space<vmem>>, vector<1x1x16xf32>,
        %swap3A_667 = vector.shape_cast %swap3A_666 : vector<1x1x16xf32> to vector<16xf32>
        %swap3A_668 = vector.shape_cast %get3A_650 : vector<16xf32> to vector<1x1x16xf32>
        tpu.vector_store %arg7[%swap3A_663, %swap3A_664, %swap3A_665], %swap3A_668 {strides = array<i32>} : memref<2x160x128xf32, #tpu.memory_space<vmem>>, vector<1x1x16xf32>,
        %add3A_669 = arith.constant 13 : i32
        %add3A_670 = arith.addi %mul3A_226, %add3A_669 : i32
        %get3A_671 = arith.constant 1 : i32
        %get3A_672 = arith.index_cast %get3A_671 : i32 to index
        %get3A_673 = arith.index_cast %add3A_670 : i32 to index
        %get3A_674 = arith.constant 0 : index
        %get3A_675 = tpu.vector_load %arg6[%get3A_672, %get3A_673, %get3A_674] {strides = array<i32>} : memref<2x640x32xf32, #tpu.memory_space<vmem>>, vector<1x1x16xf32>,
        %get3A_676 = vector.shape_cast %get3A_675 : vector<1x1x16xf32> to vector<16xf32>
        %add3A_677 = arith.constant 13 : i32
        %add3A_678 = arith.addi %mul3A_226, %add3A_677 : i32
        %get3A_679 = arith.constant 1 : i32
        %get3A_680 = arith.index_cast %get3A_679 : i32 to index
        %get3A_681 = arith.index_cast %add3A_678 : i32 to index
        %get3A_682 = arith.constant 16 : index
        %get3A_683 = tpu.vector_load %arg6[%get3A_680, %get3A_681, %get3A_682] {strides = array<i32>} : memref<2x640x32xf32, #tpu.memory_space<vmem>>, vector<1x1x16xf32>,
        %get3A_684 = vector.shape_cast %get3A_683 : vector<1x1x16xf32> to vector<16xf32>
        %add3A_685 = arith.constant 3 : i32
        %add3A_686 = arith.addi %mul3A_228, %add3A_685 : i32
        %swap3A_687 = arith.constant 1 : i32
        %swap3A_688 = arith.index_cast %swap3A_687 : i32 to index
        %swap3A_689 = arith.index_cast %add3A_686 : i32 to index
        %swap3A_690 = arith.constant 32 : index
        %swap3A_691 = tpu.vector_load %arg7[%swap3A_688, %swap3A_689, %swap3A_690] {strides = array<i32>} : memref<2x160x128xf32, #tpu.memory_space<vmem>>, vector<1x1x16xf32>,
        %swap3A_692 = vector.shape_cast %swap3A_691 : vector<1x1x16xf32> to vector<16xf32>
        %swap3A_693 = vector.shape_cast %get3A_676 : vector<16xf32> to vector<1x1x16xf32>
        tpu.vector_store %arg7[%swap3A_688, %swap3A_689, %swap3A_690], %swap3A_693 {strides = array<i32>} : memref<2x160x128xf32, #tpu.memory_space<vmem>>, vector<1x1x16xf32>,
        %add3A_694 = arith.constant 3 : i32
        %add3A_695 = arith.addi %mul3A_228, %add3A_694 : i32
        %swap3A_696 = arith.constant 1 : i32
        %swap3A_697 = arith.index_cast %swap3A_696 : i32 to index
        %swap3A_698 = arith.index_cast %add3A_695 : i32 to index
        %swap3A_699 = arith.constant 48 : index
        %swap3A_700 = tpu.vector_load %arg7[%swap3A_697, %swap3A_698, %swap3A_699] {strides = array<i32>} : memref<2x160x128xf32, #tpu.memory_space<vmem>>, vector<1x1x16xf32>,
        %swap3A_701 = vector.shape_cast %swap3A_700 : vector<1x1x16xf32> to vector<16xf32>
        %swap3A_702 = vector.shape_cast %get3A_684 : vector<16xf32> to vector<1x1x16xf32>
        tpu.vector_store %arg7[%swap3A_697, %swap3A_698, %swap3A_699], %swap3A_702 {strides = array<i32>} : memref<2x160x128xf32, #tpu.memory_space<vmem>>, vector<1x1x16xf32>,
        %add3A_703 = arith.constant 14 : i32
        %add3A_704 = arith.addi %mul3A_226, %add3A_703 : i32
        %get3A_705 = arith.constant 1 : i32
        %get3A_706 = arith.index_cast %get3A_705 : i32 to index
        %get3A_707 = arith.index_cast %add3A_704 : i32 to index
        %get3A_708 = arith.constant 0 : index
        %get3A_709 = tpu.vector_load %arg6[%get3A_706, %get3A_707, %get3A_708] {strides = array<i32>} : memref<2x640x32xf32, #tpu.memory_space<vmem>>, vector<1x1x16xf32>,
        %get3A_710 = vector.shape_cast %get3A_709 : vector<1x1x16xf32> to vector<16xf32>
        %add3A_711 = arith.constant 14 : i32
        %add3A_712 = arith.addi %mul3A_226, %add3A_711 : i32
        %get3A_713 = arith.constant 1 : i32
        %get3A_714 = arith.index_cast %get3A_713 : i32 to index
        %get3A_715 = arith.index_cast %add3A_712 : i32 to index
        %get3A_716 = arith.constant 16 : index
        %get3A_717 = tpu.vector_load %arg6[%get3A_714, %get3A_715, %get3A_716] {strides = array<i32>} : memref<2x640x32xf32, #tpu.memory_space<vmem>>, vector<1x1x16xf32>,
        %get3A_718 = vector.shape_cast %get3A_717 : vector<1x1x16xf32> to vector<16xf32>
        %add3A_719 = arith.constant 3 : i32
        %add3A_720 = arith.addi %mul3A_228, %add3A_719 : i32
        %swap3A_721 = arith.constant 1 : i32
        %swap3A_722 = arith.index_cast %swap3A_721 : i32 to index
        %swap3A_723 = arith.index_cast %add3A_720 : i32 to index
        %swap3A_724 = arith.constant 64 : index
        %swap3A_725 = tpu.vector_load %arg7[%swap3A_722, %swap3A_723, %swap3A_724] {strides = array<i32>} : memref<2x160x128xf32, #tpu.memory_space<vmem>>, vector<1x1x16xf32>,
        %swap3A_726 = vector.shape_cast %swap3A_725 : vector<1x1x16xf32> to vector<16xf32>
        %swap3A_727 = vector.shape_cast %get3A_710 : vector<16xf32> to vector<1x1x16xf32>
        tpu.vector_store %arg7[%swap3A_722, %swap3A_723, %swap3A_724], %swap3A_727 {strides = array<i32>} : memref<2x160x128xf32, #tpu.memory_space<vmem>>, vector<1x1x16xf32>,
        %add3A_728 = arith.constant 3 : i32
        %add3A_729 = arith.addi %mul3A_228, %add3A_728 : i32
        %swap3A_730 = arith.constant 1 : i32
        %swap3A_731 = arith.index_cast %swap3A_730 : i32 to index
        %swap3A_732 = arith.index_cast %add3A_729 : i32 to index
        %swap3A_733 = arith.constant 80 : index
        %swap3A_734 = tpu.vector_load %arg7[%swap3A_731, %swap3A_732, %swap3A_733] {strides = array<i32>} : memref<2x160x128xf32, #tpu.memory_space<vmem>>, vector<1x1x16xf32>,
        %swap3A_735 = vector.shape_cast %swap3A_734 : vector<1x1x16xf32> to vector<16xf32>
        %swap3A_736 = vector.shape_cast %get3A_718 : vector<16xf32> to vector<1x1x16xf32>
        tpu.vector_store %arg7[%swap3A_731, %swap3A_732, %swap3A_733], %swap3A_736 {strides = array<i32>} : memref<2x160x128xf32, #tpu.memory_space<vmem>>, vector<1x1x16xf32>,
        %add3A_737 = arith.constant 15 : i32
        %add3A_738 = arith.addi %mul3A_226, %add3A_737 : i32
        %get3A_739 = arith.constant 1 : i32
        %get3A_740 = arith.index_cast %get3A_739 : i32 to index
        %get3A_741 = arith.index_cast %add3A_738 : i32 to index
        %get3A_742 = arith.constant 0 : index
        %get3A_743 = tpu.vector_load %arg6[%get3A_740, %get3A_741, %get3A_742] {strides = array<i32>} : memref<2x640x32xf32, #tpu.memory_space<vmem>>, vector<1x1x16xf32>,
        %get3A_744 = vector.shape_cast %get3A_743 : vector<1x1x16xf32> to vector<16xf32>
        %add3A_745 = arith.constant 15 : i32
        %add3A_746 = arith.addi %mul3A_226, %add3A_745 : i32
        %get3A_747 = arith.constant 1 : i32
        %get3A_748 = arith.index_cast %get3A_747 : i32 to index
        %get3A_749 = arith.index_cast %add3A_746 : i32 to index
        %get3A_750 = arith.constant 16 : index
        %get3A_751 = tpu.vector_load %arg6[%get3A_748, %get3A_749, %get3A_750] {strides = array<i32>} : memref<2x640x32xf32, #tpu.memory_space<vmem>>, vector<1x1x16xf32>,
        %get3A_752 = vector.shape_cast %get3A_751 : vector<1x1x16xf32> to vector<16xf32>
        %add3A_753 = arith.constant 3 : i32
        %add3A_754 = arith.addi %mul3A_228, %add3A_753 : i32
        %swap3A_755 = arith.constant 1 : i32
        %swap3A_756 = arith.index_cast %swap3A_755 : i32 to index
        %swap3A_757 = arith.index_cast %add3A_754 : i32 to index
        %swap3A_758 = arith.constant 96 : index
        %swap3A_759 = tpu.vector_load %arg7[%swap3A_756, %swap3A_757, %swap3A_758] {strides = array<i32>} : memref<2x160x128xf32, #tpu.memory_space<vmem>>, vector<1x1x16xf32>,
        %swap3A_760 = vector.shape_cast %swap3A_759 : vector<1x1x16xf32> to vector<16xf32>
        %swap3A_761 = vector.shape_cast %get3A_744 : vector<16xf32> to vector<1x1x16xf32>
        tpu.vector_store %arg7[%swap3A_756, %swap3A_757, %swap3A_758], %swap3A_761 {strides = array<i32>} : memref<2x160x128xf32, #tpu.memory_space<vmem>>, vector<1x1x16xf32>,
        %add3A_762 = arith.constant 3 : i32
        %add3A_763 = arith.addi %mul3A_228, %add3A_762 : i32
        %swap3A_764 = arith.constant 1 : i32
        %swap3A_765 = arith.index_cast %swap3A_764 : i32 to index
        %swap3A_766 = arith.index_cast %add3A_763 : i32 to index
        %swap3A_767 = arith.constant 112 : index
        %swap3A_768 = tpu.vector_load %arg7[%swap3A_765, %swap3A_766, %swap3A_767] {strides = array<i32>} : memref<2x160x128xf32, #tpu.memory_space<vmem>>, vector<1x1x16xf32>,
        %swap3A_769 = vector.shape_cast %swap3A_768 : vector<1x1x16xf32> to vector<16xf32>
        %swap3A_770 = vector.shape_cast %get3A_752 : vector<16xf32> to vector<1x1x16xf32>
        tpu.vector_store %arg7[%swap3A_765, %swap3A_766, %swap3A_767], %swap3A_770 {strides = array<i32>} : memref<2x160x128xf32, #tpu.memory_space<vmem>>, vector<1x1x16xf32>,
      }
      %scan3A_197 = arith.constant 40 : i32
      %add3A_198 = arith.constant 2 : i32
      %add3A_199 = arith.addi %add3A_164, %add3A_198 : i32
      %lt3A_200 = arith.constant 30 : i32
      %lt3A_201 = arith.cmpi slt, %add3A_199, %lt3A_200 : i32
      %convert_element_type3A_202 = arith.extui %lt3A_201 : i1 to i32
      %cond3A_203 = arith.constant 0 : i32
      %cond3A_204 = arith.cmpi ne, %convert_element_type3A_202, %cond3A_203 : i32
      scf.if %cond3A_204 {
        %add3A_224 = arith.constant 2 : i32
        %add3A_225 = arith.addi %add3A_164, %add3A_224 : i32
        %mul3A_226 = arith.constant 640 : i32
        %mul3A_227 = arith.muli %add3A_225, %mul3A_226 : i32
        %add3A_228 = arith.addi %mul3A_2, %mul3A_227 : i32
        %dma_start3A_229 = arith.constant 1 : i32
        %dma_start3A_230 = arith.constant 1 : i32
        %dma_start3A_231 = arith.constant 0 : i32
        %dma_start3A_232 = tpu.memref_slice %arg5[%dma_start3A_229, %dma_start3A_231] : memref<2x640xi32, #tpu.memory_space<vmem>> -> memref<1x640xi32, #tpu.memory_space<vmem>>
        %dma_start3A_233 = tpu.memref_squeeze %dma_start3A_232 : memref<1x640xi32, #tpu.memory_space<vmem>> -> memref<640xi32, #tpu.memory_space<vmem>>
        %dma_start3A_234 = tpu.memref_slice %arg2[%add3A_228] : memref<614400xi32, #tpu.memory_space<hbm>> -> memref<640xi32, #tpu.memory_space<hbm>>
        %dma_start3A_235 = tpu.memref_slice %arg8[%dma_start3A_230] : memref<2x!tpu.dma_semaphore, #tpu.memory_space<semaphore_mem>> -> memref<1x!tpu.dma_semaphore, #tpu.memory_space<semaphore_mem>>
        %dma_start3A_236 = tpu.memref_squeeze %dma_start3A_235 : memref<1x!tpu.dma_semaphore, #tpu.memory_space<semaphore_mem>> -> memref<!tpu.dma_semaphore, #tpu.memory_space<semaphore_mem>>
        %dma_start3A_237 = arith.constant 0 : i32
        %dma_start3A_238 = tpu.memref_slice %arg5[%dma_start3A_229, %dma_start3A_237] : memref<2x640xi32, #tpu.memory_space<vmem>> -> memref<1x640xi32, #tpu.memory_space<vmem>>
        %dma_start3A_239 = tpu.memref_squeeze %dma_start3A_238 : memref<1x640xi32, #tpu.memory_space<vmem>> -> memref<640xi32, #tpu.memory_space<vmem>>
        %dma_start3A_240 = tpu.memref_slice %arg2[%add3A_228] : memref<614400xi32, #tpu.memory_space<hbm>> -> memref<640xi32, #tpu.memory_space<hbm>>
        tpu.enqueue_dma source(%dma_start3A_240 : memref<640xi32, #tpu.memory_space<hbm>>) target(%dma_start3A_239 : memref<640xi32, #tpu.memory_space<vmem>>) target_semaphore(%dma_start3A_236 : memref<!tpu.dma_semaphore, #tpu.memory_space<semaphore_mem>>)
      } else {
      }
      %mul3A_205 = arith.constant 160 : i32
      %mul3A_206 = arith.muli %add3A_164, %mul3A_205 : i32
      %add3A_207 = arith.addi %mul3A_4, %mul3A_206 : i32
      %dma_start3A_208 = arith.constant 1 : i32
      %dma_start3A_209 = arith.constant 1 : i32
      %dma_start3A_210 = arith.constant 0 : i32
      %dma_start3A_211 = arith.constant 0 : i32
      %dma_start3A_212 = tpu.memref_slice %arg7[%dma_start3A_208, %dma_start3A_210, %dma_start3A_211] : memref<2x160x128xf32, #tpu.memory_space<vmem>> -> memref<1x160x128xf32, #tpu.memory_space<vmem>>
      %dma_start3A_213 = tpu.memref_squeeze %dma_start3A_212 : memref<1x160x128xf32, #tpu.memory_space<vmem>> -> memref<160x128xf32, #tpu.memory_space<vmem>>
      %dma_start3A_214 = arith.constant 0 : i32
      %dma_start3A_215 = tpu.memref_slice %arg4[%add3A_207, %dma_start3A_214] : memref<153600x128xf32, #tpu.memory_space<hbm>> -> memref<160x128xf32, #tpu.memory_space<hbm>>
      %dma_start3A_216 = tpu.memref_slice %arg10[%dma_start3A_209] : memref<2x!tpu.dma_semaphore, #tpu.memory_space<semaphore_mem>> -> memref<1x!tpu.dma_semaphore, #tpu.memory_space<semaphore_mem>>
      %dma_start3A_217 = tpu.memref_squeeze %dma_start3A_216 : memref<1x!tpu.dma_semaphore, #tpu.memory_space<semaphore_mem>> -> memref<!tpu.dma_semaphore, #tpu.memory_space<semaphore_mem>>
      %dma_start3A_218 = arith.constant 0 : i32
      %dma_start3A_219 = tpu.memref_slice %arg4[%add3A_207, %dma_start3A_218] : memref<153600x128xf32, #tpu.memory_space<hbm>> -> memref<160x128xf32, #tpu.memory_space<hbm>>
      %dma_start3A_220 = arith.constant 0 : i32
      %dma_start3A_221 = arith.constant 0 : i32
      %dma_start3A_222 = tpu.memref_slice %arg7[%dma_start3A_208, %dma_start3A_220, %dma_start3A_221] : memref<2x160x128xf32, #tpu.memory_space<vmem>> -> memref<1x160x128xf32, #tpu.memory_space<vmem>>
      %dma_start3A_223 = tpu.memref_squeeze %dma_start3A_222 : memref<1x160x128xf32, #tpu.memory_space<vmem>> -> memref<160x128xf32, #tpu.memory_space<vmem>>
      tpu.enqueue_dma source(%dma_start3A_223 : memref<160x128xf32, #tpu.memory_space<vmem>>) target(%dma_start3A_219 : memref<160x128xf32, #tpu.memory_space<hbm>>) target_semaphore(%dma_start3A_217 : memref<!tpu.dma_semaphore, #tpu.memory_space<semaphore_mem>>)
    }
    %scan3A_64 = arith.constant 15 : i32
    %add3A_65 = arith.constant 0 : i32
    %add3A_66 = arith.addi %mul3A_4, %add3A_65 : i32
    %dma_wait3A_67 = arith.constant 0 : i32
    %dma_wait3A_68 = arith.constant 0 : i32
    %dma_wait3A_69 = arith.constant 0 : i32
    %dma_wait3A_70 = arith.constant 0 : i32
    %dma_wait3A_71 = tpu.memref_slice %arg7[%dma_wait3A_67, %dma_wait3A_69, %dma_wait3A_70] : memref<2x160x128xf32, #tpu.memory_space<vmem>> -> memref<1x160x128xf32, #tpu.memory_space<vmem>>
    %dma_wait3A_72 = tpu.memref_squeeze %dma_wait3A_71 : memref<1x160x128xf32, #tpu.memory_space<vmem>> -> memref<160x128xf32, #tpu.memory_space<vmem>>
    %dma_wait3A_73 = arith.constant 0 : i32
    %dma_wait3A_74 = tpu.memref_slice %arg4[%add3A_66, %dma_wait3A_73] : memref<153600x128xf32, #tpu.memory_space<hbm>> -> memref<160x128xf32, #tpu.memory_space<hbm>>
    %dma_wait3A_75 = tpu.memref_slice %arg10[%dma_wait3A_68] : memref<2x!tpu.dma_semaphore, #tpu.memory_space<semaphore_mem>> -> memref<1x!tpu.dma_semaphore, #tpu.memory_space<semaphore_mem>>
    %dma_wait3A_76 = tpu.memref_squeeze %dma_wait3A_75 : memref<1x!tpu.dma_semaphore, #tpu.memory_space<semaphore_mem>> -> memref<!tpu.dma_semaphore, #tpu.memory_space<semaphore_mem>>
    %dma_wait3A_77 = arith.constant 0 : i32
    %dma_wait3A_78 = tpu.memref_slice %arg4[%add3A_66, %dma_wait3A_77] : memref<153600x128xf32, #tpu.memory_space<hbm>> -> memref<160x128xf32, #tpu.memory_space<hbm>>
    %dma_wait3A_79 = arith.constant 0 : i32
    %dma_wait3A_80 = arith.constant 0 : i32
    %dma_wait3A_81 = tpu.memref_slice %arg7[%dma_wait3A_67, %dma_wait3A_79, %dma_wait3A_80] : memref<2x160x128xf32, #tpu.memory_space<vmem>> -> memref<1x160x128xf32, #tpu.memory_space<vmem>>
    %dma_wait3A_82 = tpu.memref_squeeze %dma_wait3A_81 : memref<1x160x128xf32, #tpu.memory_space<vmem>> -> memref<160x128xf32, #tpu.memory_space<vmem>>
    tpu.wait_dma2 semaphore(%dma_wait3A_76 : memref<!tpu.dma_semaphore, #tpu.memory_space<semaphore_mem>>) src(%dma_wait3A_82 : memref<160x128xf32, #tpu.memory_space<vmem>>) dst(%dma_wait3A_78 : memref<160x128xf32, #tpu.memory_space<hbm>>)
    %add3A_83 = arith.constant 0 : i32
    %add3A_84 = arith.addi %mul3A_4, %add3A_83 : i32
    %dma_wait3A_85 = arith.constant 1 : i32
    %dma_wait3A_86 = arith.constant 1 : i32
    %dma_wait3A_87 = arith.constant 0 : i32
    %dma_wait3A_88 = arith.constant 0 : i32
    %dma_wait3A_89 = tpu.memref_slice %arg7[%dma_wait3A_85, %dma_wait3A_87, %dma_wait3A_88] : memref<2x160x128xf32, #tpu.memory_space<vmem>> -> memref<1x160x128xf32, #tpu.memory_space<vmem>>
    %dma_wait3A_90 = tpu.memref_squeeze %dma_wait3A_89 : memref<1x160x128xf32, #tpu.memory_space<vmem>> -> memref<160x128xf32, #tpu.memory_space<vmem>>
    %dma_wait3A_91 = arith.constant 0 : i32
    %dma_wait3A_92 = tpu.memref_slice %arg4[%add3A_84, %dma_wait3A_91] : memref<153600x128xf32, #tpu.memory_space<hbm>> -> memref<160x128xf32, #tpu.memory_space<hbm>>
    %dma_wait3A_93 = tpu.memref_slice %arg10[%dma_wait3A_86] : memref<2x!tpu.dma_semaphore, #tpu.memory_space<semaphore_mem>> -> memref<1x!tpu.dma_semaphore, #tpu.memory_space<semaphore_mem>>
    %dma_wait3A_94 = tpu.memref_squeeze %dma_wait3A_93 : memref<1x!tpu.dma_semaphore, #tpu.memory_space<semaphore_mem>> -> memref<!tpu.dma_semaphore, #tpu.memory_space<semaphore_mem>>
    %dma_wait3A_95 = arith.constant 0 : i32
    %dma_wait3A_96 = tpu.memref_slice %arg4[%add3A_84, %dma_wait3A_95] : memref<153600x128xf32, #tpu.memory_space<hbm>> -> memref<160x128xf32, #tpu.memory_space<hbm>>
    %dma_wait3A_97 = arith.constant 0 : i32
    %dma_wait3A_98 = arith.constant 0 : i32
    %dma_wait3A_99 = tpu.memref_slice %arg7[%dma_wait3A_85, %dma_wait3A_97, %dma_wait3A_98] : memref<2x160x128xf32, #tpu.memory_space<vmem>> -> memref<1x160x128xf32, #tpu.memory_space<vmem>>
    %dma_wait3A_100 = tpu.memref_squeeze %dma_wait3A_99 : memref<1x160x128xf32, #tpu.memory_space<vmem>> -> memref<160x128xf32, #tpu.memory_space<vmem>>
    tpu.wait_dma2 semaphore(%dma_wait3A_94 : memref<!tpu.dma_semaphore, #tpu.memory_space<semaphore_mem>>) src(%dma_wait3A_100 : memref<160x128xf32, #tpu.memory_space<vmem>>) dst(%dma_wait3A_96 : memref<160x128xf32, #tpu.memory_space<hbm>>)
    return
  }
}

</mosaic_0001>

<sc_bundles>
// kernel: gather_offload_async_start
scs
__scs_entry_jumppad:
0x0: {  	(pc) =	sbr.rel $0x88, $3  }
0x1: {  	(tag) =	ssettag $0x0;
	lr =	simm.s32 $0x1  }
0x2: {  	[smem:$0x3F9F] =	sst lr;
	_ =	strace $0xD0000000  }
0x3: {  	_ = 	snop  }
0x4: {  	_ = 	snop  }
0x5: {  	_ = 	snop  }
0x6: {  	_ = 	snop  }
0x7: {  	_ = 	snop  }
__scs_overlays_trampoline_lowered:
0x8: {  	[smem:$0x3FAE] =	sst s0  }
0x9: {  	[smem:$0x3FAF] =	sst s1  }
0xa: {  	[smem:$0x3FB0] =	sst s2  }
0xb: {  	[smem:$0x3FB1] =	sst s3  }
0xc: {  	[smem:$0x3FB2] =	sst s4  }
0xd: {  	[smem:$0x3FB3] =	sst s5  }
0xe: {  	[smem:$0x3FB4] =	sst s6  }
0xf: {  	[smem:$0x3FB5] =	sst s7  }
0x10: {  	[smem:$0x3FB6] =	sst s8  }
0x11: {  	[smem:$0x3FB7] =	sst s9;
	s0 =	simm.s32 @!p0 $0x0  }
0x12: {  	s1 =	sld [smem:$0x3F9D];
	s0 =	simm.s32 @p0 $0x1  }
0x13: {  	[smem:$0x3FB8] =	sst s0;
	s0 =	simm.s32 @!p1 $0x0  }
0x14: {  	s2 =	sld [smem:$0x3F9C];
	s0 =	simm.s32 @p1 $0x1  }
0x15: {  	[smem:$0x3FB9] =	sst s0;
	s0 =	simm.s32 @!p2 $0x0  }
0x16: {  	s3 =	sld [smem:$0x3FDB];
	s0 =	simm.s32 @p2 $0x1  }
0x17: {  	s4 =	simm.s32 $0x1BF5;
	[smem:$0x3FBB] =	sst s0  }
0x18: {  	s0 =	sld [smem:$0x3F9E];
	_ =	swait.ge [sflag:s4], $0x0  }
0x19: {  	s7 =	sld [smem:$0x3F9F]  }
0x1a: {  	s8 =	sadd.s32 $0xFFFFE003, lr  }
0x1b: {  	s9 =	sadd.s32 $0xFFFFFEF7, lr;
	s5 =	simm.s32 $0xFFFFFFFF;
	p2 =	slt.u32 s8, $0xFFFFF086  }
0x1c: {  	p1 =	slt.u32 s9, $0xF7A;
	s5 =	simm.s32 @!p2 $0x0  }
0x1d: {  	s5 =	simm.s32 @p1 $0x1;
	p0 =	seq.s32 s7, s2  }
0x1e: {  	s7 =	smul.u32 @!p0 $0xF7A, s2;
	p2 =	seq.s32 @!p0 s5, $0x0  }
0x1f: {  	s9 =	smul.u32 $0xF7A, s1;
	s8 =	simm.s32 @!p0 $0x1BF5;
	p2 =	por !p2, p0  }
0x20: {  	[sflag:s8] =	ssyncset.s32 @!p0 $0xFFFFF086;
	s6 =	sadd.s32 @!p0 s3, s7;
	s7 =	simm.s32 @!p0 $0x108  }
0x21: {  	s3 =	sadd.s32 s3, s9;
	s6 =	sadd.s32 @!p0 $0x88, s6;
	s7 =	simm.s32 @p2 $0x1082  }
0x22: {  	[simem:s7], [sflag:s8] =	dma.local @!p0 [hbm:s6], $0xF7A  }
0x23: {  	s9 =	sor.u32 $0xD0000000, s2;
	s6 =	simm.s32 $0x108;
	_ =	swait.ge @!p0 [sflag:s8], $0x0  }
0x24: {  	s3 =	sadd.s32 $0x88, s3;
	s6 =	simm.s32 @!p1 $0x1082;
	[sflag:s4] =	ssyncset.s32 $0xFFFFF086  }
0x25: {  	[simem:s6], [sflag:s4] =	dma.local [hbm:s3], $0xF7A  }
0x26: {  	[smem:$0x3F9F] =	sst s1;
	(tag) =	ssettag s2;
	_ =	strace s9  }
0x27: {  	s1 =	sld [smem:$0x3FAF]  }
0x28: {  	s2 =	sld [smem:$0x3FB0]  }
0x29: {  	s4 =	sld [smem:$0x3FB2]  }
0x2a: {  	p0 =	seq.s32 s5, $0x0;
	s5 =	sld [smem:$0x3FB3]  }
0x2b: {  	s6 =	sld [smem:$0x3FB4]  }
0x2c: {  	s7 =	sld [smem:$0x3FB5]  }
0x2d: {  	s3 =	simm.s32 $0x108;
	s8 =	sld [smem:$0x3FB6]  }
0x2e: {  	s3 =	simm.s32 @!p0 $0x1082;
	s9 =	sld [smem:$0x3FB7]  }
0x2f: {  	lr =	sadd.s32 s0, s3;
	s0 =	sld [smem:$0x3FAE]  }
0x30: {  	s3 =	sld [smem:$0x3FB1]  }
0x31: {  	[smem:$0x3FBA] =	sst s10  }
0x32: {  	s10 =	sld [smem:$0x3FB8];
	_ =	sdelay $0x3  }
0x33: {  	p0 =	seq.s32 s10, $0x1;
	s10 =	sld [smem:$0x3FBA];
	_ =	sdelay $0x3  }
0x34: {  	[smem:$0x3FBA] =	sst s10  }
0x35: {  	s10 =	sld [smem:$0x3FB9];
	_ =	sdelay $0x3  }
0x36: {  	p1 =	seq.s32 s10, $0x1;
	s10 =	sld [smem:$0x3FBA];
	_ =	sdelay $0x3  }
0x37: {  	[smem:$0x3FBA] =	sst s10  }
0x38: {  	s10 =	sld [smem:$0x3FBB]  }
0x39: {  	_ = 	snop;
	(pc) =	sbr.ind lr, $3  }
0x3a: {  	_ = 	snop  }
0x3b: {  	_ = 	snop  }
0x3c: {  	p2 =	seq.s32 s10, $0x1;
	s10 =	sld [smem:$0x3FBA]  }
0x3d: {  	_ =	shalt  }
0x3e: {  	_ =	shalt  }
0x3f: {  	_ =	shalt  }
0x40: {  	_ =	shalt  }
0x41: {  	_ =	shalt  }
0x42: {  	_ =	shalt  }
0x43: {  	_ =	shalt  }
0x44: {  	_ =	shalt  }
0x45: {  	_ =	shalt  }
0x46: {  	_ =	shalt  }
0x47: {  	_ =	shalt  }
0x48: {  	_ =	shalt  }
0x49: {  	_ =	shalt  }
0x4a: {  	_ =	shalt  }
0x4b: {  	_ =	shalt  }
0x4c: {  	_ =	shalt  }
0x4d: {  	_ =	shalt  }
0x4e: {  	_ =	shalt  }
0x4f: {  	_ =	shalt  }
0x50: {  	_ =	shalt  }
0x51: {  	_ =	shalt  }
0x52: {  	_ =	shalt  }
0x53: {  	_ =	shalt  }
0x54: {  	_ =	shalt  }
0x55: {  	_ =	shalt  }
0x56: {  	_ =	shalt  }
0x57: {  	_ =	shalt  }
0x58: {  	_ =	shalt  }
0x59: {  	_ =	shalt  }
0x5a: {  	_ =	shalt  }
0x5b: {  	_ =	shalt  }
0x5c: {  	_ =	shalt  }
0x5d: {  	_ =	shalt  }
0x5e: {  	_ =	shalt  }
0x5f: {  	_ =	shalt  }
0x60: {  	_ =	shalt  }
0x61: {  	_ =	shalt  }
0x62: {  	_ =	shalt  }
0x63: {  	_ =	shalt  }
0x64: {  	_ =	shalt  }
0x65: {  	_ =	shalt  }
0x66: {  	_ =	shalt  }
0x67: {  	_ =	shalt  }
0x68: {  	_ =	shalt  }
0x69: {  	_ =	shalt  }
0x6a: {  	_ =	shalt  }
0x6b: {  	_ =	shalt  }
0x6c: {  	_ =	shalt  }
0x6d: {  	_ =	shalt  }
0x6e: {  	_ =	shalt  }
0x6f: {  	_ =	shalt  }
0x70: {  	_ =	shalt  }
0x71: {  	_ =	shalt  }
0x72: {  	_ =	shalt  }
0x73: {  	_ =	shalt  }
0x74: {  	_ =	shalt  }
0x75: {  	_ =	shalt  }
0x76: {  	_ =	shalt  }
0x77: {  	_ =	shalt  }
0x78: {  	_ =	shalt  }
0x79: {  	_ =	shalt  }
0x7a: {  	_ =	shalt  }
0x7b: {  	_ =	shalt  }
0x7c: {  	_ =	shalt  }
0x7d: {  	_ =	shalt  }
0x7e: {  	_ =	shalt  }
0x7f: {  	_ =	shalt  }
0x80: {  	_ =	shalt  }
0x81: {  	_ =	shalt  }
0x82: {  	_ =	shalt  }
0x83: {  	_ =	shalt  }
0x84: {  	_ =	shalt  }
0x85: {  	_ =	shalt  }
0x86: {  	_ =	shalt  }
0x87: {  	_ =	shalt  }
.Lfunc_end0:
.L_simem_size_0:
called_computation.1_lowered:
.L_overlay_start_0:
0x88: {  	s2 =	sld [smem:$0x3FD9]  }
0x89: {  	s3 =	sld [smem:$0x3FFE];
	_ =	sdelay $0x1  }
0x8a: {  	s1 =	srdreg.scid  }
0x8b: {  	s0 =	sand.u32 $0x1, s1  }
0x8c: {  	s17 =	sshll.u32 s0, $0xA;
	s2 =	sadd.s32 s3, s2  }
0x8d: {  	s2 =	sadd.s32 s2, s17  }
0x8e: {  	[smem:$0x3FC6] =	sst s2  }
0x8f: {  	_ = 	snop  }
0x90: {  	s18 =	sld [smem:$0x3FC8];
	(tm) =	ssettm $0x1  }
0x91: {  	s19 =	sld [smem:$0x3FFB];
	_ =	sdelay $0x3  }
0x92: {  	_ =	strace s19  }
0x93: {  	s2 =	sld [smem:$0x3FFC];
	_ =	sdelay $0x3  }
0x94: {  	_ =	strace s2  }
0x95: {  	s2 =	sld [smem:$0x3FFD];
	_ =	sdelay $0x3  }
0x96: {  	_ =	strace s2  }
0x97: {  	_ =	strace $0x8FFFFFFF  }
0x98: {  	s20 =	sld [smem:$0x3FDB];
	_ =	sdelay $0x1  }
0x99: {  	s4 =	simm.s32 $_scs_section_size  }
0x9a: {  	s5 =	simm.s32 $_size__tile_overlayer_lowered;
	s6 =	simm.s32 $_tile_overlayer_lowered  }
0x9b: {  	s7 =	simm.s32 $0x1BFF;
	s21 =	sshll.u32 s6, $0x1;
	s4 =	sadd.s32 s4, s20  }
0x9c: {  	s22 =	simm.s32 $0x0;
	s5 =	sshll.u32 s5, $0x1;
	s6 =	sadd.s32 s21, s4  }
0x9d: {  	[timem:s22], [sflag:s7] =	dma.local [hbm:s6], s5  }
0x9e: {  	_ =	swait.ge [sflag:s7], s5  }
0x9f: {  	s5 =	ssub.s32 $0x0, s5;
	[sflag:s7] =	ssyncset.done $0x0  }
0xa0: {  	[sflag:s7] =	ssyncadd.s32 s5;
	_ =	sdelay $0x1  }
0xa1: {  	s23 =	simm.s32 $0x1B8B  }
0xa2: {  	_ =	swait.ge [sflag:s23], $0x1  }
0xa3: {  	[sflag:s23] =	ssyncset.done $0x0  }
0xa4: {  	[sflag:s23] =	ssyncadd.s32 $0xFFFFFFFF  }
0xa5: {  	s5 =	sld [smem:$0x0]  }
0xa6: {  	s6 =	sand.u32 $0xFFFFFFFE, s1  }
0xa7: {  	p0 =	sne.s32 s1, s6  }
0xa8: {  	s6 =	sshll.u32 @p0 s6, $0xE  }
0xa9: {  	s6 =	sadd.s32 @p0 $0x11B8D, s6;
	s7 =	sshll.u32 @p0 s5, $0x11  }
0xaa: {  	s6 =	sor.u32 @p0 s7, s6  }
0xab: {  	[sflag:s6] =	ssyncadd.remote.s32 @p0 $0x1;
	_ =	sdelay $0x1  }
0xac: {  	s6 =	simm.s32 @p0 $0x1B8D  }
0xad: {  	_ =	swait.eq @p0 [sflag:s6], $0x1  }
0xae: {  	[sflag:s6] =	ssyncadd.s32 @p0 $0xFFFFFFFF  }
0xaf: {  	s7 =	sshll.u32 @!p0 s1, $0xE  }
0xb0: {  	s7 =	sor.u32 @!p0 $0x4000, s7;
	s6 =	simm.s32 @!p0 $0x1B8D  }
0xb1: {  	s5 =	sshll.u32 @!p0 s5, $0x11;
	s7 =	sadd.s32 @!p0 $0x11B8D, s7;
	_ =	swait.eq @!p0 [sflag:s6], $0x1  }
0xb2: {  	s5 =	sor.u32 @!p0 s5, s7;
	[sflag:s6] =	ssyncadd.s32 @!p0 $0xFFFFFFFF  }
0xb3: {  	s25 =	simm.s32 $0x1B8E;
	s24 =	sld [smem:$0x3FFE];
	[sflag:s5] =	ssyncadd.remote.s32 @!p0 $0x1  }
0xb4: {  	s26 =	simm.s32 $execute0_lowered;
	[smem:$0x3FD2] =	sst s25  }
0xb5: {  	s6 =	sshll.u32 s26, $0x1;
	_ =	strace $0x80000049;
	[dreg:$0x1] =	wrdreg $0xFFFFFFFF  }
0xb6: {  	s28 =	simm.s32 $_size_execute0_lowered;
	s4 =	sadd.s32 s4, s6;
	[dreg:$0x0] =	wrdreg $0x0  }
0xb7: {  	s6 =	sshll.u32 s28, $0x1;
	[dreg:$0x2] =	wrdreg s4  }
0xb8: {  	[dreg:$0x3] =	wrdreg s6  }
0xb9: {  	[dreg:$0x4] =	wrdreg $0xC0  }
0xba: {  	_ =	task [dreg:s22], $0x5FFFF  }
0xbb: {  	[dreg:$0x1] =	wrdreg $0xFFFFFFFF  }
0xbc: {  	[dreg:$0x0] =	wrdreg $0x60  }
0xbd: {  	[dreg:$0x2] =	wrdreg s18  }
0xbe: {  	[dreg:$0x3] =	wrdreg s24  }
0xbf: {  	[dreg:$0x4] =	wrdreg $0x9  }
0xc0: {  	_ =	task.clear_ibuf [dreg:s22], $0x5FFFF;
	_ =	strace $0x90000049  }
0xc1: {  	s29 =	simm.s32 $0x9;
	_ =	strace $0x8000004B  }
0xc2: {  	_ =	swait.ge [sflag:s29], $0x1  }
0xc3: {  	[sflag:s29] =	ssyncadd.s32 $0xFFFFFFFF  }
0xc4: {  	_ =	strace $0x9000004B  }
0xc5: {  	_ =	sfence  }
0xc6: {  	s30 =	sld [smem:$0x0];
	_ =	sdelay $0x2  }
0xc7: {  	s31 =	sshll.u32 s1, $0xD;
	s1 =	sshrl.u32 s1, $0x2  }
0xc8: {  	s4 =	sand.u32 $0x4000, s31;
	s1 =	sadd.s32 s1, s30  }
0xc9: {  	s0 =	sor.u32 s4, s0;
	s1 =	sshll.u32 s1, $0x11  }
0xca: {  	s0 =	sor.u32 s1, s0  }
0xcb: {  	s0 =	sadd.s32 $0x8F2B, s0  }
0xcc: {  	[sflag:s0] =	ssyncadd.remote.s32 $0x1  }
0xcd: {  	_ =	sfence.sel $0xFFFF  }
0xce: {  	[dreg:$0x0] =	wrdreg $0xFFFFFFFF;
	(pc) =	sbr.abs _section_cstart, $3  }
0xcf: {  	[dreg:$0x1] =	wrdreg $0xFFFFFFFF  }
0xd0: {  	_ =	task.clear_ibuf [dreg:s22], $0x2FFFF;
	_ =	strace $0x9FFFFFFF  }
0xd1: {  	(tm) =	ssettm $0x7FFFFFFF  }
tec
execute0_lowered:
.L_overlay_start_1:
0x0: {  	(tag) =	ssettag $0x1  }
0x1: {  	s0 =	stileid.u32;
	s1 =	srdreg.scid  }
0x2: {  	s1 =	sand.u32 $0x1, s1;
	s2 =	sshll.u32 s0, $0x1  }
0x3: {  	s1 =	sor.u32 s2, s1  }
0x4: {  	s3 =	rddreg [dreg:$0x0];
	s2 =	smul.u32 $0x500, s1  }
0x5: {  	s11 =	rddreg [dreg:$0x1]  }
0x6: {  	s4 =	simm.s32 $0x1;
	s5 =	simm.s32 $0x2;
	s7 =	ssub.s32 $0x32000, s2  }
0x7: {  	s10 =	simm.s32 $0x3;
	s13 =	simm.s32 $0x0;
	s8 =	smulhi.u32 $0x1999A, s7  }
0x8: {  	s16 =	simm.s32 $0x0;
	s1 =	rddreg [dreg:$0x2];
	_ =	strace $0x8000004A  }
0x9: {  	s15 =	simm.s32 $0x0;
	[sflag:s4] =	ssyncpa.u1 $0x0;
	s9 =	smul.u32 $0xA000, s8  }
.Ltmp0:
0xa: {  	s6 =	sadd.s32 $0x14000, s11;
	[sflag:s5] =	ssyncpa.u1 $0x0;
	(pc) =	sbr.rel .LBB2_1-.Ltmp0, $4  }
0xb: {  	s14 =	smov.u32 s2;
	p0 =	sne.s32 s7, s9;
	s9 =	simm.s32 $0x1  }
0xc: {  	[sflag:s10] =	ssyncpa.u1 $0x0;
	s10 =	sadd.s32 $0x7E400, s11;
	s9 =	simm.s32 @!p0 $0x0  }
0xd: {  	s7 =	sadd.s32 $0x1A400, s11;
	p0 =	por $0x0, $0x0;
	s8 =	sadd.s32 s9, s8  }
0xe: {  	vm0 =	vmmov $0xffff;
	v0 =	vlaneseq.u32;
	s9 =	sadd.s32 $0x4C400, s11;
	s11 =	sadd.s32 $0xB0400, s11;
	s12 =	sadd.s32 $0x1, s8  }
.LBB2_4:
0xf: {  	_ =	sdelay $0x1  }
0x10: {  	(ifvalue) =	ssetifvalue $0x7FFFFFFF  }
0x11: {  	s19 =	sshll.u32 s16, $0x3;
	(ifvalue) =	ssetifvalue $0x7FFFFFFF  }
0x12: {  	[tilespmem:s25], [sflag:$0x1] =	stream.indirect_vreg.gather [hbm4b:s3+s13], $0x1, v1, vm0, $0x4038;
	[tilespmem:$0x14A00] =	vst v63  }
0x13: {  	s24 =	sand.u32 $0x78, s16;
	s19 =	sand.u32 $0xFFFFFC00, s19  }
0x14: {  	_ =	swait.ge [sflag:s4], $0xA000;
	s16 =	sor.u32 s24, s19  }
0x15: {  	[sflag:s4] =	ssyncset.done $0x0;
	s16 =	sshrl.u32 s16, $0x3  }
0x16: {  	[sflag:s4] =	ssyncadd.s32 $0xFFFF6000;
	s25 =	sadd.s32 s7, s16  }
0x17: {  	[hbm:s25] =	stream.linear.scatter [tilespmem:s18], [sflag:$0x3], $0x2800, $0x38;
	[tilespmem:$0x14A00] =	vst v63  }
0x18: {  	s26 =	sadd.s32 $0x3200, s17;
	s28 =	sadd.s32 s16, s9  }
0x19: {  	[hbm:s28] =	stream.linear.scatter [tilespmem:s26], [sflag:$0x3], $0x2800, $0x38;
	[tilespmem:$0x14A00] =	vst v63  }
0x1a: {  	s29 =	sadd.s32 $0x5A00, s17;
	s30 =	sadd.s32 s16, s10  }
0x1b: {  	[hbm:s30] =	stream.linear.scatter [tilespmem:s29], [sflag:$0x3], $0x2800, $0x38;
	[tilespmem:$0x14A00] =	vst v63  }
0x1c: {  	s31 =	sadd.s32 $0x8200, s17;
	s16 =	sadd.s32 s16, s11  }
0x1d: {  	[hbm:s16] =	stream.linear.scatter [tilespmem:s31], [sflag:$0x3], $0x2800, $0x38;
	[tilespmem:$0x14A00] =	vst v63  }
.LBB2_5:
0x1e: {  	s18 =	sadd.s32 $0xA000, s14  }
0x1f: {  	p2 =	sgt.s32 s18, $0x31FFF  }
0x20: {  	s18 =	smov.u32 @p2 s2;
	p2 =	sne.s32 s15, s12  }
.Ltmp1:
0x21: {  	p1 =	slt.u32 s15, $0x2;
	(pc) =	sbr.rel @!p2 .LBB2_6-.Ltmp1, $4  }
0x22: {  	s17 =	simm.s32 @!p1 $0x3  }
0x23: {  	s19 =	sadd.s32 $0x1, s15;
	_ =	swait.ge @!p1 [sflag:s17], $0xA000  }
0x24: {  	s16 =	smov.u32 s14;
	p0 =	por !p0, !p0;
	[sflag:s17] =	ssyncset.done @!p1 $0x0  }
0x25: {  	s15 =	smov.u32 s19;
	s14 =	smov.u32 s18;
	[sflag:s17] =	ssyncadd.s32 @!p1 $0xFFFF6000  }
.LBB2_1:
0x26: {  	p1 =	sge.u32 s15, s8  }
0x27: {  	s17 =	sxor.u32 @!p1 $0xFFFFFFFF, s15  }
0x28: {  	s17 =	sand.u32 @!p1 $0x1, s17  }
0x29: {  	s17 =	smul.u32 @!p1 $0x1400, s17  }
0x2a: {  	s31 =	sadd.s32 $0xFFFFFFFF, s15;
	s18 =	sshrl.u32 @!p1 s14, $0x3  }
0x2b: {  	s19 =	sand.u32 @!p1 $0x7, s14;
	s18 =	sadd.s32 @!p1 s6, s18;
	s17 =	sshrl.u32 @!p1 s17, $0x2  }
0x2c: {  	[tilespmem:s17], [sflag:$0x2] =	stream.linear.gather @!p1 [hbm4b:s18+s19], $0x500, $0x38;
	[tilespmem:$0x14A00] =	vst v63  }
0x2d: {  	p1 =	sge.u32 s31, s8  }
.Ltmp2:
0x2e: {  	_ = 	snop;
	(pc) =	sbr.rel @p1 .LBB2_5-.Ltmp2, $1  }
0x2f: {  	_ =	sdelay $0x3  }
0x30: {  	s17 =	simm.s32 $0x1  }
0x31: {  	s17 =	simm.s32 @!p0 $0x0  }
0x32: {  	_ =	swait.ge [sflag:s5], $0x500;
	s17 =	smul.u32 $0x1400, s17  }
0x33: {  	[sflag:s5] =	ssyncset.done $0x0  }
0x34: {  	[sflag:s5] =	ssyncadd.s32 $0xFFFFFB00;
	s21 =	sshrl.u32 s17, $0x2  }
0x35: {  	v1 =	vld.msk [tilespmem:s21+$0x0 ss:$0x1], $0xffff;
	_ =	sdelay $0x2  }
0x36: {  	s22 =	ssub.s32 $0x32000, s16  }
0x37: {  	p1 =	slt.s32 s22, $0x500  }
0x38: {  	s22 =	simm.s32 @!p1 $0x500;
	vm1 =	vgt.s32 v1, $0x0  }
0x39: {  	p1 =	sgt.s32 s22, $0x0;
	s17 =	smov.u32 s22;
	v1 =	vnsel vm1, $0x0, v1  }
0x3a: {  	s17 =	simm.s32 @!p1 $0x0;
	v1 =	vmin.u32 v1, $0xF4240  }
0x3b: {  	s17 =	smin.u32 s17, $0x10;
	v2 =	vshll.u32 v1, $0x3  }
0x3c: {  	s18 =	sand.u32 $0x1, s15;
	v3 =	vmov s17;
	v1 =	vand.u32 $0x7F, v1;
	v2 =	vand.u32 $0x7FFC00, v2  }
0x3d: {  	s23 =	smul.u32 $0x28000, s18;
	vm1 =	vgt.u32 v3, v0;
	v1 =	vor.u32 v1, v2  }
0x3e: {  	v2 =	vnsel vm1, $0x7FFFFFFF, v1  }
0x3f: {  	s20 =	simm.s32 $0x0;
	s17 =	sshrl.u32 s23, $0x2  }
0x40: {  	s19 =	simm.s32 $0x0;
	s20 =	sand.u32 $0x3C00, s20;
	s18 =	sor.u32 $0xA00, s17;
	v3 =	vor.u32 $0x80, v1  }
0x41: {  	(ifvalue) =	ssetifvalue $0x7FFFFFFF;
	s23 =	sand.u32 $0x70, s19;
	s20 =	sadd.s32 s20, s18;
	v3 =	vnsel vm1, $0x7FFFFFFF, v3  }
0x42: {  	(ifvalue) =	ssetifvalue $0x7FFFFFFF;
	s23 =	sadd.s32 s23, s20  }
0x43: {  	v4 =	vor.u32 $0x100, v1;
	[tilespmem:s23], [sflag:$0x1] =	stream.indirect_vreg.gather [hbm4b:s3+s13], $0x1, v2, vm0, $0x4038;
	[tilespmem:$0x14A00] =	vst v63  }
0x44: {  	v2 =	vnsel vm1, $0x7FFFFFFF, v4;
	(ifvalue) =	ssetifvalue $0x7FFFFFFF  }
0x45: {  	s20 =	sadd.s32 $0x80, s23;
	(ifvalue) =	ssetifvalue $0x7FFFFFFF  }
0x46: {  	v36 =	vor.u32 $0x180, v1;
	[tilespmem:s20], [sflag:$0x1] =	stream.indirect_vreg.gather [hbm4b:s3+s13], $0x1, v3, vm0, $0x4038;
	[tilespmem:$0x14A00] =	vst v63  }
0x47: {  	v3 =	vnsel vm1, $0x7FFFFFFF, v36;
	(ifvalue) =	ssetifvalue $0x7FFFFFFF  }
0x48: {  	s24 =	sadd.s32 $0x100, s23;
	(ifvalue) =	ssetifvalue $0x7FFFFFFF  }
0x49: {  	v37 =	vor.u32 $0x200, v1;
	[tilespmem:s24], [sflag:$0x1] =	stream.indirect_vreg.gather [hbm4b:s3+s13], $0x1, v2, vm0, $0x4038;
	[tilespmem:$0x14A00] =	vst v63  }
0x4a: {  	v2 =	vnsel vm1, $0x7FFFFFFF, v37;
	(ifvalue) =	ssetifvalue $0x7FFFFFFF  }
0x4b: {  	s25 =	sadd.s32 $0x180, s23;
	(ifvalue) =	ssetifvalue $0x7FFFFFFF  }
0x4c: {  	v38 =	vor.u32 $0x280, v1;
	[tilespmem:s25], [sflag:$0x1] =	stream.indirect_vreg.gather [hbm4b:s3+s13], $0x1, v3, vm0, $0x4038;
	[tilespmem:$0x14A00] =	vst v63  }
0x4d: {  	v3 =	vnsel vm1, $0x7FFFFFFF, v38;
	(ifvalue) =	ssetifvalue $0x7FFFFFFF  }
0x4e: {  	s26 =	sadd.s32 $0x200, s23;
	(ifvalue) =	ssetifvalue $0x7FFFFFFF  }
0x4f: {  	v39 =	vor.u32 $0x300, v1;
	[tilespmem:s26], [sflag:$0x1] =	stream.indirect_vreg.gather [hbm4b:s3+s13], $0x1, v2, vm0, $0x4038;
	[tilespmem:$0x14A00] =	vst v63  }
0x50: {  	v2 =	vnsel vm1, $0x7FFFFFFF, v39;
	(ifvalue) =	ssetifvalue $0x7FFFFFFF  }
0x51: {  	s28 =	sand.u32 $0x7, s19;
	s24 =	sadd.s32 $0x280, s23;
	(ifvalue) =	ssetifvalue $0x7FFFFFFF  }
0x52: {  	v40 =	vor.u32 $0x380, v1;
	[tilespmem:s24], [sflag:$0x1] =	stream.indirect_vreg.gather [hbm4b:s3+s13], $0x1, v3, vm0, $0x4038;
	[tilespmem:$0x14A00] =	vst v63  }
0x53: {  	s20 =	sshll.u32 s28, $0x4;
	v3 =	vnsel vm1, $0x7FFFFFFF, v40;
	(ifvalue) =	ssetifvalue $0x7FFFFFFF  }
0x54: {  	s29 =	sadd.s32 $0x300, s23;
	s20 =	sadd.s32 $0x0, s20;
	(ifvalue) =	ssetifvalue $0x7FFFFFFF  }
0x55: {  	v41 =	vadd.s32 $0x7A1400, v1;
	[tilespmem:s29], [sflag:$0x1] =	stream.indirect_vreg.gather [hbm4b:s3+s13], $0x1, v2, vm0, $0x4038;
	[tilespmem:$0x14A00] =	vst v63  }
0x56: {  	s20 =	sor.u32 $0x380, s20;
	v2 =	vnsel vm1, $0x7FFFFFFF, v41;
	(ifvalue) =	ssetifvalue $0x7FFFFFFF  }
0x57: {  	s20 =	sadd.s32 s20, s18;
	(ifvalue) =	ssetifvalue $0x7FFFFFFF  }
0x58: {  	v42 =	vadd.s32 $0x7A1480, v1;
	[tilespmem:s20], [sflag:$0x1] =	stream.indirect_vreg.gather [hbm4b:s3+s13], $0x1, v3, vm0, $0x4038;
	[tilespmem:$0x14A00] =	vst v63  }
0x59: {  	v3 =	vnsel vm1, $0x7FFFFFFF, v42;
	(ifvalue) =	ssetifvalue $0x7FFFFFFF  }
0x5a: {  	s30 =	sadd.s32 $0x2800, s23;
	(ifvalue) =	ssetifvalue $0x7FFFFFFF  }
0x5b: {  	v43 =	vadd.s32 $0x7A1500, v1;
	[tilespmem:s30], [sflag:$0x1] =	stream.indirect_vreg.gather [hbm4b:s3+s13], $0x1, v2, vm0, $0x4038;
	[tilespmem:$0x14A00] =	vst v63  }
0x5c: {  	v2 =	vnsel vm1, $0x7FFFFFFF, v43;
	(ifvalue) =	ssetifvalue $0x7FFFFFFF  }
0x5d: {  	s31 =	sadd.s32 $0x2880, s23;
	(ifvalue) =	ssetifvalue $0x7FFFFFFF  }
0x5e: {  	v44 =	vadd.s32 $0x7A1580, v1;
	[tilespmem:s31], [sflag:$0x1] =	stream.indirect_vreg.gather [hbm4b:s3+s13], $0x1, v3, vm0, $0x4038;
	[tilespmem:$0x14A00] =	vst v63  }
0x5f: {  	v3 =	vnsel vm1, $0x7FFFFFFF, v44;
	(ifvalue) =	ssetifvalue $0x7FFFFFFF  }
0x60: {  	s24 =	sadd.s32 $0x2900, s23;
	(ifvalue) =	ssetifvalue $0x7FFFFFFF  }
0x61: {  	v45 =	vadd.s32 $0x7A1600, v1;
	[tilespmem:s24], [sflag:$0x1] =	stream.indirect_vreg.gather [hbm4b:s3+s13], $0x1, v2, vm0, $0x4038;
	[tilespmem:$0x14A00] =	vst v63  }
0x62: {  	v2 =	vnsel vm1, $0x7FFFFFFF, v45;
	(ifvalue) =	ssetifvalue $0x7FFFFFFF  }
0x63: {  	s25 =	sadd.s32 $0x2980, s23;
	(ifvalue) =	ssetifvalue $0x7FFFFFFF  }
0x64: {  	v46 =	vadd.s32 $0x7A1680, v1;
	[tilespmem:s25], [sflag:$0x1] =	stream.indirect_vreg.gather [hbm4b:s3+s13], $0x1, v3, vm0, $0x4038;
	[tilespmem:$0x14A00] =	vst v63  }
0x65: {  	v3 =	vnsel vm1, $0x7FFFFFFF, v46;
	(ifvalue) =	ssetifvalue $0x7FFFFFFF  }
0x66: {  	s26 =	sadd.s32 $0x2A00, s23;
	(ifvalue) =	ssetifvalue $0x7FFFFFFF  }
0x67: {  	v47 =	vadd.s32 $0x7A1700, v1;
	[tilespmem:s26], [sflag:$0x1] =	stream.indirect_vreg.gather [hbm4b:s3+s13], $0x1, v2, vm0, $0x4038;
	[tilespmem:$0x14A00] =	vst v63  }
0x68: {  	v2 =	vnsel vm1, $0x7FFFFFFF, v47;
	(ifvalue) =	ssetifvalue $0x7FFFFFFF  }
0x69: {  	s28 =	sadd.s32 $0x2A80, s23;
	(ifvalue) =	ssetifvalue $0x7FFFFFFF  }
0x6a: {  	v48 =	vadd.s32 $0x7A1780, v1;
	[tilespmem:s28], [sflag:$0x1] =	stream.indirect_vreg.gather [hbm4b:s3+s13], $0x1, v3, vm0, $0x4038;
	[tilespmem:$0x14A00] =	vst v63  }
0x6b: {  	v3 =	vnsel vm1, $0x7FFFFFFF, v48;
	(ifvalue) =	ssetifvalue $0x7FFFFFFF  }
0x6c: {  	s29 =	sadd.s32 $0x2B00, s23;
	(ifvalue) =	ssetifvalue $0x7FFFFFFF  }
0x6d: {  	v49 =	vadd.s32 $0xF42800, v1;
	[tilespmem:s29], [sflag:$0x1] =	stream.indirect_vreg.gather [hbm4b:s3+s13], $0x1, v2, vm0, $0x4038;
	[tilespmem:$0x14A00] =	vst v63  }
0x6e: {  	v2 =	vnsel vm1, $0x7FFFFFFF, v49;
	(ifvalue) =	ssetifvalue $0x7FFFFFFF  }
0x6f: {  	s30 =	sadd.s32 $0x2B80, s23;
	(ifvalue) =	ssetifvalue $0x7FFFFFFF  }
0x70: {  	v50 =	vadd.s32 $0xF42880, v1;
	[tilespmem:s30], [sflag:$0x1] =	stream.indirect_vreg.gather [hbm4b:s3+s13], $0x1, v3, vm0, $0x4038;
	[tilespmem:$0x14A00] =	vst v63  }
0x71: {  	v3 =	vnsel vm1, $0x7FFFFFFF, v50;
	(ifvalue) =	ssetifvalue $0x7FFFFFFF  }
0x72: {  	s31 =	sadd.s32 $0x5000, s23;
	(ifvalue) =	ssetifvalue $0x7FFFFFFF  }
0x73: {  	v51 =	vadd.s32 $0xF42900, v1;
	[tilespmem:s31], [sflag:$0x1] =	stream.indirect_vreg.gather [hbm4b:s3+s13], $0x1, v2, vm0, $0x4038;
	[tilespmem:$0x14A00] =	vst v63  }
0x74: {  	v2 =	vnsel vm1, $0x7FFFFFFF, v51;
	(ifvalue) =	ssetifvalue $0x7FFFFFFF  }
0x75: {  	s24 =	sadd.s32 $0x5080, s23;
	(ifvalue) =	ssetifvalue $0x7FFFFFFF  }
0x76: {  	v52 =	vadd.s32 $0xF42980, v1;
	[tilespmem:s24], [sflag:$0x1] =	stream.indirect_vreg.gather [hbm4b:s3+s13], $0x1, v3, vm0, $0x4038;
	[tilespmem:$0x14A00] =	vst v63  }
0x77: {  	v3 =	vnsel vm1, $0x7FFFFFFF, v52;
	(ifvalue) =	ssetifvalue $0x7FFFFFFF  }
0x78: {  	s25 =	sadd.s32 $0x5100, s23;
	(ifvalue) =	ssetifvalue $0x7FFFFFFF  }
0x79: {  	v53 =	vadd.s32 $0xF42A00, v1;
	[tilespmem:s25], [sflag:$0x1] =	stream.indirect_vreg.gather [hbm4b:s3+s13], $0x1, v2, vm0, $0x4038;
	[tilespmem:$0x14A00] =	vst v63  }
0x7a: {  	v2 =	vnsel vm1, $0x7FFFFFFF, v53;
	(ifvalue) =	ssetifvalue $0x7FFFFFFF  }
0x7b: {  	s26 =	sadd.s32 $0x5180, s23;
	(ifvalue) =	ssetifvalue $0x7FFFFFFF  }
0x7c: {  	v54 =	vadd.s32 $0xF42A80, v1;
	[tilespmem:s26], [sflag:$0x1] =	stream.indirect_vreg.gather [hbm4b:s3+s13], $0x1, v3, vm0, $0x4038;
	[tilespmem:$0x14A00] =	vst v63  }
0x7d: {  	v3 =	vnsel vm1, $0x7FFFFFFF, v54;
	(ifvalue) =	ssetifvalue $0x7FFFFFFF  }
0x7e: {  	s28 =	sadd.s32 $0x5200, s23;
	(ifvalue) =	ssetifvalue $0x7FFFFFFF  }
0x7f: {  	v55 =	vadd.s32 $0xF42B00, v1;
	[tilespmem:s28], [sflag:$0x1] =	stream.indirect_vreg.gather [hbm4b:s3+s13], $0x1, v2, vm0, $0x4038;
	[tilespmem:$0x14A00] =	vst v63  }
0x80: {  	v2 =	vnsel vm1, $0x7FFFFFFF, v55;
	(ifvalue) =	ssetifvalue $0x7FFFFFFF  }
0x81: {  	s29 =	sadd.s32 $0x5280, s23;
	(ifvalue) =	ssetifvalue $0x7FFFFFFF  }
0x82: {  	v56 =	vadd.s32 $0xF42B80, v1;
	[tilespmem:s29], [sflag:$0x1] =	stream.indirect_vreg.gather [hbm4b:s3+s13], $0x1, v3, vm0, $0x4038;
	[tilespmem:$0x14A00] =	vst v63  }
0x83: {  	v3 =	vnsel vm1, $0x7FFFFFFF, v56;
	(ifvalue) =	ssetifvalue $0x7FFFFFFF  }
0x84: {  	s30 =	sadd.s32 $0x5300, s23;
	(ifvalue) =	ssetifvalue $0x7FFFFFFF  }
0x85: {  	v57 =	vadd.s32 $0x16E3C00, v1;
	[tilespmem:s30], [sflag:$0x1] =	stream.indirect_vreg.gather [hbm4b:s3+s13], $0x1, v2, vm0, $0x4038;
	[tilespmem:$0x14A00] =	vst v63  }
0x86: {  	v2 =	vnsel vm1, $0x7FFFFFFF, v57;
	(ifvalue) =	ssetifvalue $0x7FFFFFFF  }
0x87: {  	s31 =	sadd.s32 $0x5380, s23;
	(ifvalue) =	ssetifvalue $0x7FFFFFFF  }
0x88: {  	v58 =	vadd.s32 $0x16E3C80, v1;
	[tilespmem:s31], [sflag:$0x1] =	stream.indirect_vreg.gather [hbm4b:s3+s13], $0x1, v3, vm0, $0x4038;
	[tilespmem:$0x14A00] =	vst v63  }
0x89: {  	v3 =	vnsel vm1, $0x7FFFFFFF, v58;
	(ifvalue) =	ssetifvalue $0x7FFFFFFF  }
0x8a: {  	s24 =	sadd.s32 $0x7800, s23;
	(ifvalue) =	ssetifvalue $0x7FFFFFFF  }
0x8b: {  	v59 =	vadd.s32 $0x16E3D00, v1;
	[tilespmem:s24], [sflag:$0x1] =	stream.indirect_vreg.gather [hbm4b:s3+s13], $0x1, v2, vm0, $0x4038;
	[tilespmem:$0x14A00] =	vst v63  }
0x8c: {  	v2 =	vnsel vm1, $0x7FFFFFFF, v59;
	(ifvalue) =	ssetifvalue $0x7FFFFFFF  }
0x8d: {  	s25 =	sadd.s32 $0x7880, s23;
	(ifvalue) =	ssetifvalue $0x7FFFFFFF  }
0x8e: {  	v60 =	vadd.s32 $0x16E3D80, v1;
	[tilespmem:s25], [sflag:$0x1] =	stream.indirect_vreg.gather [hbm4b:s3+s13], $0x1, v3, vm0, $0x4038;
	[tilespmem:$0x14A00] =	vst v63  }
0x8f: {  	v3 =	vnsel vm1, $0x7FFFFFFF, v60;
	(ifvalue) =	ssetifvalue $0x7FFFFFFF  }
0x90: {  	s26 =	sadd.s32 $0x7900, s23;
	(ifvalue) =	ssetifvalue $0x7FFFFFFF  }
0x91: {  	v61 =	vadd.s32 $0x16E3E00, v1;
	[tilespmem:s26], [sflag:$0x1] =	stream.indirect_vreg.gather [hbm4b:s3+s13], $0x1, v2, vm0, $0x4038;
	[tilespmem:$0x14A00] =	vst v63  }
0x92: {  	v2 =	vnsel vm1, $0x7FFFFFFF, v61;
	(ifvalue) =	ssetifvalue $0x7FFFFFFF  }
0x93: {  	s28 =	sadd.s32 $0x7980, s23;
	(ifvalue) =	ssetifvalue $0x7FFFFFFF  }
0x94: {  	v62 =	vadd.s32 $0x16E3E80, v1;
	[tilespmem:s28], [sflag:$0x1] =	stream.indirect_vreg.gather [hbm4b:s3+s13], $0x1, v3, vm0, $0x4038;
	[tilespmem:$0x14A00] =	vst v63  }
0x95: {  	v3 =	vnsel vm1, $0x7FFFFFFF, v62;
	(ifvalue) =	ssetifvalue $0x7FFFFFFF  }
0x96: {  	s29 =	sadd.s32 $0x7A00, s23;
	(ifvalue) =	ssetifvalue $0x7FFFFFFF  }
0x97: {  	v63 =	vadd.s32 $0x16E3F00, v1;
	[tilespmem:s29], [sflag:$0x1] =	stream.indirect_vreg.gather [hbm4b:s3+s13], $0x1, v2, vm0, $0x4038;
	[tilespmem:$0x14A00] =	vst v63  }
0x98: {  	s22 =	sadd.s32 $0xFFFFFFF0, s22;
	s21 =	sadd.s32 $0x10, s21;
	v2 =	vnsel vm1, $0x7FFFFFFF, v63;
	(ifvalue) =	ssetifvalue $0x7FFFFFFF  }
0x99: {  	s20 =	simm.s32 $0x10;
	s30 =	sadd.s32 $0x7A80, s23;
	(ifvalue) =	ssetifvalue $0x7FFFFFFF  }
0x9a: {  	[tilespmem:s30], [sflag:$0x1] =	stream.indirect_vreg.gather [hbm4b:s3+s13], $0x1, v3, vm0, $0x4038;
	[tilespmem:$0x14A00] =	vst v63  }
0x9b: {  	v1 =	vadd.s32 $0x16E3F80, v1;
	s31 =	sadd.s32 $0x7B00, s23;
	s24 =	simm.s32 $0x0;
	(ifvalue) =	ssetifvalue $0x7FFFFFFF  }
0x9c: {  	v1 =	vnsel vm1, $0x7FFFFFFF, v1;
	s25 =	sadd.s32 $0x7B80, s23;
	s23 =	simm.s32 $0xFFFFD880;
	(ifvalue) =	ssetifvalue $0x7FFFFFFF  }
0x9d: {  	[tilespmem:s31], [sflag:$0x1] =	stream.indirect_vreg.gather [hbm4b:s3+s13], $0x1, v2, vm0, $0x4038;
	[tilespmem:$0x14A00] =	vst v63  }
.LBB2_3:
0x9e: {  	(ifvalue) =	ssetifvalue $0x7FFFFFFF  }
0x9f: {  	s19 =	sadd.s32 $0x80, s19;
	s24 =	sadd.s32 $0x1, s24;
	s26 =	smov.u32 s20  }
0xa0: {  	p1 =	sne.s32 s20, $0x4F0;
	s20 =	sadd.s32 $0x10, s20;
	(ifvalue) =	ssetifvalue $0x7FFFFFFF  }
0xa1: {  	[tilespmem:s25], [sflag:$0x1] =	stream.indirect_vreg.gather [hbm4b:s3+s13], $0x1, v1, vm0, $0x4038;
	[tilespmem:$0x14A00] =	vst v63  }
0xa2: {  	v1 =	vld.msk [tilespmem:s21+$0x0 ss:$0x1], $0xffff;
	_ =	sdelay $0x4  }
0xa3: {  	p2 =	sgt.s32 s22, $0x0;
	s25 =	smov.u32 s22  }
0xa4: {  	s25 =	simm.s32 @!p2 $0x0;
	vm1 =	vgt.s32 v1, $0x0  }
0xa5: {  	s25 =	smin.u32 s25, $0x10;
	v1 =	vnsel vm1, $0x0, v1  }
0xa6: {  	v2 =	vmov s25;
	v1 =	vmin.u32 v1, $0xF4240  }
0xa7: {  	vm1 =	vgt.u32 v2, v0;
	v3 =	vshll.u32 v1, $0x3  }
0xa8: {  	v1 =	vand.u32 $0x7F, v1;
	v2 =	vand.u32 $0x7FFC00, v3  }
0xa9: {  	s25 =	sadd.s32 $0x2800, s23;
	v1 =	vor.u32 v1, v2  }
0xaa: {  	s25 =	sand.u32 $0x3C00, s25;
	v2 =	vnsel vm1, $0x7FFFFFFF, v1;
	v3 =	vor.u32 $0x80, v1;
	v4 =	vor.u32 $0x100, v1  }
0xab: {  	s26 =	sand.u32 $0x70, s26;
	s25 =	sadd.s32 s25, s18;
	v5 =	vor.u32 $0x180, v1;
	v3 =	vnsel vm1, $0x7FFFFFFF, v3;
	v4 =	vnsel vm1, $0x7FFFFFFF, v4;
	(ifvalue) =	ssetifvalue $0x7FFFFFFF  }
0xac: {  	s25 =	sadd.s32 s26, s25;
	v6 =	vor.u32 $0x200, v1;
	v7 =	vor.u32 $0x280, v1;
	v5 =	vnsel vm1, $0x7FFFFFFF, v5;
	(ifvalue) =	ssetifvalue $0x7FFFFFFF  }
0xad: {  	v6 =	vnsel vm1, $0x7FFFFFFF, v6;
	v8 =	vnsel vm1, $0x7FFFFFFF, v7;
	v7 =	vor.u32 $0x300, v1  }
0xae: {  	v9 =	vadd.s32 $0x7A1400, v1;
	v17 =	vnsel vm1, $0x7FFFFFFF, v7;
	v7 =	vor.u32 $0x380, v1  }
0xaf: {  	v19 =	vnsel vm1, $0x7FFFFFFF, v9;
	v18 =	vnsel vm1, $0x7FFFFFFF, v7;
	[tilespmem:s25], [sflag:$0x1] =	stream.indirect_vreg.gather [hbm4b:s3+s13], $0x1, v2, vm0, $0x4038;
	v2 =	vadd.s32 $0x7A1480, v1;
	[tilespmem:$0x14A00] =	vst v63  }
0xb0: {  	(ifvalue) =	ssetifvalue $0x7FFFFFFF;
	v20 =	vnsel vm1, $0x7FFFFFFF, v2;
	v2 =	vadd.s32 $0x7A1500, v1  }
0xb1: {  	s26 =	sadd.s32 $0x80, s25;
	(ifvalue) =	ssetifvalue $0x7FFFFFFF;
	v21 =	vnsel vm1, $0x7FFFFFFF, v2;
	v2 =	vadd.s32 $0x7A1580, v1  }
0xb2: {  	[tilespmem:s26], [sflag:$0x1] =	stream.indirect_vreg.gather [hbm4b:s3+s13], $0x1, v3, vm0, $0x4038;
	v22 =	vnsel vm1, $0x7FFFFFFF, v2;
	v2 =	vadd.s32 $0x7A1600, v1;
	[tilespmem:$0x14A00] =	vst v63  }
0xb3: {  	v3 =	vadd.s32 $0x7A1680, v1;
	v23 =	vnsel vm1, $0x7FFFFFFF, v2;
	v2 =	vadd.s32 $0x7A1700, v1  }
0xb4: {  	(ifvalue) =	ssetifvalue $0x7FFFFFFF;
	v24 =	vnsel vm1, $0x7FFFFFFF, v3;
	v3 =	vadd.s32 $0xF42880, v1;
	v25 =	vnsel vm1, $0x7FFFFFFF, v2  }
0xb5: {  	s26 =	sadd.s32 $0x100, s25;
	(ifvalue) =	ssetifvalue $0x7FFFFFFF;
	v2 =	vadd.s32 $0x7A1780, v1;
	v15 =	vnsel vm1, $0x7FFFFFFF, v3;
	v3 =	vadd.s32 $0xF42A00, v1  }
0xb6: {  	[tilespmem:s26], [sflag:$0x1] =	stream.indirect_vreg.gather [hbm4b:s3+s13], $0x1, v4, vm0, $0x4038;
	v26 =	vnsel vm1, $0x7FFFFFFF, v2;
	v2 =	vadd.s32 $0xF42800, v1;
	[tilespmem:$0x14A00] =	vst v63  }
0xb7: {  	s26 =	sadd.s32 $0x180, s25;
	(ifvalue) =	ssetifvalue $0x7FFFFFFF;
	v16 =	vnsel vm1, $0x7FFFFFFF, v2;
	v2 =	vadd.s32 $0xF42900, v1  }
0xb8: {  	v4 =	vadd.s32 $0xF42A80, v1;
	(ifvalue) =	ssetifvalue $0x7FFFFFFF;
	v13 =	vnsel vm1, $0x7FFFFFFF, v2  }
0xb9: {  	v12 =	vnsel vm1, $0x7FFFFFFF, v3;
	v2 =	vadd.s32 $0xF42980, v1;
	[tilespmem:s26], [sflag:$0x1] =	stream.indirect_vreg.gather [hbm4b:s3+s13], $0x1, v5, vm0, $0x4038;
	[tilespmem:$0x14A00] =	vst v63  }
0xba: {  	v3 =	vadd.s32 $0x16E3C00, v1;
	v10 =	vnsel vm1, $0x7FFFFFFF, v4;
	v14 =	vnsel vm1, $0x7FFFFFFF, v2;
	(ifvalue) =	ssetifvalue $0x7FFFFFFF  }
0xbb: {  	s28 =	sadd.s32 $0x280, s25;
	s26 =	sadd.s32 $0x200, s25;
	v2 =	vadd.s32 $0xF42B00, v1;
	(ifvalue) =	ssetifvalue $0x7FFFFFFF  }
0xbc: {  	v7 =	vnsel vm1, $0x7FFFFFFF, v3;
	v11 =	vnsel vm1, $0x7FFFFFFF, v2;
	v2 =	vadd.s32 $0xF42B80, v1;
	[tilespmem:s26], [sflag:$0x1] =	stream.indirect_vreg.gather [hbm4b:s3+s13], $0x1, v6, vm0, $0x4038;
	[tilespmem:$0x14A00] =	vst v63  }
0xbd: {  	v3 =	vadd.s32 $0x16E3D80, v1;
	v9 =	vnsel vm1, $0x7FFFFFFF, v2;
	v2 =	vadd.s32 $0x16E3C80, v1;
	(ifvalue) =	ssetifvalue $0x7FFFFFFF  }
0xbe: {  	v4 =	vadd.s32 $0x16E3E00, v1;
	s26 =	sand.u32 $0x7, s24;
	v6 =	vnsel vm1, $0x7FFFFFFF, v2;
	(ifvalue) =	ssetifvalue $0x7FFFFFFF  }
0xbf: {  	v5 =	vnsel vm1, $0x7FFFFFFF, v3;
	v2 =	vadd.s32 $0x16E3D00, v1;
	[tilespmem:s28], [sflag:$0x1] =	stream.indirect_vreg.gather [hbm4b:s3+s13], $0x1, v8, vm0, $0x4038;
	[tilespmem:$0x14A00] =	vst v63  }
0xc0: {  	v3 =	vnsel vm1, $0x7FFFFFFF, v4;
	s26 =	sshll.u32 s26, $0x4;
	v8 =	vnsel vm1, $0x7FFFFFFF, v2;
	v2 =	vadd.s32 $0x16E3E80, v1;
	(ifvalue) =	ssetifvalue $0x7FFFFFFF  }
0xc1: {  	s26 =	sadd.s32 s26, s19;
	s28 =	sadd.s32 $0x300, s25;
	v4 =	vnsel vm1, $0x7FFFFFFF, v2;
	(ifvalue) =	ssetifvalue $0x7FFFFFFF  }
0xc2: {  	v2 =	vadd.s32 $0x16E3F00, v1;
	v1 =	vadd.s32 $0x16E3F80, v1;
	[tilespmem:s28], [sflag:$0x1] =	stream.indirect_vreg.gather [hbm4b:s3+s13], $0x1, v17, vm0, $0x4038;
	[tilespmem:$0x14A00] =	vst v63  }
0xc3: {  	s26 =	sor.u32 $0x380, s26;
	v2 =	vnsel vm1, $0x7FFFFFFF, v2;
	v1 =	vnsel vm1, $0x7FFFFFFF, v1;
	(ifvalue) =	ssetifvalue $0x7FFFFFFF  }
0xc4: {  	s26 =	sadd.s32 s26, s18;
	(ifvalue) =	ssetifvalue $0x7FFFFFFF  }
0xc5: {  	[tilespmem:s26], [sflag:$0x1] =	stream.indirect_vreg.gather [hbm4b:s3+s13], $0x1, v18, vm0, $0x4038;
	[tilespmem:$0x14A00] =	vst v63  }
0xc6: {  	(ifvalue) =	ssetifvalue $0x7FFFFFFF  }
0xc7: {  	s26 =	sadd.s32 $0x2800, s25;
	(ifvalue) =	ssetifvalue $0x7FFFFFFF  }
0xc8: {  	[tilespmem:s26], [sflag:$0x1] =	stream.indirect_vreg.gather [hbm4b:s3+s13], $0x1, v19, vm0, $0x4038;
	[tilespmem:$0x14A00] =	vst v63  }
0xc9: {  	(ifvalue) =	ssetifvalue $0x7FFFFFFF  }
0xca: {  	s26 =	sadd.s32 $0x2880, s25;
	(ifvalue) =	ssetifvalue $0x7FFFFFFF  }
0xcb: {  	[tilespmem:s26], [sflag:$0x1] =	stream.indirect_vreg.gather [hbm4b:s3+s13], $0x1, v20, vm0, $0x4038;
	[tilespmem:$0x14A00] =	vst v63  }
0xcc: {  	(ifvalue) =	ssetifvalue $0x7FFFFFFF  }
0xcd: {  	s28 =	sadd.s32 $0x2980, s25;
	s26 =	sadd.s32 $0x2900, s25;
	(ifvalue) =	ssetifvalue $0x7FFFFFFF  }
0xce: {  	[tilespmem:s26], [sflag:$0x1] =	stream.indirect_vreg.gather [hbm4b:s3+s13], $0x1, v21, vm0, $0x4038;
	[tilespmem:$0x14A00] =	vst v63  }
0xcf: {  	(ifvalue) =	ssetifvalue $0x7FFFFFFF  }
0xd0: {  	s26 =	sadd.s32 $0x2A00, s25;
	(ifvalue) =	ssetifvalue $0x7FFFFFFF  }
0xd1: {  	[tilespmem:s28], [sflag:$0x1] =	stream.indirect_vreg.gather [hbm4b:s3+s13], $0x1, v22, vm0, $0x4038;
	[tilespmem:$0x14A00] =	vst v63  }
0xd2: {  	(ifvalue) =	ssetifvalue $0x7FFFFFFF  }
0xd3: {  	s28 =	sadd.s32 $0x2A80, s25;
	(ifvalue) =	ssetifvalue $0x7FFFFFFF  }
0xd4: {  	[tilespmem:s26], [sflag:$0x1] =	stream.indirect_vreg.gather [hbm4b:s3+s13], $0x1, v23, vm0, $0x4038;
	[tilespmem:$0x14A00] =	vst v63  }
0xd5: {  	(ifvalue) =	ssetifvalue $0x7FFFFFFF  }
0xd6: {  	s26 =	sadd.s32 $0x2B00, s25;
	(ifvalue) =	ssetifvalue $0x7FFFFFFF  }
0xd7: {  	[tilespmem:s28], [sflag:$0x1] =	stream.indirect_vreg.gather [hbm4b:s3+s13], $0x1, v24, vm0, $0x4038;
	[tilespmem:$0x14A00] =	vst v63  }
0xd8: {  	(ifvalue) =	ssetifvalue $0x7FFFFFFF  }
0xd9: {  	s28 =	sadd.s32 $0x2B80, s25;
	(ifvalue) =	ssetifvalue $0x7FFFFFFF  }
0xda: {  	[tilespmem:s26], [sflag:$0x1] =	stream.indirect_vreg.gather [hbm4b:s3+s13], $0x1, v25, vm0, $0x4038;
	[tilespmem:$0x14A00] =	vst v63  }
0xdb: {  	(ifvalue) =	ssetifvalue $0x7FFFFFFF  }
0xdc: {  	s26 =	sadd.s32 $0x5000, s25;
	(ifvalue) =	ssetifvalue $0x7FFFFFFF  }
0xdd: {  	[tilespmem:s28], [sflag:$0x1] =	stream.indirect_vreg.gather [hbm4b:s3+s13], $0x1, v26, vm0, $0x4038;
	[tilespmem:$0x14A00] =	vst v63  }
0xde: {  	(ifvalue) =	ssetifvalue $0x7FFFFFFF  }
0xdf: {  	s28 =	sadd.s32 $0x5080, s25;
	(ifvalue) =	ssetifvalue $0x7FFFFFFF  }
0xe0: {  	[tilespmem:s26], [sflag:$0x1] =	stream.indirect_vreg.gather [hbm4b:s3+s13], $0x1, v16, vm0, $0x4038;
	[tilespmem:$0x14A00] =	vst v63  }
0xe1: {  	(ifvalue) =	ssetifvalue $0x7FFFFFFF  }
0xe2: {  	s26 =	sadd.s32 $0x5100, s25;
	(ifvalue) =	ssetifvalue $0x7FFFFFFF  }
0xe3: {  	[tilespmem:s28], [sflag:$0x1] =	stream.indirect_vreg.gather [hbm4b:s3+s13], $0x1, v15, vm0, $0x4038;
	[tilespmem:$0x14A00] =	vst v63  }
0xe4: {  	(ifvalue) =	ssetifvalue $0x7FFFFFFF  }
0xe5: {  	s28 =	sadd.s32 $0x5180, s25;
	(ifvalue) =	ssetifvalue $0x7FFFFFFF  }
0xe6: {  	[tilespmem:s26], [sflag:$0x1] =	stream.indirect_vreg.gather [hbm4b:s3+s13], $0x1, v13, vm0, $0x4038;
	[tilespmem:$0x14A00] =	vst v63  }
0xe7: {  	(ifvalue) =	ssetifvalue $0x7FFFFFFF  }
0xe8: {  	s26 =	sadd.s32 $0x5200, s25;
	(ifvalue) =	ssetifvalue $0x7FFFFFFF  }
0xe9: {  	[tilespmem:s28], [sflag:$0x1] =	stream.indirect_vreg.gather [hbm4b:s3+s13], $0x1, v14, vm0, $0x4038;
	[tilespmem:$0x14A00] =	vst v63  }
0xea: {  	(ifvalue) =	ssetifvalue $0x7FFFFFFF  }
0xeb: {  	s28 =	sadd.s32 $0x5280, s25;
	(ifvalue) =	ssetifvalue $0x7FFFFFFF  }
0xec: {  	[tilespmem:s26], [sflag:$0x1] =	stream.indirect_vreg.gather [hbm4b:s3+s13], $0x1, v12, vm0, $0x4038;
	[tilespmem:$0x14A00] =	vst v63  }
0xed: {  	(ifvalue) =	ssetifvalue $0x7FFFFFFF  }
0xee: {  	s26 =	sadd.s32 $0x5300, s25;
	(ifvalue) =	ssetifvalue $0x7FFFFFFF  }
0xef: {  	[tilespmem:s28], [sflag:$0x1] =	stream.indirect_vreg.gather [hbm4b:s3+s13], $0x1, v10, vm0, $0x4038;
	[tilespmem:$0x14A00] =	vst v63  }
0xf0: {  	(ifvalue) =	ssetifvalue $0x7FFFFFFF  }
0xf1: {  	s28 =	sadd.s32 $0x5380, s25;
	(ifvalue) =	ssetifvalue $0x7FFFFFFF  }
0xf2: {  	[tilespmem:s26], [sflag:$0x1] =	stream.indirect_vreg.gather [hbm4b:s3+s13], $0x1, v11, vm0, $0x4038;
	[tilespmem:$0x14A00] =	vst v63  }
0xf3: {  	(ifvalue) =	ssetifvalue $0x7FFFFFFF  }
0xf4: {  	s26 =	sadd.s32 $0x7800, s25;
	(ifvalue) =	ssetifvalue $0x7FFFFFFF  }
0xf5: {  	[tilespmem:s28], [sflag:$0x1] =	stream.indirect_vreg.gather [hbm4b:s3+s13], $0x1, v9, vm0, $0x4038;
	[tilespmem:$0x14A00] =	vst v63  }
0xf6: {  	(ifvalue) =	ssetifvalue $0x7FFFFFFF  }
0xf7: {  	s28 =	sadd.s32 $0x7880, s25;
	(ifvalue) =	ssetifvalue $0x7FFFFFFF  }
0xf8: {  	[tilespmem:s26], [sflag:$0x1] =	stream.indirect_vreg.gather [hbm4b:s3+s13], $0x1, v7, vm0, $0x4038;
	[tilespmem:$0x14A00] =	vst v63  }
0xf9: {  	(ifvalue) =	ssetifvalue $0x7FFFFFFF  }
0xfa: {  	s26 =	sadd.s32 $0x7900, s25;
	(ifvalue) =	ssetifvalue $0x7FFFFFFF  }
0xfb: {  	[tilespmem:s28], [sflag:$0x1] =	stream.indirect_vreg.gather [hbm4b:s3+s13], $0x1, v6, vm0, $0x4038;
	[tilespmem:$0x14A00] =	vst v63  }
0xfc: {  	(ifvalue) =	ssetifvalue $0x7FFFFFFF  }
0xfd: {  	s28 =	sadd.s32 $0x7980, s25;
	(ifvalue) =	ssetifvalue $0x7FFFFFFF  }
0xfe: {  	[tilespmem:s26], [sflag:$0x1] =	stream.indirect_vreg.gather [hbm4b:s3+s13], $0x1, v8, vm0, $0x4038;
	[tilespmem:$0x14A00] =	vst v63  }
0xff: {  	(ifvalue) =	ssetifvalue $0x7FFFFFFF  }
0x100: {  	s26 =	sadd.s32 $0x7A00, s25;
	(ifvalue) =	ssetifvalue $0x7FFFFFFF  }
0x101: {  	[tilespmem:s28], [sflag:$0x1] =	stream.indirect_vreg.gather [hbm4b:s3+s13], $0x1, v5, vm0, $0x4038;
	[tilespmem:$0x14A00] =	vst v63  }
0x102: {  	(ifvalue) =	ssetifvalue $0x7FFFFFFF  }
0x103: {  	s28 =	sadd.s32 $0x7A80, s25;
	(ifvalue) =	ssetifvalue $0x7FFFFFFF  }
0x104: {  	[tilespmem:s26], [sflag:$0x1] =	stream.indirect_vreg.gather [hbm4b:s3+s13], $0x1, v3, vm0, $0x4038;
	[tilespmem:$0x14A00] =	vst v63  }
0x105: {  	(ifvalue) =	ssetifvalue $0x7FFFFFFF  }
.Ltmp3:
0x106: {  	s26 =	sadd.s32 $0x7B00, s25;
	(ifvalue) =	ssetifvalue $0x7FFFFFFF;
	(pc) =	sbr.rel @p1 .LBB2_3-.Ltmp3, $4  }
0x107: {  	[tilespmem:s28], [sflag:$0x1] =	stream.indirect_vreg.gather [hbm4b:s3+s13], $0x1, v4, vm0, $0x4038;
	[tilespmem:$0x14A00] =	vst v63  }
0x108: {  	s22 =	sadd.s32 $0xFFFFFFF0, s22;
	s21 =	sadd.s32 $0x10, s21;
	(ifvalue) =	ssetifvalue $0x7FFFFFFF  }
0x109: {  	s23 =	sadd.s32 $0x80, s23;
	s25 =	sadd.s32 $0x7B80, s25;
	(ifvalue) =	ssetifvalue $0x7FFFFFFF  }
0x10a: {  	[tilespmem:s26], [sflag:$0x1] =	stream.indirect_vreg.gather [hbm4b:s3+s13], $0x1, v2, vm0, $0x4038;
	[tilespmem:$0x14A00] =	vst v63  }
.Ltmp4:
0x10b: {  	_ = 	snop;
	(pc) =	sbr.rel .LBB2_4-.Ltmp4, $1  }
0x10c: {  	_ =	sdelay $0x3  }
.LBB2_6:
0x10d: {  	_ =	sfence.sel $0x180000  }
0x10e: {  	s2 =	simm.s32 $0x2;
	[bflag:$0x0] =	sbarrier.arrive $0xFFFF  }
0x10f: {  	s30 =	simm.s32 $0x3;
	[sflag:s2] =	ssyncpa.u1 $0x1  }
0x110: {  	s31 =	simm.s32 $0x1;
	[sflag:s30] =	ssyncpa.u1 $0x1  }
0x111: {  	[sflag:s31] =	ssyncpa.u1 $0x1  }
0x112: {  	p0 =	sne.s32 s0, $0x0;
	_ =	strace $0x9000004A  }
0x113: {  	s0 =	sadd.s32 @!p0 $0x100000, s1;
	[bflag:$0x2] =	sbarrier.arrive $0xFFFF  }
0x114: {  	[sflag:s0] =	ssyncadd.tile.s32 @!p0 $0x1;
	_ =	shalt  }
.Lfunc_end2:
_tile_overlayer_lowered:
.L_overlay_start_2:
0x115: {  	(tag) =	ssettag $0x2  }
0x116: {  	s0 =	rddreg [dreg:$0x0];
	s2 =	stileid.u32  }
0x117: {  	s1 =	rddreg [dreg:$0x1];
	p0 =	sne.s32 s2, $0x0  }
0x118: {  	s3 =	rddreg [dreg:$0x2];
	[bflag:$0x3] =	sbarrier.arrive $0xFFFF;
	s2 =	simm.s32 @!p0 $0x1C01  }
0x119: {  	[timem:s3], [sflag:s2] =	dma.local @!p0 [hbm:s0], s1  }
0x11a: {  	s0 =	simm.s32 @!p0 $0x1  }
0x11b: {  	_ =	swait.ge @!p0 [sflag:s0], s1  }
0x11c: {  	s1 =	ssub.s32 @!p0 $0x0, s1;
	[sflag:s0] =	ssyncset.done @!p0 $0x0  }
0x11d: {  	[sflag:s0] =	ssyncadd.s32 @!p0 s1  }
0x11e: {  	[bflag:$0x3] =	sbarrier.arrive $0xFFFF  }
0x11f: {  	_ =	shalt  }

// kernel: kernel.3.cloned.1.call-start
scs
__scs_entry_jumppad:
0x0: {  	(pc) =	sbr.rel $0x88, $3  }
0x1: {  	(tag) =	ssettag $0x0;
	lr =	simm.s32 $0x1  }
0x2: {  	[smem:$0x3F9F] =	sst lr;
	_ =	strace $0xD0000000  }
0x3: {  	_ = 	snop  }
0x4: {  	_ = 	snop  }
0x5: {  	_ = 	snop  }
0x6: {  	_ = 	snop  }
0x7: {  	_ = 	snop  }
__scs_overlays_trampoline_lowered:
0x8: {  	[smem:$0x3FAE] =	sst s0  }
0x9: {  	[smem:$0x3FAF] =	sst s1  }
0xa: {  	[smem:$0x3FB0] =	sst s2  }
0xb: {  	[smem:$0x3FB1] =	sst s3  }
0xc: {  	[smem:$0x3FB2] =	sst s4  }
0xd: {  	[smem:$0x3FB3] =	sst s5  }
0xe: {  	[smem:$0x3FB4] =	sst s6  }
0xf: {  	[smem:$0x3FB5] =	sst s7  }
0x10: {  	[smem:$0x3FB6] =	sst s8  }
0x11: {  	[smem:$0x3FB7] =	sst s9;
	s0 =	simm.s32 @!p0 $0x0  }
0x12: {  	s1 =	sld [smem:$0x3F9D];
	s0 =	simm.s32 @p0 $0x1  }
0x13: {  	[smem:$0x3FB8] =	sst s0;
	s0 =	simm.s32 @!p1 $0x0  }
0x14: {  	s2 =	sld [smem:$0x3F9C];
	s0 =	simm.s32 @p1 $0x1  }
0x15: {  	[smem:$0x3FB9] =	sst s0;
	s0 =	simm.s32 @!p2 $0x0  }
0x16: {  	s3 =	sld [smem:$0x3FDB];
	s0 =	simm.s32 @p2 $0x1  }
0x17: {  	s4 =	simm.s32 $0x1BF5;
	[smem:$0x3FBB] =	sst s0  }
0x18: {  	s0 =	sld [smem:$0x3F9E];
	_ =	swait.ge [sflag:s4], $0x0  }
0x19: {  	s7 =	sld [smem:$0x3F9F]  }
0x1a: {  	s8 =	sadd.s32 $0xFFFFE003, lr  }
0x1b: {  	s9 =	sadd.s32 $0xFFFFFEF7, lr;
	s5 =	simm.s32 $0xFFFFFFFF;
	p2 =	slt.u32 s8, $0xFFFFF086  }
0x1c: {  	p1 =	slt.u32 s9, $0xF7A;
	s5 =	simm.s32 @!p2 $0x0  }
0x1d: {  	s5 =	simm.s32 @p1 $0x1;
	p0 =	seq.s32 s7, s2  }
0x1e: {  	s7 =	smul.u32 @!p0 $0xF7A, s2;
	p2 =	seq.s32 @!p0 s5, $0x0  }
0x1f: {  	s9 =	smul.u32 $0xF7A, s1;
	s8 =	simm.s32 @!p0 $0x1BF5;
	p2 =	por !p2, p0  }
0x20: {  	[sflag:s8] =	ssyncset.s32 @!p0 $0xFFFFF086;
	s6 =	sadd.s32 @!p0 s3, s7;
	s7 =	simm.s32 @!p0 $0x108  }
0x21: {  	s3 =	sadd.s32 s3, s9;
	s6 =	sadd.s32 @!p0 $0x88, s6;
	s7 =	simm.s32 @p2 $0x1082  }
0x22: {  	[simem:s7], [sflag:s8] =	dma.local @!p0 [hbm:s6], $0xF7A  }
0x23: {  	s9 =	sor.u32 $0xD0000000, s2;
	s6 =	simm.s32 $0x108;
	_ =	swait.ge @!p0 [sflag:s8], $0x0  }
0x24: {  	s3 =	sadd.s32 $0x88, s3;
	s6 =	simm.s32 @!p1 $0x1082;
	[sflag:s4] =	ssyncset.s32 $0xFFFFF086  }
0x25: {  	[simem:s6], [sflag:s4] =	dma.local [hbm:s3], $0xF7A  }
0x26: {  	[smem:$0x3F9F] =	sst s1;
	(tag) =	ssettag s2;
	_ =	strace s9  }
0x27: {  	s1 =	sld [smem:$0x3FAF]  }
0x28: {  	s2 =	sld [smem:$0x3FB0]  }
0x29: {  	s4 =	sld [smem:$0x3FB2]  }
0x2a: {  	p0 =	seq.s32 s5, $0x0;
	s5 =	sld [smem:$0x3FB3]  }
0x2b: {  	s6 =	sld [smem:$0x3FB4]  }
0x2c: {  	s7 =	sld [smem:$0x3FB5]  }
0x2d: {  	s3 =	simm.s32 $0x108;
	s8 =	sld [smem:$0x3FB6]  }
0x2e: {  	s3 =	simm.s32 @!p0 $0x1082;
	s9 =	sld [smem:$0x3FB7]  }
0x2f: {  	lr =	sadd.s32 s0, s3;
	s0 =	sld [smem:$0x3FAE]  }
0x30: {  	s3 =	sld [smem:$0x3FB1]  }
0x31: {  	[smem:$0x3FBA] =	sst s10  }
0x32: {  	s10 =	sld [smem:$0x3FB8];
	_ =	sdelay $0x3  }
0x33: {  	p0 =	seq.s32 s10, $0x1;
	s10 =	sld [smem:$0x3FBA];
	_ =	sdelay $0x3  }
0x34: {  	[smem:$0x3FBA] =	sst s10  }
0x35: {  	s10 =	sld [smem:$0x3FB9];
	_ =	sdelay $0x3  }
0x36: {  	p1 =	seq.s32 s10, $0x1;
	s10 =	sld [smem:$0x3FBA];
	_ =	sdelay $0x3  }
0x37: {  	[smem:$0x3FBA] =	sst s10  }
0x38: {  	s10 =	sld [smem:$0x3FBB]  }
0x39: {  	_ = 	snop;
	(pc) =	sbr.ind lr, $3  }
0x3a: {  	_ = 	snop  }
0x3b: {  	_ = 	snop  }
0x3c: {  	p2 =	seq.s32 s10, $0x1;
	s10 =	sld [smem:$0x3FBA]  }
0x3d: {  	_ =	shalt  }
0x3e: {  	_ =	shalt  }
0x3f: {  	_ =	shalt  }
0x40: {  	_ =	shalt  }
0x41: {  	_ =	shalt  }
0x42: {  	_ =	shalt  }
0x43: {  	_ =	shalt  }
0x44: {  	_ =	shalt  }
0x45: {  	_ =	shalt  }
0x46: {  	_ =	shalt  }
0x47: {  	_ =	shalt  }
0x48: {  	_ =	shalt  }
0x49: {  	_ =	shalt  }
0x4a: {  	_ =	shalt  }
0x4b: {  	_ =	shalt  }
0x4c: {  	_ =	shalt  }
0x4d: {  	_ =	shalt  }
0x4e: {  	_ =	shalt  }
0x4f: {  	_ =	shalt  }
0x50: {  	_ =	shalt  }
0x51: {  	_ =	shalt  }
0x52: {  	_ =	shalt  }
0x53: {  	_ =	shalt  }
0x54: {  	_ =	shalt  }
0x55: {  	_ =	shalt  }
0x56: {  	_ =	shalt  }
0x57: {  	_ =	shalt  }
0x58: {  	_ =	shalt  }
0x59: {  	_ =	shalt  }
0x5a: {  	_ =	shalt  }
0x5b: {  	_ =	shalt  }
0x5c: {  	_ =	shalt  }
0x5d: {  	_ =	shalt  }
0x5e: {  	_ =	shalt  }
0x5f: {  	_ =	shalt  }
0x60: {  	_ =	shalt  }
0x61: {  	_ =	shalt  }
0x62: {  	_ =	shalt  }
0x63: {  	_ =	shalt  }
0x64: {  	_ =	shalt  }
0x65: {  	_ =	shalt  }
0x66: {  	_ =	shalt  }
0x67: {  	_ =	shalt  }
0x68: {  	_ =	shalt  }
0x69: {  	_ =	shalt  }
0x6a: {  	_ =	shalt  }
0x6b: {  	_ =	shalt  }
0x6c: {  	_ =	shalt  }
0x6d: {  	_ =	shalt  }
0x6e: {  	_ =	shalt  }
0x6f: {  	_ =	shalt  }
0x70: {  	_ =	shalt  }
0x71: {  	_ =	shalt  }
0x72: {  	_ =	shalt  }
0x73: {  	_ =	shalt  }
0x74: {  	_ =	shalt  }
0x75: {  	_ =	shalt  }
0x76: {  	_ =	shalt  }
0x77: {  	_ =	shalt  }
0x78: {  	_ =	shalt  }
0x79: {  	_ =	shalt  }
0x7a: {  	_ =	shalt  }
0x7b: {  	_ =	shalt  }
0x7c: {  	_ =	shalt  }
0x7d: {  	_ =	shalt  }
0x7e: {  	_ =	shalt  }
0x7f: {  	_ =	shalt  }
0x80: {  	_ =	shalt  }
0x81: {  	_ =	shalt  }
0x82: {  	_ =	shalt  }
0x83: {  	_ =	shalt  }
0x84: {  	_ =	shalt  }
0x85: {  	_ =	shalt  }
0x86: {  	_ =	shalt  }
0x87: {  	_ =	shalt  }
.Lfunc_end0:
.L_simem_size_0:
called_computation.2_lowered:
.L_overlay_start_0:
0x88: {  	s2 =	sld [smem:$0x3FD9]  }
0x89: {  	s3 =	sld [smem:$0x3FFE];
	_ =	sdelay $0x1  }
0x8a: {  	s1 =	srdreg.scid  }
0x8b: {  	s0 =	sand.u32 $0x1, s1  }
0x8c: {  	s17 =	sshll.u32 s0, $0xA;
	s2 =	sadd.s32 s3, s2  }
0x8d: {  	s2 =	sadd.s32 s2, s17  }
0x8e: {  	[smem:$0x3FC6] =	sst s2  }
0x8f: {  	_ = 	snop  }
0x90: {  	s2 =	sld [smem:$0x3FD0];
	(tm) =	ssettm $0x1  }
0x91: {  	s18 =	sld [smem:$0x3FFB];
	_ =	sdelay $0x3  }
0x92: {  	_ =	strace s18  }
0x93: {  	s3 =	sld [smem:$0x3FFC];
	_ =	sdelay $0x3  }
0x94: {  	_ =	strace s3  }
0x95: {  	s3 =	sld [smem:$0x3FFD];
	_ =	sdelay $0x3  }
0x96: {  	_ =	strace s3  }
0x97: {  	_ =	strace $0x8FFFFFFF  }
0x98: {  	s19 =	sld [smem:$0x3FDB];
	_ =	sdelay $0x1  }
0x99: {  	s4 =	simm.s32 $_scs_section_size  }
0x9a: {  	s5 =	simm.s32 $_size__tile_overlayer_lowered;
	s6 =	simm.s32 $_tile_overlayer_lowered  }
0x9b: {  	s22 =	simm.s32 $0x1BFF;
	s21 =	sshll.u32 s6, $0x1;
	s3 =	sadd.s32 s4, s19  }
0x9c: {  	s7 =	simm.s32 $0x0;
	s20 =	sshll.u32 s5, $0x1;
	s5 =	sadd.s32 s21, s3  }
0x9d: {  	[timem:s7], [sflag:s22] =	dma.local [hbm:s5], s20  }
0x9e: {  	_ =	swait.ge [sflag:s22], s20  }
0x9f: {  	s4 =	ssub.s32 $0x0, s20;
	[sflag:s22] =	ssyncset.done $0x0  }
0xa0: {  	[sflag:s22] =	ssyncadd.s32 s4;
	_ =	sdelay $0x1  }
0xa1: {  	s23 =	simm.s32 $0x1B8B  }
0xa2: {  	_ =	swait.ge [sflag:s23], $0x1  }
0xa3: {  	[sflag:s23] =	ssyncset.done $0x0  }
0xa4: {  	s25 =	simm.s32 $0x1B8E;
	s24 =	sld [smem:$0x3FFE];
	[sflag:s23] =	ssyncadd.s32 $0xFFFFFFFF  }
0xa5: {  	s26 =	simm.s32 $execute0_lowered;
	[smem:$0x3FD2] =	sst s25  }
0xa6: {  	s5 =	sshll.u32 s26, $0x1;
	_ =	strace $0x80000046;
	[dreg:$0x1] =	wrdreg $0xFFFFFFFF  }
0xa7: {  	s28 =	simm.s32 $_size_execute0_lowered;
	s3 =	sadd.s32 s3, s5;
	[dreg:$0x0] =	wrdreg $0x0  }
0xa8: {  	s5 =	sshll.u32 s28, $0x1;
	[dreg:$0x2] =	wrdreg s3  }
0xa9: {  	[dreg:$0x3] =	wrdreg s5  }
0xaa: {  	[dreg:$0x4] =	wrdreg $0xC0  }
0xab: {  	_ =	task [dreg:s7], $0x5FFFF  }
0xac: {  	[dreg:$0x1] =	wrdreg $0xFFFFFFFF  }
0xad: {  	[dreg:$0x0] =	wrdreg $0x60  }
0xae: {  	[dreg:$0x2] =	wrdreg s24  }
0xaf: {  	[dreg:$0x3] =	wrdreg s2  }
0xb0: {  	[dreg:$0x4] =	wrdreg $0xA  }
0xb1: {  	_ =	task.clear_ibuf [dreg:s7], $0x5FFFF;
	_ =	strace $0x90000046  }
0xb2: {  	s29 =	simm.s32 $0xA;
	_ =	strace $0x80000048  }
0xb3: {  	_ =	swait.ge [sflag:s29], $0x1  }
0xb4: {  	[sflag:s29] =	ssyncadd.s32 $0xFFFFFFFF  }
0xb5: {  	_ =	strace $0x90000048  }
0xb6: {  	_ =	sfence  }
0xb7: {  	s30 =	sld [smem:$0x0];
	_ =	sdelay $0x2  }
0xb8: {  	s31 =	sshll.u32 s1, $0xD;
	s1 =	sshrl.u32 s1, $0x2  }
0xb9: {  	s3 =	sand.u32 $0x4000, s31;
	s1 =	sadd.s32 s1, s30  }
0xba: {  	s0 =	sor.u32 s3, s0;
	s1 =	sshll.u32 s1, $0x11  }
0xbb: {  	s0 =	sor.u32 s1, s0  }
0xbc: {  	s0 =	sadd.s32 $0x8F2B, s0  }
0xbd: {  	[sflag:s0] =	ssyncadd.remote.s32 $0x1  }
0xbe: {  	_ =	sfence.sel $0xFFFF  }
0xbf: {  	[dreg:$0x0] =	wrdreg $0xFFFFFFFF;
	(pc) =	sbr.abs _section_cstart, $3  }
0xc0: {  	[dreg:$0x1] =	wrdreg $0xFFFFFFFF  }
0xc1: {  	_ =	task.clear_ibuf [dreg:s7], $0x2FFFF;
	_ =	strace $0x9FFFFFFF  }
0xc2: {  	(tm) =	ssettm $0x7FFFFFFF  }
0xc3: {  	_ =	shalt  }
tec
execute0_lowered:
.L_overlay_start_1:
0x0: {  	(tag) =	ssettag $0x1  }
0x1: {  	s5 =	rddreg [dreg:$0x0];
	s1 =	srdreg.scid  }
0x2: {  	s0 =	stileid.u32;
	s2 =	rddreg [dreg:$0x1]  }
0x3: {  	s3 =	simm.s32 $0x0;
	s13 =	simm.s32 $0x280;
	s14 =	simm.s32 $0x1  }
0x4: {  	s15 =	simm.s32 $0x500;
	s16 =	simm.s32 $0x3;
	s17 =	simm.s32 $0x2  }
0x5: {  	s18 =	simm.s32 $0x5500;
	s19 =	simm.s32 $0xA500;
	s20 =	simm.s32 $0x4  }
0x6: {  	s21 =	simm.s32 $0xF500;
	s22 =	simm.s32 $0x5;
	s23 =	simm.s32 $0x6  }
0x7: {  	s6 =	sand.u32 $0x1, s1;
	s4 =	sshll.u32 s0, $0x1;
	s1 =	rddreg [dreg:$0x2]  }
0x8: {  	s24 =	simm.s32 $0x0;
	[smem:$0x7FF] =	sst s3;
	s7 =	sor.u32 s6, s4  }
0x9: {  	_ =	strace $0x80000047;
	s8 =	ssub.s32 $0x2, s6;
	s10 =	smul.u32 $0x4B00, s7  }
0xa: {  	s4 =	sadd.s32 $0x1400, s5;
	s11 =	sshrl.u32 s8, $0x1;
	s6 =	smul.u32 $0x12C0, s7  }
0xb: {  	s5 =	sadd.s32 $0xF43A00, s5;
	s12 =	ssub.s32 s8, s11;
	s9 =	sshrl.u32 s10, $0x3  }
0xc: {  	s11 =	sadd.s32 $0xA0, s6;
	s12 =	smax.u32 s12, $0x1;
	s7 =	sadd.s32 s4, s9  }
0xd: {  	s9 =	sadd.s32 $0x500, s10;
	s10 =	sadd.s32 $0x780, s10;
	s8 =	sadd.s32 $0x50, s7  }
.LBB2_1:
0xe: {  	[tilespmem:s3], [sflag:$0x1] =	stream.linear.gather [hbm4b:s7+s3], $0x280, $0x38;
	[tilespmem:$0x14500] =	vst v63  }
0xf: {  	_ = 	snop  }
0x10: {  	[tilespmem:s13], [sflag:$0x2] =	stream.linear.gather [hbm4b:s8+s3], $0x280, $0x38;
	[tilespmem:$0x14500] =	vst v63  }
0x11: {  	_ =	swait.ge [sflag:s14], $0x280  }
0x12: {  	[sflag:s14] =	ssyncset.done $0x0  }
0x13: {  	s25 =	simm.s32 $0x0;
	[sflag:s14] =	ssyncadd.s32 $0xFFFFFD80  }
0x14: {  	[tilespmem:s15], [sflag:$0x3] =	stream.indirect.gather [hbm4b:s5+s13], $0x20, s3, s13, $0xb8;
	[tilespmem:$0x14500] =	vst v63  }
.LBB2_2:
0x15: {  	_ =	swait.ge [sflag:s16], $0x5000  }
0x16: {  	[sflag:s16] =	ssyncset.done $0x0  }
0x17: {  	[sflag:s16] =	ssyncadd.s32 $0xFFFFB000  }
0x18: {  	_ =	swait.ge [sflag:s17], $0x280  }
0x19: {  	p0 =	seq.s32 s25, $0x0;
	[sflag:s17] =	ssyncset.done $0x0  }
0x1a: {  	s26 =	simm.s32 @!p0 $0x5;
	[sflag:s17] =	ssyncadd.s32 $0xFFFFFD80  }
0x1b: {  	[tilespmem:s18], [sflag:$0x4] =	stream.indirect.gather [hbm4b:s5+s13], $0x20, s13, s13, $0xb8;
	[tilespmem:$0x14500] =	vst v63  }
0x1c: {  	_ =	swait.ge @!p0 [sflag:s26], $0x5000  }
0x1d: {  	[sflag:s26] =	ssyncset.done @!p0 $0x0  }
0x1e: {  	[sflag:s26] =	ssyncadd.s32 @!p0 $0xFFFFB000;
	s26 =	simm.s32 $0x0  }
0x1f: {  	v0 =	vld [tilespmem:s26+$0x6F0]  }
0x20: {  	v1 =	vld [tilespmem:s26+$0x500]  }
0x21: {  	v2 =	vld [tilespmem:s26+$0x510]  }
0x22: {  	v3 =	vld [tilespmem:s26+$0x520]  }
0x23: {  	v4 =	vld [tilespmem:s26+$0x530]  }
0x24: {  	v5 =	vld [tilespmem:s26+$0x540];
	[tilespmem:s26+$0xA6F0] =	vst v0  }
0x25: {  	[tilespmem:s26+$0xA500] =	vst v1;
	v0 =	vld [tilespmem:s26+$0x550]  }
0x26: {  	[tilespmem:s26+$0xA510] =	vst v2;
	v1 =	vld [tilespmem:s26+$0x560]  }
0x27: {  	[tilespmem:s26+$0xA520] =	vst v3;
	v2 =	vld [tilespmem:s26+$0x570]  }
0x28: {  	[tilespmem:s26+$0xA530] =	vst v4;
	v3 =	vld [tilespmem:s26+$0x580]  }
0x29: {  	[tilespmem:s26+$0xA540] =	vst v5;
	v4 =	vld [tilespmem:s26+$0x590]  }
0x2a: {  	v5 =	vld [tilespmem:s26+$0x690];
	[tilespmem:s26+$0xA550] =	vst v0  }
0x2b: {  	v0 =	vld [tilespmem:s26+$0x5A0];
	[tilespmem:s26+$0xA560] =	vst v1  }
0x2c: {  	v1 =	vld [tilespmem:s26+$0x5B0];
	[tilespmem:s26+$0xA570] =	vst v2  }
0x2d: {  	v2 =	vld [tilespmem:s26+$0x5C0];
	[tilespmem:s26+$0xA580] =	vst v3  }
0x2e: {  	v3 =	vld [tilespmem:s26+$0x5D0];
	[tilespmem:s26+$0xA590] =	vst v4  }
0x2f: {  	v4 =	vld [tilespmem:s26+$0x5E0];
	[tilespmem:s26+$0xA690] =	vst v5  }
0x30: {  	[tilespmem:s26+$0xA5A0] =	vst v0;
	v0 =	vld [tilespmem:s26+$0x5F0]  }
0x31: {  	[tilespmem:s26+$0xA5B0] =	vst v1;
	v1 =	vld [tilespmem:s26+$0x600]  }
0x32: {  	[tilespmem:s26+$0xA5C0] =	vst v2;
	v2 =	vld [tilespmem:s26+$0x610]  }
0x33: {  	[tilespmem:s26+$0xA5D0] =	vst v3;
	v3 =	vld [tilespmem:s26+$0x620]  }
0x34: {  	[tilespmem:s26+$0xA5E0] =	vst v4;
	v4 =	vld [tilespmem:s26+$0x630]  }
0x35: {  	[tilespmem:s26+$0xA5F0] =	vst v0;
	v0 =	vld [tilespmem:s26+$0x640]  }
0x36: {  	[tilespmem:s26+$0xA600] =	vst v1;
	v1 =	vld [tilespmem:s26+$0x650]  }
0x37: {  	[tilespmem:s26+$0xA610] =	vst v2;
	v2 =	vld [tilespmem:s26+$0x660]  }
0x38: {  	[tilespmem:s26+$0xA620] =	vst v3;
	v3 =	vld [tilespmem:s26+$0x670]  }
0x39: {  	[tilespmem:s26+$0xA630] =	vst v4;
	v4 =	vld [tilespmem:s26+$0x680]  }
0x3a: {  	[tilespmem:s26+$0xA640] =	vst v0;
	v0 =	vld [tilespmem:s26+$0x6A0]  }
0x3b: {  	[tilespmem:s26+$0xA650] =	vst v1;
	v1 =	vld [tilespmem:s26+$0x6B0]  }
0x3c: {  	[tilespmem:s26+$0xA660] =	vst v2;
	v2 =	vld [tilespmem:s26+$0x6C0]  }
0x3d: {  	[tilespmem:s26+$0xA670] =	vst v3;
	v3 =	vld [tilespmem:s26+$0x6D0]  }
0x3e: {  	s29 =	simm.s32 $0x200;
	s28 =	simm.s32 $0x1000;
	[tilespmem:s26+$0xA680] =	vst v4;
	v4 =	vld [tilespmem:s26+$0x6E0]  }
.LBB2_3:
0x3f: {  	p0 =	sne.s32 s28, $0x13800;
	v5 =	vld [tilespmem:s29+$0x6F0];
	[tilespmem:s26+$0xA6A0] =	vst v0  }
0x40: {  	v0 =	vld [tilespmem:s29+$0x500];
	[tilespmem:s26+$0xA6B0] =	vst v1  }
0x41: {  	v1 =	vld [tilespmem:s29+$0x510];
	[tilespmem:s26+$0xA6C0] =	vst v2  }
0x42: {  	v2 =	vld [tilespmem:s29+$0x520];
	[tilespmem:s26+$0xA6D0] =	vst v3  }
0x43: {  	v3 =	vld [tilespmem:s29+$0x530];
	[tilespmem:s26+$0xA6E0] =	vst v4;
	s26 =	smov.u32 s29  }
0x44: {  	v4 =	vld [tilespmem:s26+$0x540];
	[tilespmem:s26+$0xA6F0] =	vst v5  }
0x45: {  	[tilespmem:s26+$0xA500] =	vst v0;
	v0 =	vld [tilespmem:s26+$0x550]  }
0x46: {  	[tilespmem:s26+$0xA510] =	vst v1;
	v1 =	vld [tilespmem:s26+$0x560]  }
0x47: {  	[tilespmem:s26+$0xA520] =	vst v2;
	v2 =	vld [tilespmem:s26+$0x570]  }
0x48: {  	[tilespmem:s26+$0xA530] =	vst v3;
	v3 =	vld [tilespmem:s26+$0x580]  }
0x49: {  	[tilespmem:s26+$0xA540] =	vst v4;
	v4 =	vld [tilespmem:s26+$0x590]  }
0x4a: {  	[tilespmem:s26+$0xA550] =	vst v0;
	v0 =	vld [tilespmem:s26+$0x5A0]  }
0x4b: {  	[tilespmem:s26+$0xA560] =	vst v1;
	v1 =	vld [tilespmem:s26+$0x5B0]  }
0x4c: {  	[tilespmem:s26+$0xA570] =	vst v2;
	v2 =	vld [tilespmem:s26+$0x5C0]  }
0x4d: {  	[tilespmem:s26+$0xA580] =	vst v3;
	v3 =	vld [tilespmem:s26+$0x5D0]  }
0x4e: {  	[tilespmem:s26+$0xA590] =	vst v4;
	v4 =	vld [tilespmem:s26+$0x5E0]  }
0x4f: {  	[tilespmem:s26+$0xA5A0] =	vst v0;
	v0 =	vld [tilespmem:s26+$0x5F0]  }
0x50: {  	[tilespmem:s26+$0xA5B0] =	vst v1;
	v1 =	vld [tilespmem:s26+$0x600]  }
0x51: {  	[tilespmem:s26+$0xA5C0] =	vst v2;
	v2 =	vld [tilespmem:s26+$0x610]  }
0x52: {  	[tilespmem:s26+$0xA5D0] =	vst v3;
	v3 =	vld [tilespmem:s26+$0x620]  }
0x53: {  	[tilespmem:s26+$0xA5E0] =	vst v4;
	v4 =	vld [tilespmem:s26+$0x630]  }
0x54: {  	[tilespmem:s26+$0xA5F0] =	vst v0;
	v0 =	vld [tilespmem:s26+$0x640]  }
0x55: {  	[tilespmem:s26+$0xA600] =	vst v1;
	v1 =	vld [tilespmem:s26+$0x650]  }
0x56: {  	[tilespmem:s26+$0xA610] =	vst v2;
	v2 =	vld [tilespmem:s26+$0x660]  }
0x57: {  	[tilespmem:s26+$0xA620] =	vst v3;
	v3 =	vld [tilespmem:s26+$0x670]  }
0x58: {  	[tilespmem:s26+$0xA630] =	vst v4;
	v4 =	vld [tilespmem:s26+$0x680]  }
0x59: {  	[tilespmem:s26+$0xA640] =	vst v0;
	v5 =	vld [tilespmem:s26+$0x690]  }
.Ltmp0:
0x5a: {  	[tilespmem:s26+$0xA650] =	vst v1;
	v0 =	vld [tilespmem:s26+$0x6A0];
	(pc) =	sbr.rel @p0 .LBB2_3-.Ltmp0, $4  }
0x5b: {  	[tilespmem:s26+$0xA660] =	vst v2;
	v1 =	vld [tilespmem:s26+$0x6B0]  }
0x5c: {  	[tilespmem:s26+$0xA670] =	vst v3;
	v2 =	vld [tilespmem:s26+$0x6C0]  }
0x5d: {  	[tilespmem:s26+$0xA680] =	vst v4;
	v3 =	vld [tilespmem:s26+$0x6D0]  }
0x5e: {  	s29 =	sshra.s32 s28, $0x2;
	s28 =	sadd.s32 $0x800, s28;
	[tilespmem:s26+$0xA690] =	vst v5;
	v4 =	vld [tilespmem:s26+$0x6E0]  }
0x5f: {  	v5 =	vld [tilespmem:s29+$0x6F0];
	[tilespmem:s26+$0xA6A0] =	vst v0  }
0x60: {  	v0 =	vld [tilespmem:s29+$0x500];
	[tilespmem:s26+$0xA6B0] =	vst v1  }
0x61: {  	v1 =	vld [tilespmem:s29+$0x510];
	[tilespmem:s26+$0xA6C0] =	vst v2  }
0x62: {  	v2 =	vld [tilespmem:s29+$0x520];
	[tilespmem:s26+$0xA6D0] =	vst v3  }
0x63: {  	v3 =	vld [tilespmem:s29+$0x530];
	[tilespmem:s26+$0xA6E0] =	vst v4  }
0x64: {  	v4 =	vld [tilespmem:s29+$0x540];
	[tilespmem:s29+$0xA6F0] =	vst v5  }
0x65: {  	[tilespmem:s29+$0xA500] =	vst v0;
	v0 =	vld [tilespmem:s29+$0x550]  }
0x66: {  	[tilespmem:s29+$0xA510] =	vst v1;
	v1 =	vld [tilespmem:s29+$0x560]  }
0x67: {  	[tilespmem:s29+$0xA520] =	vst v2;
	v2 =	vld [tilespmem:s29+$0x570]  }
0x68: {  	[tilespmem:s29+$0xA530] =	vst v3;
	v3 =	vld [tilespmem:s29+$0x580]  }
0x69: {  	[tilespmem:s29+$0xA540] =	vst v4;
	v4 =	vld [tilespmem:s29+$0x590]  }
0x6a: {  	[tilespmem:s29+$0xA550] =	vst v0;
	v0 =	vld [tilespmem:s29+$0x5A0]  }
0x6b: {  	[tilespmem:s29+$0xA560] =	vst v1;
	v1 =	vld [tilespmem:s29+$0x5B0]  }
0x6c: {  	[tilespmem:s29+$0xA570] =	vst v2;
	v2 =	vld [tilespmem:s29+$0x5C0]  }
0x6d: {  	[tilespmem:s29+$0xA580] =	vst v3;
	v3 =	vld [tilespmem:s29+$0x5D0]  }
0x6e: {  	[tilespmem:s29+$0xA590] =	vst v4;
	v4 =	vld [tilespmem:s29+$0x5E0]  }
0x6f: {  	[tilespmem:s29+$0xA5A0] =	vst v0;
	v0 =	vld [tilespmem:s29+$0x5F0]  }
0x70: {  	[tilespmem:s29+$0xA5B0] =	vst v1;
	v1 =	vld [tilespmem:s29+$0x600]  }
0x71: {  	[tilespmem:s29+$0xA5C0] =	vst v2;
	v2 =	vld [tilespmem:s29+$0x610]  }
0x72: {  	[tilespmem:s29+$0xA5D0] =	vst v3;
	v3 =	vld [tilespmem:s29+$0x620]  }
0x73: {  	[tilespmem:s29+$0xA5E0] =	vst v4;
	v4 =	vld [tilespmem:s29+$0x630]  }
0x74: {  	[tilespmem:s29+$0xA5F0] =	vst v0;
	v0 =	vld [tilespmem:s29+$0x640]  }
0x75: {  	[tilespmem:s29+$0xA600] =	vst v1;
	v1 =	vld [tilespmem:s29+$0x650]  }
0x76: {  	[tilespmem:s29+$0xA610] =	vst v2;
	v2 =	vld [tilespmem:s29+$0x660]  }
0x77: {  	[tilespmem:s29+$0xA620] =	vst v3;
	v3 =	vld [tilespmem:s29+$0x670]  }
0x78: {  	[tilespmem:s29+$0xA630] =	vst v4;
	v4 =	vld [tilespmem:s29+$0x680]  }
0x79: {  	[tilespmem:s29+$0xA640] =	vst v0;
	v0 =	vld [tilespmem:s29+$0x690]  }
0x7a: {  	[tilespmem:s29+$0xA650] =	vst v1;
	v1 =	vld [tilespmem:s29+$0x6A0]  }
0x7b: {  	[tilespmem:s29+$0xA660] =	vst v2;
	v2 =	vld [tilespmem:s29+$0x6B0]  }
0x7c: {  	[tilespmem:s29+$0xA670] =	vst v3;
	v3 =	vld [tilespmem:s29+$0x6C0]  }
0x7d: {  	[tilespmem:s29+$0xA680] =	vst v4;
	v4 =	vld [tilespmem:s29+$0x6D0]  }
0x7e: {  	p0 =	seq.s32 s25, $0xE;
	[tilespmem:s29+$0xA690] =	vst v0;
	v0 =	vld [tilespmem:s29+$0x6E0]  }
0x7f: {  	s26 =	smul.u32 @!p0 $0x500, s25;
	[tilespmem:s29+$0xA6A0] =	vst v1  }
0x80: {  	[tilespmem:s29+$0xA6B0] =	vst v2  }
0x81: {  	s28 =	sadd.s32 @!p0 s26, s9;
	[tilespmem:s29+$0xA6C0] =	vst v3  }
0x82: {  	s28 =	sshrl.u32 @!p0 s28, $0x3;
	[tilespmem:s29+$0xA6D0] =	vst v4  }
0x83: {  	s30 =	simm.s32 @!p0 $0x0;
	[tilespmem:s29+$0xA6E0] =	vst v0;
	s29 =	sadd.s32 @!p0 s4, s28;
	s28 =	smul.u32 $0x140, s25  }
0x84: {  	[tilespmem:s30], [sflag:$0x1] =	stream.linear.gather @!p0 [hbm4b:s29+s30], $0x280, $0x38;
	[tilespmem:$0x14500] =	vst v63  }
0x85: {  	s29 =	sadd.s32 s6, s28  }
0x86: {  	s29 =	sshll.u32 s29, $0x4  }
0x87: {  	s29 =	sadd.s32 s2, s29  }
0x88: {  	[hbm4b:s29+s3] =	stream.linear.scatter [tilespmem:s19], [sflag:$0x5], $0x5000, $0x38;
	[tilespmem:$0x14500] =	vst v63  }
0x89: {  	_ =	swait.ge [sflag:s20], $0x5000  }
0x8a: {  	[sflag:s20] =	ssyncset.done $0x0  }
0x8b: {  	s29 =	simm.s32 @!p0 $0x1;
	[sflag:s20] =	ssyncadd.s32 $0xFFFFB000  }
0x8c: {  	_ =	swait.ge @!p0 [sflag:s29], $0x280  }
0x8d: {  	p1 =	seq.s32 @!p0 s25, $0x0;
	s31 =	simm.s32 @!p0 $0x500;
	[sflag:s29] =	ssyncset.done @!p0 $0x0  }
0x8e: {  	p1 =	por p0, !p1;
	[sflag:s29] =	ssyncadd.s32 @!p0 $0xFFFFFD80;
	s29 =	simm.s32 @!p0 $0x280  }
0x8f: {  	[tilespmem:s31], [sflag:$0x3] =	stream.indirect.gather @!p0 [hbm4b:s5+s29], $0x20, s30, s29, $0xb8;
	[tilespmem:$0x14500] =	vst v63  }
0x90: {  	_ =	swait.ge @p1 [sflag:s23], $0x5000  }
0x91: {  	[sflag:s23] =	ssyncset.done @p1 $0x0  }
0x92: {  	s29 =	simm.s32 $0x0;
	[sflag:s23] =	ssyncadd.s32 @p1 $0xFFFFB000  }
0x93: {  	v0 =	vld [tilespmem:s29+$0x56F0]  }
0x94: {  	v1 =	vld [tilespmem:s29+$0x5500]  }
0x95: {  	v2 =	vld [tilespmem:s29+$0x5510]  }
0x96: {  	v3 =	vld [tilespmem:s29+$0x5520]  }
0x97: {  	v4 =	vld [tilespmem:s29+$0x5530]  }
0x98: {  	v5 =	vld [tilespmem:s29+$0x5540];
	[tilespmem:s29+$0xF6F0] =	vst v0  }
0x99: {  	[tilespmem:s29+$0xF500] =	vst v1;
	v0 =	vld [tilespmem:s29+$0x5550]  }
0x9a: {  	[tilespmem:s29+$0xF510] =	vst v2;
	v1 =	vld [tilespmem:s29+$0x5560]  }
0x9b: {  	[tilespmem:s29+$0xF520] =	vst v3;
	v2 =	vld [tilespmem:s29+$0x5570]  }
0x9c: {  	[tilespmem:s29+$0xF530] =	vst v4;
	v3 =	vld [tilespmem:s29+$0x5580]  }
0x9d: {  	[tilespmem:s29+$0xF540] =	vst v5;
	v4 =	vld [tilespmem:s29+$0x5590]  }
0x9e: {  	v5 =	vld [tilespmem:s29+$0x5690];
	[tilespmem:s29+$0xF550] =	vst v0  }
0x9f: {  	v0 =	vld [tilespmem:s29+$0x55A0];
	[tilespmem:s29+$0xF560] =	vst v1  }
0xa0: {  	v1 =	vld [tilespmem:s29+$0x55B0];
	[tilespmem:s29+$0xF570] =	vst v2  }
0xa1: {  	v2 =	vld [tilespmem:s29+$0x55C0];
	[tilespmem:s29+$0xF580] =	vst v3  }
0xa2: {  	v3 =	vld [tilespmem:s29+$0x55D0];
	[tilespmem:s29+$0xF590] =	vst v4  }
0xa3: {  	v4 =	vld [tilespmem:s29+$0x55E0];
	[tilespmem:s29+$0xF690] =	vst v5  }
0xa4: {  	[tilespmem:s29+$0xF5A0] =	vst v0;
	v0 =	vld [tilespmem:s29+$0x55F0]  }
0xa5: {  	[tilespmem:s29+$0xF5B0] =	vst v1;
	v1 =	vld [tilespmem:s29+$0x5600]  }
0xa6: {  	[tilespmem:s29+$0xF5C0] =	vst v2;
	v2 =	vld [tilespmem:s29+$0x5610]  }
0xa7: {  	[tilespmem:s29+$0xF5D0] =	vst v3;
	v3 =	vld [tilespmem:s29+$0x5620]  }
0xa8: {  	[tilespmem:s29+$0xF5E0] =	vst v4;
	v4 =	vld [tilespmem:s29+$0x5630]  }
0xa9: {  	[tilespmem:s29+$0xF5F0] =	vst v0;
	v0 =	vld [tilespmem:s29+$0x5640]  }
0xaa: {  	[tilespmem:s29+$0xF600] =	vst v1;
	v1 =	vld [tilespmem:s29+$0x5650]  }
0xab: {  	[tilespmem:s29+$0xF610] =	vst v2;
	v2 =	vld [tilespmem:s29+$0x5660]  }
0xac: {  	[tilespmem:s29+$0xF620] =	vst v3;
	v3 =	vld [tilespmem:s29+$0x5670]  }
0xad: {  	[tilespmem:s29+$0xF630] =	vst v4;
	v4 =	vld [tilespmem:s29+$0x5680]  }
0xae: {  	[tilespmem:s29+$0xF640] =	vst v0;
	v0 =	vld [tilespmem:s29+$0x56A0]  }
0xaf: {  	[tilespmem:s29+$0xF650] =	vst v1;
	v1 =	vld [tilespmem:s29+$0x56B0]  }
0xb0: {  	[tilespmem:s29+$0xF660] =	vst v2;
	v2 =	vld [tilespmem:s29+$0x56C0]  }
0xb1: {  	[tilespmem:s29+$0xF670] =	vst v3;
	v3 =	vld [tilespmem:s29+$0x56D0]  }
0xb2: {  	s31 =	simm.s32 $0x200;
	s30 =	simm.s32 $0x1000;
	[tilespmem:s29+$0xF680] =	vst v4;
	v4 =	vld [tilespmem:s29+$0x56E0]  }
.LBB2_5:
0xb3: {  	p1 =	sne.s32 s30, $0x13800;
	v5 =	vld [tilespmem:s31+$0x56F0];
	[tilespmem:s29+$0xF6A0] =	vst v0  }
0xb4: {  	v0 =	vld [tilespmem:s31+$0x5500];
	[tilespmem:s29+$0xF6B0] =	vst v1  }
0xb5: {  	v1 =	vld [tilespmem:s31+$0x5510];
	[tilespmem:s29+$0xF6C0] =	vst v2  }
0xb6: {  	v2 =	vld [tilespmem:s31+$0x5520];
	[tilespmem:s29+$0xF6D0] =	vst v3  }
0xb7: {  	v3 =	vld [tilespmem:s31+$0x5530];
	[tilespmem:s29+$0xF6E0] =	vst v4;
	s29 =	smov.u32 s31  }
0xb8: {  	v4 =	vld [tilespmem:s29+$0x5540];
	[tilespmem:s29+$0xF6F0] =	vst v5  }
0xb9: {  	[tilespmem:s29+$0xF500] =	vst v0;
	v0 =	vld [tilespmem:s29+$0x5550]  }
0xba: {  	[tilespmem:s29+$0xF510] =	vst v1;
	v1 =	vld [tilespmem:s29+$0x5560]  }
0xbb: {  	[tilespmem:s29+$0xF520] =	vst v2;
	v2 =	vld [tilespmem:s29+$0x5570]  }
0xbc: {  	[tilespmem:s29+$0xF530] =	vst v3;
	v3 =	vld [tilespmem:s29+$0x5580]  }
0xbd: {  	[tilespmem:s29+$0xF540] =	vst v4;
	v4 =	vld [tilespmem:s29+$0x5590]  }
0xbe: {  	[tilespmem:s29+$0xF550] =	vst v0;
	v0 =	vld [tilespmem:s29+$0x55A0]  }
0xbf: {  	[tilespmem:s29+$0xF560] =	vst v1;
	v1 =	vld [tilespmem:s29+$0x55B0]  }
0xc0: {  	[tilespmem:s29+$0xF570] =	vst v2;
	v2 =	vld [tilespmem:s29+$0x55C0]  }
0xc1: {  	[tilespmem:s29+$0xF580] =	vst v3;
	v3 =	vld [tilespmem:s29+$0x55D0]  }
0xc2: {  	[tilespmem:s29+$0xF590] =	vst v4;
	v4 =	vld [tilespmem:s29+$0x55E0]  }
0xc3: {  	[tilespmem:s29+$0xF5A0] =	vst v0;
	v0 =	vld [tilespmem:s29+$0x55F0]  }
0xc4: {  	[tilespmem:s29+$0xF5B0] =	vst v1;
	v1 =	vld [tilespmem:s29+$0x5600]  }
0xc5: {  	[tilespmem:s29+$0xF5C0] =	vst v2;
	v2 =	vld [tilespmem:s29+$0x5610]  }
0xc6: {  	[tilespmem:s29+$0xF5D0] =	vst v3;
	v3 =	vld [tilespmem:s29+$0x5620]  }
0xc7: {  	[tilespmem:s29+$0xF5E0] =	vst v4;
	v4 =	vld [tilespmem:s29+$0x5630]  }
0xc8: {  	[tilespmem:s29+$0xF5F0] =	vst v0;
	v0 =	vld [tilespmem:s29+$0x5640]  }
0xc9: {  	[tilespmem:s29+$0xF600] =	vst v1;
	v1 =	vld [tilespmem:s29+$0x5650]  }
0xca: {  	[tilespmem:s29+$0xF610] =	vst v2;
	v2 =	vld [tilespmem:s29+$0x5660]  }
0xcb: {  	[tilespmem:s29+$0xF620] =	vst v3;
	v3 =	vld [tilespmem:s29+$0x5670]  }
0xcc: {  	[tilespmem:s29+$0xF630] =	vst v4;
	v4 =	vld [tilespmem:s29+$0x5680]  }
0xcd: {  	[tilespmem:s29+$0xF640] =	vst v0;
	v5 =	vld [tilespmem:s29+$0x5690]  }
.Ltmp1:
0xce: {  	[tilespmem:s29+$0xF650] =	vst v1;
	v0 =	vld [tilespmem:s29+$0x56A0];
	(pc) =	sbr.rel @p1 .LBB2_5-.Ltmp1, $4  }
0xcf: {  	[tilespmem:s29+$0xF660] =	vst v2;
	v1 =	vld [tilespmem:s29+$0x56B0]  }
0xd0: {  	[tilespmem:s29+$0xF670] =	vst v3;
	v2 =	vld [tilespmem:s29+$0x56C0]  }
0xd1: {  	[tilespmem:s29+$0xF680] =	vst v4;
	v3 =	vld [tilespmem:s29+$0x56D0]  }
0xd2: {  	s31 =	sshra.s32 s30, $0x2;
	s30 =	sadd.s32 $0x800, s30;
	[tilespmem:s29+$0xF690] =	vst v5;
	v4 =	vld [tilespmem:s29+$0x56E0]  }
0xd3: {  	v5 =	vld [tilespmem:s31+$0x56F0];
	[tilespmem:s29+$0xF6A0] =	vst v0  }
0xd4: {  	v0 =	vld [tilespmem:s31+$0x5500];
	[tilespmem:s29+$0xF6B0] =	vst v1  }
0xd5: {  	v1 =	vld [tilespmem:s31+$0x5510];
	[tilespmem:s29+$0xF6C0] =	vst v2  }
0xd6: {  	v2 =	vld [tilespmem:s31+$0x5520];
	[tilespmem:s29+$0xF6D0] =	vst v3  }
0xd7: {  	v3 =	vld [tilespmem:s31+$0x5530];
	[tilespmem:s29+$0xF6E0] =	vst v4  }
0xd8: {  	v4 =	vld [tilespmem:s31+$0x5540];
	[tilespmem:s31+$0xF6F0] =	vst v5  }
0xd9: {  	v38 =	vld [tilespmem:s31+$0x5550];
	[tilespmem:s31+$0xF500] =	vst v0  }
0xda: {  	v39 =	vld [tilespmem:s31+$0x5560];
	[tilespmem:s31+$0xF510] =	vst v1  }
0xdb: {  	v40 =	vld [tilespmem:s31+$0x5570];
	[tilespmem:s31+$0xF520] =	vst v2  }
0xdc: {  	v41 =	vld [tilespmem:s31+$0x5580];
	[tilespmem:s31+$0xF530] =	vst v3  }
0xdd: {  	v42 =	vld [tilespmem:s31+$0x5590];
	[tilespmem:s31+$0xF540] =	vst v4  }
0xde: {  	v43 =	vld [tilespmem:s31+$0x55A0];
	[tilespmem:s31+$0xF550] =	vst v38  }
0xdf: {  	v44 =	vld [tilespmem:s31+$0x55B0];
	[tilespmem:s31+$0xF560] =	vst v39  }
0xe0: {  	v45 =	vld [tilespmem:s31+$0x55C0];
	[tilespmem:s31+$0xF570] =	vst v40  }
0xe1: {  	v46 =	vld [tilespmem:s31+$0x55D0];
	[tilespmem:s31+$0xF580] =	vst v41  }
0xe2: {  	v47 =	vld [tilespmem:s31+$0x55E0];
	[tilespmem:s31+$0xF590] =	vst v42  }
0xe3: {  	v48 =	vld [tilespmem:s31+$0x55F0];
	[tilespmem:s31+$0xF5A0] =	vst v43  }
0xe4: {  	v49 =	vld [tilespmem:s31+$0x5600];
	[tilespmem:s31+$0xF5B0] =	vst v44  }
0xe5: {  	v50 =	vld [tilespmem:s31+$0x5610];
	[tilespmem:s31+$0xF5C0] =	vst v45  }
0xe6: {  	v51 =	vld [tilespmem:s31+$0x5620];
	[tilespmem:s31+$0xF5D0] =	vst v46  }
0xe7: {  	v52 =	vld [tilespmem:s31+$0x5630];
	[tilespmem:s31+$0xF5E0] =	vst v47  }
0xe8: {  	v53 =	vld [tilespmem:s31+$0x5640];
	[tilespmem:s31+$0xF5F0] =	vst v48  }
0xe9: {  	v54 =	vld [tilespmem:s31+$0x5650];
	[tilespmem:s31+$0xF600] =	vst v49  }
0xea: {  	v55 =	vld [tilespmem:s31+$0x5660];
	[tilespmem:s31+$0xF610] =	vst v50  }
0xeb: {  	v56 =	vld [tilespmem:s31+$0x5670];
	[tilespmem:s31+$0xF620] =	vst v51  }
0xec: {  	v57 =	vld [tilespmem:s31+$0x5680];
	[tilespmem:s31+$0xF630] =	vst v52  }
0xed: {  	v58 =	vld [tilespmem:s31+$0x5690];
	[tilespmem:s31+$0xF640] =	vst v53  }
0xee: {  	v59 =	vld [tilespmem:s31+$0x56A0];
	[tilespmem:s31+$0xF650] =	vst v54  }
0xef: {  	v60 =	vld [tilespmem:s31+$0x56B0];
	[tilespmem:s31+$0xF660] =	vst v55  }
0xf0: {  	v61 =	vld [tilespmem:s31+$0x56C0];
	[tilespmem:s31+$0xF670] =	vst v56  }
0xf1: {  	v62 =	vld [tilespmem:s31+$0x56D0];
	[tilespmem:s31+$0xF680] =	vst v57  }
0xf2: {  	v63 =	vld [tilespmem:s31+$0x56E0];
	[tilespmem:s31+$0xF690] =	vst v58  }
0xf3: {  	[tilespmem:s31+$0xF6A0] =	vst v59  }
0xf4: {  	[tilespmem:s31+$0xF6B0] =	vst v60  }
0xf5: {  	s26 =	sadd.s32 @!p0 s26, s10;
	[tilespmem:s31+$0xF6C0] =	vst v61  }
0xf6: {  	s30 =	simm.s32 @!p0 $0x280;
	s26 =	sshrl.u32 @!p0 s26, $0x3;
	[tilespmem:s31+$0xF6D0] =	vst v62  }
0xf7: {  	s25 =	sadd.s32 $0x1, s25;
	s26 =	sadd.s32 @!p0 s4, s26;
	s29 =	simm.s32 @!p0 $0x0;
	[tilespmem:s31+$0xF6E0] =	vst v63  }
0xf8: {  	[tilespmem:s30], [sflag:$0x2] =	stream.linear.gather @!p0 [hbm4b:s26+s29], $0x280, $0x38;
	[tilespmem:$0x14500] =	vst v63  }
0xf9: {  	p0 =	sne.s32 s25, $0xF  }
.Ltmp2:
0xfa: {  	s31 =	sadd.s32 s28, s11;
	(pc) =	sbr.rel @p0 .LBB2_2-.Ltmp2, $4  }
0xfb: {  	s26 =	sshll.u32 s31, $0x4  }
0xfc: {  	s26 =	sand.u32 $0x1FFFFE00, s26  }
0xfd: {  	s26 =	sadd.s32 s2, s26  }
0xfe: {  	[hbm4b:s26+s3] =	stream.linear.scatter [tilespmem:s21], [sflag:$0x6], $0x5000, $0x38;
	[tilespmem:$0x14500] =	vst v63  }
0xff: {  	s24 =	sadd.s32 $0x1, s24  }
0x100: {  	_ =	swait.ge [sflag:s22], $0x5000;
	p0 =	sne.s32 s24, s12  }
.Ltmp3:
0x101: {  	[sflag:s22] =	ssyncset.done $0x0;
	(pc) =	sbr.rel @p0 .LBB2_1-.Ltmp3, $4  }
0x102: {  	[sflag:s22] =	ssyncadd.s32 $0xFFFFB000  }
0x103: {  	_ =	swait.ge [sflag:s23], $0x5000  }
0x104: {  	[sflag:s23] =	ssyncset.done $0x0  }
0x105: {  	[sflag:s23] =	ssyncadd.s32 $0xFFFFB000  }
0x106: {  	_ =	sfence.sel $0x180000  }
0x107: {  	[bflag:$0x0] =	sbarrier.arrive $0xFFFF  }
0x108: {  	p0 =	sne.s32 s0, $0x0;
	_ =	strace $0x90000047  }
0x109: {  	s0 =	sadd.s32 @!p0 $0x100000, s1;
	[bflag:$0x2] =	sbarrier.arrive $0xFFFF  }
0x10a: {  	[sflag:s0] =	ssyncadd.tile.s32 @!p0 $0x1;
	_ =	shalt  }
.Lfunc_end2:
_tile_overlayer_lowered:
.L_overlay_start_2:
0x10b: {  	(tag) =	ssettag $0x2  }
0x10c: {  	s0 =	rddreg [dreg:$0x0];
	s2 =	stileid.u32  }
0x10d: {  	s1 =	rddreg [dreg:$0x1];
	p0 =	sne.s32 s2, $0x0  }
0x10e: {  	s3 =	rddreg [dreg:$0x2];
	[bflag:$0x3] =	sbarrier.arrive $0xFFFF;
	s2 =	simm.s32 @!p0 $0x1C07  }
0x10f: {  	[timem:s3], [sflag:s2] =	dma.local @!p0 [hbm:s0], s1  }
0x110: {  	s0 =	simm.s32 @!p0 $0x7  }
0x111: {  	_ =	swait.ge @!p0 [sflag:s0], s1  }
0x112: {  	s1 =	ssub.s32 @!p0 $0x0, s1;
	[sflag:s0] =	ssyncset.done @!p0 $0x0  }
0x113: {  	[sflag:s0] =	ssyncadd.s32 @!p0 s1  }
0x114: {  	[bflag:$0x3] =	sbarrier.arrive $0xFFFF  }
0x115: {  	_ =	shalt  }

// kernel: sparse-core-data-format-call.cloned.1.call-start
scs
called_computation_lowered:
.L_overlay_start_0:
0x0: {  	s2 =	sld [smem:$0x3FD9]  }
0x1: {  	s3 =	sld [smem:$0x3FFE];
	_ =	sdelay $0x1  }
0x2: {  	s1 =	srdreg.scid  }
0x3: {  	s0 =	sand.u32 $0x1, s1  }
0x4: {  	s18 =	sshll.u32 s0, $0xA;
	s2 =	sadd.s32 s3, s2  }
0x5: {  	s2 =	sadd.s32 s2, s18  }
0x6: {  	[smem:$0x3FC6] =	sst s2  }
0x7: {  	_ = 	snop  }
0x8: {  	(tm) =	ssettm $0x1  }
0x9: {  	s19 =	sld [smem:$0x3FFB];
	_ =	sdelay $0x3  }
0xa: {  	_ =	strace s19  }
0xb: {  	s2 =	sld [smem:$0x3FFC];
	_ =	sdelay $0x3  }
0xc: {  	_ =	strace s2  }
0xd: {  	s2 =	sld [smem:$0x3FFD];
	_ =	sdelay $0x3  }
0xe: {  	_ =	strace s2  }
0xf: {  	_ =	strace $0x8FFFFFFF  }
0x10: {  	s20 =	sld [smem:$0x3FDB];
	_ =	sdelay $0x1  }
0x11: {  	s21 =	simm.s32 $_scs_section_size  }
0x12: {  	s4 =	simm.s32 $_size__tile_overlayer_lowered;
	s5 =	simm.s32 $_tile_overlayer_lowered  }
0x13: {  	s6 =	simm.s32 $0x1BFF;
	s22 =	sshll.u32 s5, $0x1;
	s3 =	sadd.s32 s21, s20  }
0x14: {  	s23 =	simm.s32 $0x0;
	s4 =	sshll.u32 s4, $0x1;
	s5 =	sadd.s32 s22, s3  }
0x15: {  	[timem:s23], [sflag:s6] =	dma.local [hbm:s5], s4  }
0x16: {  	_ =	swait.ge [sflag:s6], s4  }
0x17: {  	s4 =	ssub.s32 $0x0, s4;
	[sflag:s6] =	ssyncset.done $0x0  }
0x18: {  	[sflag:s6] =	ssyncadd.s32 s4;
	_ =	sdelay $0x1  }
0x19: {  	s24 =	simm.s32 $0x1B8B  }
0x1a: {  	_ =	swait.ge [sflag:s24], $0x1  }
0x1b: {  	[sflag:s24] =	ssyncset.done $0x0  }
0x1c: {  	[sflag:s24] =	ssyncadd.s32 $0xFFFFFFFF  }
0x1d: {  	s4 =	sld [smem:$0x0]  }
0x1e: {  	s5 =	sand.u32 $0xFFFFFFFE, s1  }
0x1f: {  	p0 =	sne.s32 s1, s5  }
0x20: {  	s5 =	sshll.u32 @p0 s5, $0xE  }
0x21: {  	s5 =	sadd.s32 @p0 $0x11B8D, s5;
	s6 =	sshll.u32 @p0 s4, $0x11  }
0x22: {  	s5 =	sor.u32 @p0 s6, s5  }
0x23: {  	[sflag:s5] =	ssyncadd.remote.s32 @p0 $0x1;
	_ =	sdelay $0x1  }
0x24: {  	s5 =	simm.s32 @p0 $0x1B8D  }
0x25: {  	_ =	swait.eq @p0 [sflag:s5], $0x1  }
0x26: {  	[sflag:s5] =	ssyncadd.s32 @p0 $0xFFFFFFFF  }
0x27: {  	s6 =	sshll.u32 @!p0 s1, $0xE  }
0x28: {  	s6 =	sor.u32 @!p0 $0x4000, s6;
	s5 =	simm.s32 @!p0 $0x1B8D  }
0x29: {  	s4 =	sshll.u32 @!p0 s4, $0x11;
	s6 =	sadd.s32 @!p0 $0x11B8D, s6;
	_ =	swait.eq @!p0 [sflag:s5], $0x1  }
0x2a: {  	s4 =	sor.u32 @!p0 s4, s6;
	[sflag:s5] =	ssyncadd.s32 @!p0 $0xFFFFFFFF  }
0x2b: {  	s26 =	simm.s32 $0x1B8E;
	s25 =	sld [smem:$0x3FFE];
	[sflag:s4] =	ssyncadd.remote.s32 @!p0 $0x1  }
0x2c: {  	s27 =	simm.s32 $execute0_lowered;
	[smem:$0x3FD2] =	sst s26  }
0x2d: {  	s5 =	sshll.u32 s27, $0x1;
	_ =	strace $0x8000004C;
	[dreg:$0x1] =	wrdreg $0xFFFFFFFF  }
0x2e: {  	s28 =	simm.s32 $_size_execute0_lowered;
	s3 =	sadd.s32 s3, s5;
	[dreg:$0x0] =	wrdreg $0x0  }
0x2f: {  	s5 =	sshll.u32 s28, $0x1;
	[dreg:$0x2] =	wrdreg s3  }
0x30: {  	[dreg:$0x3] =	wrdreg s5  }
0x31: {  	[dreg:$0x4] =	wrdreg $0xC0  }
0x32: {  	_ =	task [dreg:s23], $0x5FFFF  }
0x33: {  	[dreg:$0x1] =	wrdreg $0xFFFFFFFF  }
0x34: {  	[dreg:$0x0] =	wrdreg $0x60  }
0x35: {  	[dreg:$0x2] =	wrdreg s25  }
0x36: {  	[dreg:$0x3] =	wrdreg $0xA  }
0x37: {  	_ =	task.clear_ibuf [dreg:s23], $0x4FFFF;
	_ =	strace $0x9000004C  }
0x38: {  	s29 =	simm.s32 $0xA;
	_ =	strace $0x8000004E  }
0x39: {  	_ =	swait.ge [sflag:s29], $0x1  }
0x3a: {  	[sflag:s29] =	ssyncadd.s32 $0xFFFFFFFF  }
0x3b: {  	_ =	strace $0x9000004E  }
0x3c: {  	_ =	sfence  }
0x3d: {  	s30 =	sld [smem:$0x0];
	_ =	sdelay $0x2  }
0x3e: {  	s31 =	sshll.u32 s1, $0xD;
	s1 =	sshrl.u32 s1, $0x2  }
0x3f: {  	s4 =	sand.u32 $0x4000, s31;
	s1 =	sadd.s32 s1, s30  }
0x40: {  	s0 =	sor.u32 s4, s0;
	s1 =	sshll.u32 s1, $0x11  }
0x41: {  	s0 =	sor.u32 s1, s0  }
0x42: {  	s0 =	sadd.s32 $0x8F2B, s0  }
0x43: {  	[sflag:s0] =	ssyncadd.remote.s32 $0x1  }
0x44: {  	_ =	sfence.sel $0xFFFF  }
0x45: {  	[dreg:$0x0] =	wrdreg $0xFFFFFFFF;
	(pc) =	sbr.abs _section_cstart, $3  }
0x46: {  	[dreg:$0x1] =	wrdreg $0xFFFFFFFF  }
0x47: {  	_ =	task.clear_ibuf [dreg:s23], $0x2FFFF;
	_ =	strace $0x9FFFFFFF  }
0x48: {  	(tm) =	ssettm $0x7FFFFFFF  }
0x49: {  	_ =	shalt  }
tec
execute0_lowered:
.L_overlay_start_1:
0x0: {  	(tag) =	ssettag $0x1  }
0x1: {  	s0 =	srdreg.scid;
	s6 =	rddreg [dreg:$0x0]  }
0x2: {  	s7 =	simm.s32 $0x2;
	s12 =	simm.s32 $0x0;
	s1 =	sshll.u32 s0, $0x4  }
0x3: {  	p0 =	por $0x0, $0x0;
	s0 =	stileid.u32;
	s1 =	sand.u32 $0x10, s1  }
0x4: {  	s8 =	simm.s32 $0x6000;
	s13 =	simm.s32 $0x0;
	s2 =	sor.u32 s0, s1  }
.Ltmp0:
0x5: {  	s10 =	simm.s32 $0x0;
	s3 =	ssub.s32 $0xE7, s2;
	(pc) =	sbr.rel .LBB1_1-.Ltmp0, $4  }
0x6: {  	s11 =	simm.s32 $0x0;
	s1 =	rddreg [dreg:$0x1];
	s4 =	sshrl.u32 s3, $0x5  }
0x7: {  	_ =	strace $0x8000004D;
	s3 =	simm.s32 $0x1;
	s4 =	smul.u32 $0x18, s4  }
0x8: {  	s5 =	sadd.s32 $0xE2400, s6;
	s6 =	sadd.s32 $0xA42400, s6;
	[sflag:s3] =	ssyncpa.u1 $0x0  }
0x9: {  	s9 =	smov.u32 s2;
	[sflag:s7] =	ssyncpa.u1 $0x0;
	s7 =	sor.u32 $0x1, s4  }
.LBB1_4:
0xa: {  	s16 =	sshll.u32 s13, $0x3  }
0xb: {  	s29 =	sand.u32 $0x7F, s13;
	s17 =	sand.u32 $0xFFFFFC00, s16  }
0xc: {  	s13 =	sor.u32 s29, s17  }
0xd: {  	s17 =	smulhi.u32 $0xAAAAAAAB, s13  }
0xe: {  	s16 =	smulhi.u32 $0xAAAAAAAB, s16  }
0xf: {  	s17 =	sshrl.u32 s17, $0xB  }
0x10: {  	s16 =	sshrl.u32 s16, $0xB;
	s17 =	smul.u32 $0xC00, s17  }
0x11: {  	s12 =	smul.u32 $0x3000, s12;
	s16 =	sand.u32 $0x1F, s16  }
0x12: {  	s16 =	smul.u32 $0x180, s16;
	s13 =	ssub.s32 s13, s17  }
0x13: {  	s12 =	sadd.s32 s6, s12;
	s17 =	sand.u32 $0x7, s13  }
0x14: {  	s12 =	sadd.s32 s16, s12;
	s13 =	sshrl.u32 s13, $0x3;
	s30 =	sshll.u32 s17, $0x12  }
0x15: {  	[tilespmem:s15+$0x0 ss:$0x81] =	vst.msk $0xffff, v0;
	s12 =	sadd.s32 s13, s12;
	s31 =	sor.u32 $0x400, s30  }
0x16: {  	[hbm4b:s12+s31] =	stream.strided.scatter [tilespmem:s14], [sflag:$0x2], $0x1000, s8, s31, $0x20;
	[tilespmem:$0x4040] =	vst v63  }
.LBB1_5:
0x17: {  	s14 =	sadd.s32 $0x20, s9  }
0x18: {  	s12 =	sadd.s32 $0x80, s10;
	s16 =	smov.u32 s10;
	p2 =	sgt.s32 s14, $0xC7  }
0x19: {  	s16 =	smov.u32 @p2 s12  }
0x1a: {  	s14 =	smov.u32 @p2 s2;
	p2 =	sgt.s32 s16, $0xBFF  }
0x1b: {  	s16 =	simm.s32 @p2 $0x0;
	p2 =	sne.s32 s11, s7  }
.Ltmp1:
0x1c: {  	p1 =	slt.u32 s11, $0x2;
	(pc) =	sbr.rel @!p2 .LBB1_6-.Ltmp1, $4  }
0x1d: {  	s15 =	simm.s32 @!p1 $0x2  }
0x1e: {  	s13 =	smov.u32 s10;
	p0 =	por !p0, !p0;
	_ =	swait.ge @!p1 [sflag:s15], $0x1000  }
0x1f: {  	s12 =	smov.u32 s9;
	[sflag:s15] =	ssyncset.done @!p1 $0x0;
	s9 =	smov.u32 s14  }
0x20: {  	s11 =	sadd.s32 $0x1, s11;
	[sflag:s15] =	ssyncadd.s32 @!p1 $0xFFFFF000;
	s10 =	smov.u32 s16  }
.LBB1_1:
0x21: {  	p1 =	sge.u32 s11, s4  }
0x22: {  	s14 =	sand.u32 @!p1 $0x1FFFFFF, s9  }
0x23: {  	s15 =	smulhi.u32 @!p1 $0x147AE15, s14;
	_ =	sdelay $0x1  }
0x24: {  	s15 =	smul.u32 @!p1 $0xC8, s15  }
0x25: {  	s16 =	sxor.u32 @!p1 $0xFFFFFFFF, s11;
	s17 =	smul.u32 @!p1 $0xC80, s10  }
0x26: {  	s31 =	sadd.s32 $0xFFFFFFFF, s11;
	s16 =	sshll.u32 @!p1 s16, $0xC;
	s14 =	ssub.s32 @!p1 s14, s15  }
0x27: {  	s15 =	sand.u32 @!p1 $0x1000, s16;
	s16 =	sadd.s32 @!p1 s5, s17;
	s14 =	sshll.u32 @!p1 s14, $0x4  }
0x28: {  	s17 =	simm.s32 @!p1 $0x6400;
	s14 =	sadd.s32 @!p1 s14, s16;
	s16 =	simm.s32 @!p1 $0x20  }
0x29: {  	[tilespmem:s15], [sflag:$0x1] =	stream.strided.gather @!p1 [hbm4b:s14+s16], $0x1000, s17, s16, $0x38;
	[tilespmem:$0x4040] =	vst v63  }
0x2a: {  	p1 =	sge.u32 s31, s4  }
.Ltmp2:
0x2b: {  	_ = 	snop;
	(pc) =	sbr.rel @p1 .LBB1_5-.Ltmp2, $1  }
0x2c: {  	_ =	sdelay $0x3  }
0x2d: {  	s14 =	simm.s32 $0x1  }
0x2e: {  	_ =	swait.ge [sflag:s3], $0x1000;
	s14 =	simm.s32 @!p0 $0x0  }
0x2f: {  	[sflag:s3] =	ssyncset.done $0x0;
	s15 =	sshll.u32 s14, $0xC  }
0x30: {  	[sflag:s3] =	ssyncadd.s32 $0xFFFFF000;
	s18 =	sor.u32 $0x10, s15  }
0x31: {  	s14 =	smul.u32 $0x4080, s14;
	v1 =	vld [tilespmem:s18+$0x0]  }
0x32: {  	s30 =	sand.u32 $0x1, s11;
	v0 =	vld [tilespmem:s18+$0xFFFFFFF0]  }
0x33: {  	s15 =	smul.u32 $0x4080, s30;
	s14 =	sshrl.u32 s14, $0x2  }
0x34: {  	s16 =	sor.u32 $0x2000, s14  }
0x35: {  	s31 =	sshrl.u32 s15, $0x2;
	s15 =	sadd.s32 $0x0, s16  }
0x36: {  	s17 =	simm.s32 $0x4;
	s18 =	sadd.s32 $0x20, s18;
	s14 =	sor.u32 $0x2000, s31;
	[tilespmem:s15+$0x810 ss:$0x81] =	vst.msk $0xffff, v1  }
.LBB1_3:
0x37: {  	v1 =	vld [tilespmem:s18+$0x0];
	p1 =	sne.s32 s17, $0x1FC;
	[tilespmem:s15+$0x0 ss:$0x81] =	vst.msk $0xffff, v0;
	s15 =	smov.u32 s17;
	s17 =	sadd.s32 $0x4, s17  }
.Ltmp3:
0x38: {  	v0 =	vld [tilespmem:s18+$0xFFFFFFF0];
	(pc) =	sbr.rel @p1 .LBB1_3-.Ltmp3, $4  }
0x39: {  	_ = 	snop  }
0x3a: {  	s15 =	sshra.s32 s15, $0x2  }
0x3b: {  	s15 =	sadd.s32 s15, s16  }
0x3c: {  	s18 =	sadd.s32 $0x20, s18;
	[tilespmem:s15+$0x810 ss:$0x81] =	vst.msk $0xffff, v1  }
.Ltmp4:
0x3d: {  	_ = 	snop;
	(pc) =	sbr.rel .LBB1_4-.Ltmp4, $1  }
0x3e: {  	_ =	sdelay $0x3  }
.LBB1_6:
0x3f: {  	_ =	sfence.sel $0x180000  }
0x40: {  	s2 =	simm.s32 $0x1;
	[bflag:$0x0] =	sbarrier.arrive $0xFFFF  }
0x41: {  	s31 =	simm.s32 $0x2;
	[sflag:s2] =	ssyncpa.u1 $0x1  }
0x42: {  	[sflag:s31] =	ssyncpa.u1 $0x1  }
0x43: {  	p0 =	sne.s32 s0, $0x0;
	_ =	strace $0x9000004D  }
0x44: {  	s0 =	sadd.s32 @!p0 $0x100000, s1;
	[bflag:$0x2] =	sbarrier.arrive $0xFFFF  }
0x45: {  	[sflag:s0] =	ssyncadd.tile.s32 @!p0 $0x1;
	_ =	shalt  }
.Lfunc_end1:
_tile_overlayer_lowered:
.L_overlay_start_2:
0x46: {  	(tag) =	ssettag $0x2  }
0x47: {  	s0 =	rddreg [dreg:$0x0];
	s2 =	stileid.u32  }
0x48: {  	s1 =	rddreg [dreg:$0x1];
	p0 =	sne.s32 s2, $0x0  }
0x49: {  	s3 =	rddreg [dreg:$0x2];
	[bflag:$0x3] =	sbarrier.arrive $0xFFFF;
	s2 =	simm.s32 @!p0 $0x1C01  }
0x4a: {  	[timem:s3], [sflag:s2] =	dma.local @!p0 [hbm:s0], s1  }
0x4b: {  	s0 =	simm.s32 @!p0 $0x1  }
0x4c: {  	_ =	swait.ge @!p0 [sflag:s0], s1  }
0x4d: {  	s1 =	ssub.s32 @!p0 $0x0, s1;
	[sflag:s0] =	ssyncset.done @!p0 $0x0  }
0x4e: {  	[sflag:s0] =	ssyncadd.s32 @!p0 s1  }
0x4f: {  	[bflag:$0x3] =	sbarrier.arrive $0xFFFF  }
0x50: {  	_ =	shalt  }

</sc_bundles>
